<compile_context>
chip_gen: v7x
topology: tpu7x:2x2x1
jax: 0.10.2.dev20260603
libtpu: 0.0.44.dev20260713+nightly
codegen_flags: <defaults>
</compile_context>

<pallas_src>
import functools

import jax
import jax.numpy as jnp
from jax import lax
from jax.experimental import pallas as pl
from jax.experimental.pallas import tpu as pltpu
from jax.experimental.pallas import tpu_sc as plsc

N_NODES = 10000
N_EDGES = 320000
D_IN = 128
D_HID = 64
N_CLASSES = 10
NUM_GRAPHS = 64

NC = 2
NS = 16
NW = NC * NS

CHUNK = 128
N_PAD = 10240
E_PAD = 327680
NCH = E_PAD // (NW * CHUNK)
ROWS_T = N_PAD // NS
DEG_W = 16

MSG_DT = jnp.bfloat16

BLK = 2000
NBLK = N_NODES // BLK

_mesh = plsc.VectorSubcoreMesh(
    core_axis_name="c", subcore_axis_name="s", num_cores=NC, num_subcores=NS)



@functools.partial(
    pl.kernel,
    out_type=jax.ShapeDtypeStruct((NC, N_PAD, DEG_W), jnp.float32),
    mesh=_mesh,
    scratch_types=[
        pltpu.VMEM((NCH, CHUNK), jnp.int32),
        pltpu.VMEM((CHUNK, DEG_W), jnp.float32),
        pltpu.VMEM_SHARED((N_PAD, DEG_W), jnp.float32),
    ],
    compiler_params=pltpu.CompilerParams(use_tc_tiling_on_sc=False),
)
def _sc_degree(dst3, zeros_deg, ones_rows, out, didx, ones_v, acc):
    c = lax.axis_index("c")
    s = lax.axis_index("s")
    wid = s * NC + c
    pltpu.sync_copy(zeros_deg.at[pl.ds(s * ROWS_T, ROWS_T)],
                    acc.at[pl.ds(s * ROWS_T, ROWS_T)])
    pltpu.sync_copy(ones_rows, ones_v)
    pltpu.sync_copy(dst3.at[wid], didx)
    plsc.subcore_barrier()

    @pl.loop(0, NCH)
    def _chunk(j):
        pltpu.sync_copy(ones_v, acc.at[didx.at[j]], add=True)

    plsc.subcore_barrier()
    pltpu.sync_copy(acc.at[pl.ds(s * ROWS_T, ROWS_T)],
                    out.at[c, pl.ds(s * ROWS_T, ROWS_T)])


@functools.partial(
    pl.kernel,
    out_type=jax.ShapeDtypeStruct((NC, N_PAD, D_HID), MSG_DT),
    mesh=_mesh,
    scratch_types=[
        pltpu.VMEM((NCH, CHUNK), jnp.int32),
        pltpu.VMEM((NCH, CHUNK), jnp.int32),
        [pltpu.VMEM((CHUNK, D_HID), MSG_DT) for _ in range(6)],
        [pltpu.SemaphoreType.DMA for _ in range(6)],
        [pltpu.SemaphoreType.DMA for _ in range(6)],
        pltpu.VMEM_SHARED((N_PAD, D_HID), MSG_DT),
        pltpu.VMEM_SHARED((N_NODES, D_HID), MSG_DT),
    ],
    compiler_params=pltpu.CompilerParams(use_tc_tiling_on_sc=False),
)
def _sc_aggregate(src3, dst3, table, zeros_tab, out, sidx, didx, rows, gsem,
                  ssem, acc, tab_sp):
    c = lax.axis_index("c")
    s = lax.axis_index("s")
    wid = s * NC + c
    TROWS = N_NODES // NS
    pltpu.sync_copy(table.at[pl.ds(s * TROWS, TROWS)],
                    tab_sp.at[pl.ds(s * TROWS, TROWS)])
    pltpu.sync_copy(zeros_tab.at[pl.ds(s * ROWS_T, ROWS_T)],
                    acc.at[pl.ds(s * ROWS_T, ROWS_T)])
    pltpu.sync_copy(src3.at[wid], sidx)
    pltpu.sync_copy(dst3.at[wid], didx)
    plsc.subcore_barrier()

    NB = 6
    for b in range(4):
        pltpu.async_copy(tab_sp.at[sidx.at[b]], rows[b], gsem[b])

    @pl.loop(0, NCH, step=2)
    def _chunk(j):
        for u in range(2):
            jj = j + u
            b = jax.lax.rem(jj, NB)
            for bb in range(NB):
                @pl.when(b == bb)
                def _body(bb=bb, jj=jj):
                    pltpu.make_async_copy(table, rows[bb], gsem[bb]).wait()
                    pltpu.async_copy(rows[bb], acc.at[didx.at[jj]], ssem[bb],
                                     add=True)
                    k = jj + 4
                    kb = (bb + 4) % NB

                    @pl.when(jj >= 2)
                    def _wait_prev():
                        pltpu.make_async_copy(table, rows[kb],
                                              ssem[kb]).wait()

                    @pl.when(k < NCH)
                    def _issue():
                        pltpu.async_copy(tab_sp.at[sidx.at[k]], rows[kb],
                                         gsem[kb])

    for jj in (NCH - 2, NCH - 1):
        pltpu.make_async_copy(table, rows[jj % NB], ssem[jj % NB]).wait()

    plsc.subcore_barrier()
    pltpu.sync_copy(acc.at[pl.ds(s * ROWS_T, ROWS_T)],
                    out.at[c, pl.ds(s * ROWS_T, ROWS_T)])


TROWS = N_NODES // NS


@functools.partial(
    pl.kernel,
    out_type=jax.ShapeDtypeStruct((NC, N_PAD, D_HID), MSG_DT),
    mesh=_mesh,
    scratch_types=[
        pltpu.VMEM((NCH, CHUNK), jnp.int32),
        pltpu.VMEM((NCH, CHUNK), jnp.int32),
        [pltpu.VMEM((CHUNK, D_HID), MSG_DT) for _ in range(6)],
        [pltpu.SemaphoreType.DMA for _ in range(6)],
        [pltpu.SemaphoreType.DMA for _ in range(6)],
        pltpu.VMEM_SHARED((N_PAD, D_HID), MSG_DT),
        pltpu.VMEM_SHARED((N_NODES, D_HID), MSG_DT),
        pltpu.VMEM((TROWS, D_HID), MSG_DT),
        pltpu.VMEM((TROWS, DEG_W), jnp.float32),
        pltpu.VMEM((TROWS, DEG_W), jnp.float32),
    ],
    compiler_params=pltpu.CompilerParams(use_tc_tiling_on_sc=False,
                                         needs_layout_passes=False),
)
def _sc_aggregate_scaled(src3, dst3, table, zeros_tab, degp, out, sidx, didx,
                         rows, gsem, ssem, acc, tab_sp, tabv, d0v, d1v):
    c = lax.axis_index("c")
    s = lax.axis_index("s")
    wid = s * NC + c
    pltpu.sync_copy(table.at[pl.ds(s * TROWS, TROWS)], tabv)
    pltpu.sync_copy(degp.at[0, pl.ds(s * TROWS, TROWS)], d0v)
    pltpu.sync_copy(degp.at[1, pl.ds(s * TROWS, TROWS)], d1v)
    pltpu.sync_copy(zeros_tab.at[pl.ds(s * ROWS_T, ROWS_T)],
                    acc.at[pl.ds(s * ROWS_T, ROWS_T)])
    pltpu.sync_copy(src3.at[wid], sidx)
    pltpu.sync_copy(dst3.at[wid], didx)

    @plsc.parallel_loop(0, TROWS, unroll=25)
    def _row(r):
        d = d0v[r, :] + d1v[r, :] + 1.0
        i = plsc.bitcast(d, jnp.int32)
        i = jnp.int32(0x5F3759DF) - (i >> 1)
        y = plsc.bitcast(i, jnp.float32)
        for _ in range(3):
            y = y * (1.5 - 0.5 * d * y * y)
        yb = plsc.pack(y, y, format=plsc.PackFormat.INTERLEAVED)
        for h in range(2):
            t = tabv[r, pl.ds(h * 32, 32)]
            tabv[r, pl.ds(h * 32, 32)] = t * yb

    pltpu.sync_copy(tabv, tab_sp.at[pl.ds(s * TROWS, TROWS)])
    plsc.subcore_barrier()

    NB = 6
    for b in range(4):
        pltpu.async_copy(tab_sp.at[sidx.at[b]], rows[b], gsem[b])

    @pl.loop(0, NCH, step=2)
    def _chunk(j):
        for u in range(2):
            jj = j + u
            b = jax.lax.rem(jj, NB)
            for bb in range(NB):
                @pl.when(b == bb)
                def _body(bb=bb, jj=jj):
                    pltpu.make_async_copy(table, rows[bb], gsem[bb]).wait()
                    pltpu.async_copy(rows[bb], acc.at[didx.at[jj]], ssem[bb],
                                     add=True)
                    k = jj + 4
                    kb = (bb + 4) % NB

                    @pl.when(jj >= 2)
                    def _wait_prev():
                        pltpu.make_async_copy(table, rows[kb],
                                              ssem[kb]).wait()

                    @pl.when(k < NCH)
                    def _issue():
                        pltpu.async_copy(tab_sp.at[sidx.at[k]], rows[kb],
                                         gsem[kb])

    for jj in (NCH - 2, NCH - 1):
        pltpu.make_async_copy(table, rows[jj % NB], ssem[jj % NB]).wait()

    plsc.subcore_barrier()
    pltpu.sync_copy(acc.at[pl.ds(s * ROWS_T, ROWS_T)],
                    out.at[c, pl.ds(s * ROWS_T, ROWS_T)])



def _tc1_body(x_ref, w1_ref, h1_ref):
    h1 = jnp.dot(x_ref[...], w1_ref[...], preferred_element_type=jnp.float32)
    h1_ref[...] = h1.astype(MSG_DT)


def _tc1(x, W1):
    return pl.pallas_call(
        _tc1_body,
        grid=(NBLK,),
        in_specs=[
            pl.BlockSpec((BLK, D_IN), lambda i: (i, 0)),
            pl.BlockSpec((D_IN, D_HID), lambda i: (0, 0)),
        ],
        out_specs=pl.BlockSpec((BLK, D_HID), lambda i: (i, 0)),
        out_shape=jax.ShapeDtypeStruct((N_NODES, D_HID), MSG_DT),
    )(x, W1)


def _tc2_body(aggp_ref, degp_ref, h1_ref, w2_ref, b1_ref, ht2_ref):
    deg = degp_ref[0, :, 0] + degp_ref[1, :, 0] + 1.0
    dinv = lax.rsqrt(deg)[:, None]
    agg = (aggp_ref[0].astype(jnp.float32) +
           aggp_ref[1].astype(jnp.float32))
    h1 = h1_ref[...].astype(jnp.float32)
    out1 = jnp.maximum(dinv * agg + dinv * dinv * h1 + b1_ref[...], 0.0)
    h2 = jnp.dot(out1, w2_ref[...], preferred_element_type=jnp.float32)
    ht2_ref[...] = (dinv * h2).astype(MSG_DT)


def _tc2(aggp, degp, h1, W2, b1):
    return pl.pallas_call(
        _tc2_body,
        grid=(NBLK,),
        in_specs=[
            pl.BlockSpec((NC, BLK, D_HID), lambda i: (0, i, 0)),
            pl.BlockSpec((NC, BLK, DEG_W), lambda i: (0, i, 0)),
            pl.BlockSpec((BLK, D_HID), lambda i: (i, 0)),
            pl.BlockSpec((D_HID, D_HID), lambda i: (0, 0)),
            pl.BlockSpec((D_HID,), lambda i: (0,)),
        ],
        out_specs=pl.BlockSpec((BLK, D_HID), lambda i: (i, 0)),
        out_shape=jax.ShapeDtypeStruct((N_NODES, D_HID), MSG_DT),
    )(aggp, degp, h1, W2, b1)


def _tc3_body(aggp_ref, degp_ref, ht2_ref, b2_ref, batch_ref, wfc_ref,
              bfc_ref, out_ref, pooled_acc, cnt_acc):
    i = pl.program_id(0)
    deg = degp_ref[0, :, 0] + degp_ref[1, :, 0] + 1.0
    dinv = lax.rsqrt(deg)[:, None]
    agg = (aggp_ref[0].astype(jnp.float32) +
           aggp_ref[1].astype(jnp.float32))
    ht2 = ht2_ref[...].astype(jnp.float32)
    out2 = jnp.maximum(dinv * agg + dinv * ht2 + b2_ref[...], 0.0)
    g = batch_ref[0, 0, :]
    onehot = (g[:, None] == lax.broadcasted_iota(jnp.int32, (BLK, NUM_GRAPHS),
                                                 1)).astype(jnp.float32)
    blk_pooled = lax.dot_general(onehot, out2, (((0,), (0,)), ((), ())),
                                 preferred_element_type=jnp.float32)
    blk_cnt = jnp.sum(onehot, axis=0)[None, :]

    @pl.when(i == 0)
    def _init():
        pooled_acc[...] = jnp.zeros_like(pooled_acc)
        cnt_acc[...] = jnp.zeros_like(cnt_acc)

    pooled_acc[...] += blk_pooled
    cnt_acc[...] += blk_cnt

    @pl.when(i == NBLK - 1)
    def _final():
        counts = jnp.maximum(cnt_acc[0, :], 1.0)
        pooled = pooled_acc[...] / counts[:, None]
        logits = jnp.dot(pooled, wfc_ref[...],
                         preferred_element_type=jnp.float32) + bfc_ref[...]
        m = jnp.max(logits, axis=1, keepdims=True)
        e = jnp.exp(logits - m)
        out_ref[...] = e / jnp.sum(e, axis=1, keepdims=True)


def _tc3(aggp, degp, ht2, b2, batch3, Wfc, bfc):
    return pl.pallas_call(
        _tc3_body,
        grid=(NBLK,),
        in_specs=[
            pl.BlockSpec((NC, BLK, D_HID), lambda i: (0, i, 0)),
            pl.BlockSpec((NC, BLK, DEG_W), lambda i: (0, i, 0)),
            pl.BlockSpec((BLK, D_HID), lambda i: (i, 0)),
            pl.BlockSpec((D_HID,), lambda i: (0,)),
            pl.BlockSpec((1, 1, BLK), lambda i: (i, 0, 0)),
            pl.BlockSpec((D_HID, N_CLASSES), lambda i: (0, 0)),
            pl.BlockSpec((N_CLASSES,), lambda i: (0,)),
        ],
        out_specs=pl.BlockSpec((NUM_GRAPHS, N_CLASSES), lambda i: (0, 0)),
        out_shape=jax.ShapeDtypeStruct((NUM_GRAPHS, N_CLASSES), jnp.float32),
        scratch_shapes=[
            pltpu.VMEM((NUM_GRAPHS, NUM_GRAPHS), jnp.float32),
            pltpu.VMEM((1, NUM_GRAPHS), jnp.float32),
        ],
    )(aggp, degp, ht2, b2, batch3, Wfc, bfc)



def kernel(x, edge_index, batch, W1, b1, W2, b2, Wfc, bfc):
    npad = E_PAD - N_EDGES
    src = jnp.concatenate(
        [edge_index[0], jnp.zeros((npad,), jnp.int32)]).reshape(NW, NCH, CHUNK)
    dst = jnp.concatenate(
        [edge_index[1], jnp.full((npad,), N_NODES, jnp.int32)]
    ).reshape(NW, NCH, CHUNK)
    zeros_deg = jnp.zeros((N_PAD, DEG_W), jnp.float32)
    ones_rows = jnp.ones((CHUNK, DEG_W), jnp.float32)
    zeros_tab = jnp.zeros((N_PAD, D_HID), MSG_DT)
    batch3 = batch.reshape(NBLK, 1, BLK)

    h1 = _tc1(x, W1)
    degp = _sc_degree(dst, zeros_deg, ones_rows)
    agg1 = _sc_aggregate_scaled(src, dst, h1, zeros_tab, degp)
    ht2 = _tc2(agg1, degp, h1, W2, b1)
    agg2 = _sc_aggregate(src, dst, ht2, zeros_tab)
    return _tc3(agg2, degp, ht2, b2, batch3, Wfc, bfc)

# --- scband reference (transcript-rebuilt; emitter-appended) ---
"""Pipeline reference for scband-gcnmodel-13761075216505 (READ-ONLY COPY).

The authoritative reference and input builder live on the scoring server;
editing this copy changes nothing except your own understanding.
"""

import jax, jax.numpy as jnp
import numpy as np

N_NODES = 10000
N_EDGES = 320000
D_IN = 128
D_HID = 64
N_CLASSES = 10
NUM_GRAPHS = 64


def setup_inputs(seed: int = 0) -> dict:
    key = jax.random.key(seed)
    ks = jax.random.split(key, 10)
    x = jax.random.normal(ks[0], (N_NODES, D_IN), dtype=jnp.float32)
    edge_index = jax.random.randint(ks[1], (2, N_EDGES), 0, N_NODES, dtype=jnp.int32)
    batch = jnp.sort(jax.random.randint(ks[2], (N_NODES,), 0, NUM_GRAPHS, dtype=jnp.int32))
    W1 = jax.random.normal(ks[3], (D_IN, D_HID), dtype=jnp.float32) * (1.0 / np.sqrt(D_IN))
    b1 = jnp.zeros((D_HID,), dtype=jnp.float32)
    W2 = jax.random.normal(ks[4], (D_HID, D_HID), dtype=jnp.float32) * (1.0 / np.sqrt(D_HID))
    b2 = jnp.zeros((D_HID,), dtype=jnp.float32)
    Wfc = jax.random.normal(ks[5], (D_HID, N_CLASSES), dtype=jnp.float32) * (1.0 / np.sqrt(D_HID))
    bfc = jnp.zeros((N_CLASSES,), dtype=jnp.float32)
    return {"x": x, "edge_index": edge_index, "batch": batch,
            "W1": W1, "b1": b1, "W2": W2, "b2": b2, "Wfc": Wfc, "bfc": bfc}


def _gcn_conv(x, edge_index, W, b):
    # PyG GCNConv: add self loops, symmetric normalization D^-1/2 (A+I) D^-1/2 X W + b
    loop = jnp.arange(N_NODES, dtype=edge_index.dtype)
    src = jnp.concatenate([edge_index[0], loop])
    dst = jnp.concatenate([edge_index[1], loop])
    ones = jnp.ones(src.shape[0], dtype=x.dtype)
    deg = jax.ops.segment_sum(ones, dst, num_segments=N_NODES)
    deg_inv_sqrt = jnp.where(deg > 0, jax.lax.rsqrt(jnp.maximum(deg, 1e-12)), 0.0)
    norm = deg_inv_sqrt[src] * deg_inv_sqrt[dst]
    h = x @ W
    msg = h[src] * norm[:, None]
    out = jax.ops.segment_sum(msg, dst, num_segments=N_NODES)
    return out + b


def reference(x, edge_index, batch, W1, b1, W2, b2, Wfc, bfc):
    h = jax.nn.relu(_gcn_conv(x, edge_index, W1, b1))
    # dropout is identity in eval mode
    h = jax.nn.relu(_gcn_conv(h, edge_index, W2, b2))
    # global_mean_pool over graph ids in `batch`
    counts = jax.ops.segment_sum(jnp.ones((N_NODES,), dtype=h.dtype), batch, num_segments=NUM_GRAPHS)
    sums = jax.ops.segment_sum(h, batch, num_segments=NUM_GRAPHS)
    pooled = sums / jnp.maximum(counts, 1.0)[:, None]
    logits = pooled @ Wfc + bfc
    return jax.nn.softmax(logits, axis=1)

if __name__ == "__main__":
    import jax
    _d = setup_inputs()
    print(jax.jit(kernel)(*tuple(_d.values())))

</pallas_src>

<mosaic_0001>
#map = affine_map<(d0, d1) -> (0, 0, 0)>
#map1 = affine_map<(d0, d1) -> (0, 0)>
module attributes {stable_mosaic.version = 14 : i64} {
  func.func @_sc_aggregate(%arg0: i32, %arg1: i32, %arg2: memref<32x80x128xi32, #tpu.memory_space<hbm>>, %arg3: memref<32x80x128xi32, #tpu.memory_space<hbm>>, %arg4: memref<10000x64xbf16, #tpu.memory_space<hbm>>, %arg5: memref<10240x64xbf16, #tpu.memory_space<hbm>>, %arg6: memref<2x10240x64xbf16, #tpu.memory_space<hbm>>, %arg7: memref<80x128xi32, #tpu.memory_space<vmem>>, %arg8: memref<80x128xi32, #tpu.memory_space<vmem>>, %arg9: memref<128x64xbf16, #tpu.memory_space<vmem>>, %arg10: memref<128x64xbf16, #tpu.memory_space<vmem>>, %arg11: memref<128x64xbf16, #tpu.memory_space<vmem>>, %arg12: memref<128x64xbf16, #tpu.memory_space<vmem>>, %arg13: memref<128x64xbf16, #tpu.memory_space<vmem>>, %arg14: memref<128x64xbf16, #tpu.memory_space<vmem>>, %arg15: memref<!tpu.dma_semaphore, #tpu.memory_space<semaphore_mem>>, %arg16: memref<!tpu.dma_semaphore, #tpu.memory_space<semaphore_mem>>, %arg17: memref<!tpu.dma_semaphore, #tpu.memory_space<semaphore_mem>>, %arg18: memref<!tpu.dma_semaphore, #tpu.memory_space<semaphore_mem>>, %arg19: memref<!tpu.dma_semaphore, #tpu.memory_space<semaphore_mem>>, %arg20: memref<!tpu.dma_semaphore, #tpu.memory_space<semaphore_mem>>, %arg21: memref<!tpu.dma_semaphore, #tpu.memory_space<semaphore_mem>>, %arg22: memref<!tpu.dma_semaphore, #tpu.memory_space<semaphore_mem>>, %arg23: memref<!tpu.dma_semaphore, #tpu.memory_space<semaphore_mem>>, %arg24: memref<!tpu.dma_semaphore, #tpu.memory_space<semaphore_mem>>, %arg25: memref<!tpu.dma_semaphore, #tpu.memory_space<semaphore_mem>>, %arg26: memref<!tpu.dma_semaphore, #tpu.memory_space<semaphore_mem>>, %arg27: memref<10240x64xbf16, #tpu.memory_space<vmem_shared>>, %arg28: memref<10000x64xbf16, #tpu.memory_space<vmem_shared>>) attributes {dimension_semantics = [#tpu.dimension_semantics<core_parallel>, #tpu.dimension_semantics<subcore_parallel>], iteration_bounds = array<i64: 2, 16>, scalar_prefetch = 0 : i64, scratch_operands = 22 : i64, tpu.core_type = #tpu.core_type<sc_vector_subcore>, window_params = [{transform_indices = #map}, {transform_indices = #map}, {transform_indices = #map1}, {transform_indices = #map1}, {transform_indices = #map}]} {
    %mul3A = arith.constant 2 : i32
    %mul3A_0 = arith.muli %arg1, %mul3A : i32
    %add3A = arith.addi %mul3A_0, %arg0 : i32
    %mul3A_1 = arith.constant 625 : i32
    %mul3A_2 = arith.muli %arg1, %mul3A_1 : i32
    %mul3A_3 = arith.constant 625 : i32
    %mul3A_4 = arith.muli %arg1, %mul3A_3 : i32
    "tpu.region"() ({
      %run_scoped3A = tpu.sem_alloc : memref<!tpu.dma_semaphore, #tpu.memory_space<semaphore_mem>>
      %dma_start3A_45 = arith.constant 0 : i32
      %dma_start3A_46 = tpu.memref_slice %arg28[%mul3A_4, %dma_start3A_45] : memref<10000x64xbf16, #tpu.memory_space<vmem_shared>> -> memref<625x64xbf16, #tpu.memory_space<vmem_shared>>
      %dma_start3A_47 = arith.constant 0 : i32
      %dma_start3A_48 = tpu.memref_slice %arg4[%mul3A_2, %dma_start3A_47] : memref<10000x64xbf16, #tpu.memory_space<hbm>> -> memref<625x64xbf16, #tpu.memory_space<hbm>>
      tpu.enqueue_dma source(%dma_start3A_48 : memref<625x64xbf16, #tpu.memory_space<hbm>>) target(%dma_start3A_46 : memref<625x64xbf16, #tpu.memory_space<vmem_shared>>) target_semaphore(%run_scoped3A : memref<!tpu.dma_semaphore, #tpu.memory_space<semaphore_mem>>)
      %dma_wait3A = arith.constant 0 : i32
      %dma_wait3A_49 = tpu.memref_slice %arg28[%mul3A_4, %dma_wait3A] : memref<10000x64xbf16, #tpu.memory_space<vmem_shared>> -> memref<625x64xbf16, #tpu.memory_space<vmem_shared>>
      %dma_wait3A_50 = arith.constant 0 : i32
      %dma_wait3A_51 = tpu.memref_slice %arg4[%mul3A_2, %dma_wait3A_50] : memref<10000x64xbf16, #tpu.memory_space<hbm>> -> memref<625x64xbf16, #tpu.memory_space<hbm>>
      tpu.wait_dma2 semaphore(%run_scoped3A : memref<!tpu.dma_semaphore, #tpu.memory_space<semaphore_mem>>) src(%dma_wait3A_51 : memref<625x64xbf16, #tpu.memory_space<hbm>>) dst(%dma_wait3A_49 : memref<625x64xbf16, #tpu.memory_space<vmem_shared>>)
      tpu.yield
    }) : () -> ()
    %mul3A_5 = arith.constant 640 : i32
    %mul3A_6 = arith.muli %arg1, %mul3A_5 : i32
    %mul3A_7 = arith.constant 640 : i32
    %mul3A_8 = arith.muli %arg1, %mul3A_7 : i32
    "tpu.region"() ({
      %run_scoped3A = tpu.sem_alloc : memref<!tpu.dma_semaphore, #tpu.memory_space<semaphore_mem>>
      %dma_start3A_45 = arith.constant 0 : i32
      %dma_start3A_46 = tpu.memref_slice %arg27[%mul3A_8, %dma_start3A_45] : memref<10240x64xbf16, #tpu.memory_space<vmem_shared>> -> memref<640x64xbf16, #tpu.memory_space<vmem_shared>>
      %dma_start3A_47 = arith.constant 0 : i32
      %dma_start3A_48 = tpu.memref_slice %arg5[%mul3A_6, %dma_start3A_47] : memref<10240x64xbf16, #tpu.memory_space<hbm>> -> memref<640x64xbf16, #tpu.memory_space<hbm>>
      tpu.enqueue_dma source(%dma_start3A_48 : memref<640x64xbf16, #tpu.memory_space<hbm>>) target(%dma_start3A_46 : memref<640x64xbf16, #tpu.memory_space<vmem_shared>>) target_semaphore(%run_scoped3A : memref<!tpu.dma_semaphore, #tpu.memory_space<semaphore_mem>>)
      %dma_wait3A = arith.constant 0 : i32
      %dma_wait3A_49 = tpu.memref_slice %arg27[%mul3A_8, %dma_wait3A] : memref<10240x64xbf16, #tpu.memory_space<vmem_shared>> -> memref<640x64xbf16, #tpu.memory_space<vmem_shared>>
      %dma_wait3A_50 = arith.constant 0 : i32
      %dma_wait3A_51 = tpu.memref_slice %arg5[%mul3A_6, %dma_wait3A_50] : memref<10240x64xbf16, #tpu.memory_space<hbm>> -> memref<640x64xbf16, #tpu.memory_space<hbm>>
      tpu.wait_dma2 semaphore(%run_scoped3A : memref<!tpu.dma_semaphore, #tpu.memory_space<semaphore_mem>>) src(%dma_wait3A_51 : memref<640x64xbf16, #tpu.memory_space<hbm>>) dst(%dma_wait3A_49 : memref<640x64xbf16, #tpu.memory_space<vmem_shared>>)
      tpu.yield
    }) : () -> ()
    "tpu.region"() ({
      %run_scoped3A = tpu.sem_alloc : memref<!tpu.dma_semaphore, #tpu.memory_space<semaphore_mem>>
      %dma_start3A_45 = arith.constant 0 : i32
      %dma_start3A_46 = arith.constant 0 : i32
      %dma_start3A_47 = tpu.memref_slice %arg2[%add3A, %dma_start3A_45, %dma_start3A_46] : memref<32x80x128xi32, #tpu.memory_space<hbm>> -> memref<1x80x128xi32, #tpu.memory_space<hbm>>
      %dma_start3A_48 = tpu.memref_squeeze %dma_start3A_47 : memref<1x80x128xi32, #tpu.memory_space<hbm>> -> memref<80x128xi32, #tpu.memory_space<hbm>>
      %dma_start3A_49 = arith.constant 0 : i32
      %dma_start3A_50 = arith.constant 0 : i32
      %dma_start3A_51 = tpu.memref_slice %arg2[%add3A, %dma_start3A_49, %dma_start3A_50] : memref<32x80x128xi32, #tpu.memory_space<hbm>> -> memref<1x80x128xi32, #tpu.memory_space<hbm>>
      %dma_start3A_52 = tpu.memref_squeeze %dma_start3A_51 : memref<1x80x128xi32, #tpu.memory_space<hbm>> -> memref<80x128xi32, #tpu.memory_space<hbm>>
      tpu.enqueue_dma source(%dma_start3A_52 : memref<80x128xi32, #tpu.memory_space<hbm>>) target(%arg7 : memref<80x128xi32, #tpu.memory_space<vmem>>) target_semaphore(%run_scoped3A : memref<!tpu.dma_semaphore, #tpu.memory_space<semaphore_mem>>)
      %dma_wait3A = arith.constant 0 : i32
      %dma_wait3A_53 = arith.constant 0 : i32
      %dma_wait3A_54 = tpu.memref_slice %arg2[%add3A, %dma_wait3A, %dma_wait3A_53] : memref<32x80x128xi32, #tpu.memory_space<hbm>> -> memref<1x80x128xi32, #tpu.memory_space<hbm>>
      %dma_wait3A_55 = tpu.memref_squeeze %dma_wait3A_54 : memref<1x80x128xi32, #tpu.memory_space<hbm>> -> memref<80x128xi32, #tpu.memory_space<hbm>>
      %dma_wait3A_56 = arith.constant 0 : i32
      %dma_wait3A_57 = arith.constant 0 : i32
      %dma_wait3A_58 = tpu.memref_slice %arg2[%add3A, %dma_wait3A_56, %dma_wait3A_57] : memref<32x80x128xi32, #tpu.memory_space<hbm>> -> memref<1x80x128xi32, #tpu.memory_space<hbm>>
      %dma_wait3A_59 = tpu.memref_squeeze %dma_wait3A_58 : memref<1x80x128xi32, #tpu.memory_space<hbm>> -> memref<80x128xi32, #tpu.memory_space<hbm>>
      tpu.wait_dma2 semaphore(%run_scoped3A : memref<!tpu.dma_semaphore, #tpu.memory_space<semaphore_mem>>) src(%dma_wait3A_59 : memref<80x128xi32, #tpu.memory_space<hbm>>) dst(%arg7 : memref<80x128xi32, #tpu.memory_space<vmem>>)
      tpu.yield
    }) : () -> ()
    "tpu.region"() ({
      %run_scoped3A = tpu.sem_alloc : memref<!tpu.dma_semaphore, #tpu.memory_space<semaphore_mem>>
      %dma_start3A_45 = arith.constant 0 : i32
      %dma_start3A_46 = arith.constant 0 : i32
      %dma_start3A_47 = tpu.memref_slice %arg3[%add3A, %dma_start3A_45, %dma_start3A_46] : memref<32x80x128xi32, #tpu.memory_space<hbm>> -> memref<1x80x128xi32, #tpu.memory_space<hbm>>
      %dma_start3A_48 = tpu.memref_squeeze %dma_start3A_47 : memref<1x80x128xi32, #tpu.memory_space<hbm>> -> memref<80x128xi32, #tpu.memory_space<hbm>>
      %dma_start3A_49 = arith.constant 0 : i32
      %dma_start3A_50 = arith.constant 0 : i32
      %dma_start3A_51 = tpu.memref_slice %arg3[%add3A, %dma_start3A_49, %dma_start3A_50] : memref<32x80x128xi32, #tpu.memory_space<hbm>> -> memref<1x80x128xi32, #tpu.memory_space<hbm>>
      %dma_start3A_52 = tpu.memref_squeeze %dma_start3A_51 : memref<1x80x128xi32, #tpu.memory_space<hbm>> -> memref<80x128xi32, #tpu.memory_space<hbm>>
      tpu.enqueue_dma source(%dma_start3A_52 : memref<80x128xi32, #tpu.memory_space<hbm>>) target(%arg8 : memref<80x128xi32, #tpu.memory_space<vmem>>) target_semaphore(%run_scoped3A : memref<!tpu.dma_semaphore, #tpu.memory_space<semaphore_mem>>)
      %dma_wait3A = arith.constant 0 : i32
      %dma_wait3A_53 = arith.constant 0 : i32
      %dma_wait3A_54 = tpu.memref_slice %arg3[%add3A, %dma_wait3A, %dma_wait3A_53] : memref<32x80x128xi32, #tpu.memory_space<hbm>> -> memref<1x80x128xi32, #tpu.memory_space<hbm>>
      %dma_wait3A_55 = tpu.memref_squeeze %dma_wait3A_54 : memref<1x80x128xi32, #tpu.memory_space<hbm>> -> memref<80x128xi32, #tpu.memory_space<hbm>>
      %dma_wait3A_56 = arith.constant 0 : i32
      %dma_wait3A_57 = arith.constant 0 : i32
      %dma_wait3A_58 = tpu.memref_slice %arg3[%add3A, %dma_wait3A_56, %dma_wait3A_57] : memref<32x80x128xi32, #tpu.memory_space<hbm>> -> memref<1x80x128xi32, #tpu.memory_space<hbm>>
      %dma_wait3A_59 = tpu.memref_squeeze %dma_wait3A_58 : memref<1x80x128xi32, #tpu.memory_space<hbm>> -> memref<80x128xi32, #tpu.memory_space<hbm>>
      tpu.wait_dma2 semaphore(%run_scoped3A : memref<!tpu.dma_semaphore, #tpu.memory_space<semaphore_mem>>) src(%dma_wait3A_59 : memref<80x128xi32, #tpu.memory_space<hbm>>) dst(%arg8 : memref<80x128xi32, #tpu.memory_space<vmem>>)
      tpu.yield
    }) : () -> ()
    %barrier3A = arith.constant 0 : index
    tpu.barrier barrier_id(%barrier3A)
    %dma_start3A = arith.constant 0 : i32
    %dma_start3A_9 = arith.constant 0 : i32
    %dma_start3A_10 = tpu.memref_slice %arg7[%dma_start3A, %dma_start3A_9] : memref<80x128xi32, #tpu.memory_space<vmem>> -> memref<1x128xi32, #tpu.memory_space<vmem>>
    %dma_start3A_11 = tpu.memref_squeeze %dma_start3A_10 : memref<1x128xi32, #tpu.memory_space<vmem>> -> memref<128xi32, #tpu.memory_space<vmem>>
    %dma_start3A_12 = arith.constant 0 : i32
    %dma_start3A_13 = arith.constant 0 : i32
    %dma_start3A_14 = tpu.memref_slice %arg28[%dma_start3A_12, %dma_start3A_13] : memref<10000x64xbf16, #tpu.memory_space<vmem_shared>> -> memref<10000x64xbf16, #tpu.memory_space<vmem_shared>>
    tpu.enqueue_indirect_dma source(%dma_start3A_14 : memref<10000x64xbf16, #tpu.memory_space<vmem_shared>>) target(%arg9 : memref<128x64xbf16, #tpu.memory_space<vmem>>) offsets(%dma_start3A_11 : memref<128xi32, #tpu.memory_space<vmem>>) semaphore(%arg15 : memref<!tpu.dma_semaphore, #tpu.memory_space<semaphore_mem>>)
    %dma_start3A_15 = arith.constant 1 : i32
    %dma_start3A_16 = arith.constant 0 : i32
    %dma_start3A_17 = tpu.memref_slice %arg7[%dma_start3A_15, %dma_start3A_16] : memref<80x128xi32, #tpu.memory_space<vmem>> -> memref<1x128xi32, #tpu.memory_space<vmem>>
    %dma_start3A_18 = tpu.memref_squeeze %dma_start3A_17 : memref<1x128xi32, #tpu.memory_space<vmem>> -> memref<128xi32, #tpu.memory_space<vmem>>
    %dma_start3A_19 = arith.constant 0 : i32
    %dma_start3A_20 = arith.constant 0 : i32
    %dma_start3A_21 = tpu.memref_slice %arg28[%dma_start3A_19, %dma_start3A_20] : memref<10000x64xbf16, #tpu.memory_space<vmem_shared>> -> memref<10000x64xbf16, #tpu.memory_space<vmem_shared>>
    tpu.enqueue_indirect_dma source(%dma_start3A_21 : memref<10000x64xbf16, #tpu.memory_space<vmem_shared>>) target(%arg10 : memref<128x64xbf16, #tpu.memory_space<vmem>>) offsets(%dma_start3A_18 : memref<128xi32, #tpu.memory_space<vmem>>) semaphore(%arg16 : memref<!tpu.dma_semaphore, #tpu.memory_space<semaphore_mem>>)
    %dma_start3A_22 = arith.constant 2 : i32
    %dma_start3A_23 = arith.constant 0 : i32
    %dma_start3A_24 = tpu.memref_slice %arg7[%dma_start3A_22, %dma_start3A_23] : memref<80x128xi32, #tpu.memory_space<vmem>> -> memref<1x128xi32, #tpu.memory_space<vmem>>
    %dma_start3A_25 = tpu.memref_squeeze %dma_start3A_24 : memref<1x128xi32, #tpu.memory_space<vmem>> -> memref<128xi32, #tpu.memory_space<vmem>>
    %dma_start3A_26 = arith.constant 0 : i32
    %dma_start3A_27 = arith.constant 0 : i32
    %dma_start3A_28 = tpu.memref_slice %arg28[%dma_start3A_26, %dma_start3A_27] : memref<10000x64xbf16, #tpu.memory_space<vmem_shared>> -> memref<10000x64xbf16, #tpu.memory_space<vmem_shared>>
    tpu.enqueue_indirect_dma source(%dma_start3A_28 : memref<10000x64xbf16, #tpu.memory_space<vmem_shared>>) target(%arg11 : memref<128x64xbf16, #tpu.memory_space<vmem>>) offsets(%dma_start3A_25 : memref<128xi32, #tpu.memory_space<vmem>>) semaphore(%arg17 : memref<!tpu.dma_semaphore, #tpu.memory_space<semaphore_mem>>)
    %dma_start3A_29 = arith.constant 3 : i32
    %dma_start3A_30 = arith.constant 0 : i32
    %dma_start3A_31 = tpu.memref_slice %arg7[%dma_start3A_29, %dma_start3A_30] : memref<80x128xi32, #tpu.memory_space<vmem>> -> memref<1x128xi32, #tpu.memory_space<vmem>>
    %dma_start3A_32 = tpu.memref_squeeze %dma_start3A_31 : memref<1x128xi32, #tpu.memory_space<vmem>> -> memref<128xi32, #tpu.memory_space<vmem>>
    %dma_start3A_33 = arith.constant 0 : i32
    %dma_start3A_34 = arith.constant 0 : i32
    %dma_start3A_35 = tpu.memref_slice %arg28[%dma_start3A_33, %dma_start3A_34] : memref<10000x64xbf16, #tpu.memory_space<vmem_shared>> -> memref<10000x64xbf16, #tpu.memory_space<vmem_shared>>
    tpu.enqueue_indirect_dma source(%dma_start3A_35 : memref<10000x64xbf16, #tpu.memory_space<vmem_shared>>) target(%arg12 : memref<128x64xbf16, #tpu.memory_space<vmem>>) offsets(%dma_start3A_32 : memref<128xi32, #tpu.memory_space<vmem>>) semaphore(%arg18 : memref<!tpu.dma_semaphore, #tpu.memory_space<semaphore_mem>>)
    %scan3A = arith.constant 0 : i32
    %scan3A_36 = arith.constant 40 : i32
    %scan3A_37 = arith.addi %scan3A, %scan3A_36 : i32
    %scan3A_38 = arith.constant 1 : i32
    scf.for %scan3A_45 = %scan3A to %scan3A_37 step %scan3A_38  : i32 {
      %mul3A_46 = arith.constant 2 : i32
      %mul3A_47 = arith.muli %scan3A_45, %mul3A_46 : i32
      %add3A_48 = arith.constant 0 : i32
      %add3A_49 = arith.addi %add3A_48, %mul3A_47 : i32
      %add3A_50 = arith.constant 0 : i32
      %add3A_51 = arith.addi %add3A_49, %add3A_50 : i32
      %rem3A = arith.constant 6 : i32
      %rem3A_52 = arith.remsi %add3A_51, %rem3A : i32
      %eq3A = arith.constant 0 : i32
      %eq3A_53 = arith.cmpi eq, %rem3A_52, %eq3A : i32
      %convert_element_type3A = arith.extui %eq3A_53 : i1 to i32
      %cond3A = arith.constant 0 : i32
      %cond3A_54 = arith.cmpi ne, %convert_element_type3A, %cond3A : i32
      scf.if %cond3A_54 {
        tpu.wait_dma2 semaphore(%arg15 : memref<!tpu.dma_semaphore, #tpu.memory_space<semaphore_mem>>) src(%arg4 : memref<10000x64xbf16, #tpu.memory_space<hbm>>) dst(%arg9 : memref<128x64xbf16, #tpu.memory_space<vmem>>)
        %dma_start3A_114 = arith.constant 0 : i32
        %dma_start3A_115 = tpu.memref_slice %arg8[%add3A_51, %dma_start3A_114] : memref<80x128xi32, #tpu.memory_space<vmem>> -> memref<1x128xi32, #tpu.memory_space<vmem>>
        %dma_start3A_116 = tpu.memref_squeeze %dma_start3A_115 : memref<1x128xi32, #tpu.memory_space<vmem>> -> memref<128xi32, #tpu.memory_space<vmem>>
        %dma_start3A_117 = arith.constant 0 : i32
        %dma_start3A_118 = arith.constant 0 : i32
        %dma_start3A_119 = tpu.memref_slice %arg27[%dma_start3A_117, %dma_start3A_118] : memref<10240x64xbf16, #tpu.memory_space<vmem_shared>> -> memref<10240x64xbf16, #tpu.memory_space<vmem_shared>>
        tpu.enqueue_indirect_dma source(%arg9 : memref<128x64xbf16, #tpu.memory_space<vmem>>) target(%dma_start3A_119 : memref<10240x64xbf16, #tpu.memory_space<vmem_shared>>) offsets(%dma_start3A_116 : memref<128xi32, #tpu.memory_space<vmem>>) semaphore(%arg21 : memref<!tpu.dma_semaphore, #tpu.memory_space<semaphore_mem>>) {add = true}
        %add3A_120 = arith.constant 4 : i32
        %add3A_121 = arith.addi %add3A_51, %add3A_120 : i32
        %ge3A = arith.constant 2 : i32
        %ge3A_122 = arith.cmpi sge, %add3A_51, %ge3A : i32
        %convert_element_type3A_123 = arith.extui %ge3A_122 : i1 to i32
        %cond3A_124 = arith.constant 0 : i32
        %cond3A_125 = arith.cmpi ne, %convert_element_type3A_123, %cond3A_124 : i32
        scf.if %cond3A_125 {
          tpu.wait_dma2 semaphore(%arg25 : memref<!tpu.dma_semaphore, #tpu.memory_space<semaphore_mem>>) src(%arg4 : memref<10000x64xbf16, #tpu.memory_space<hbm>>) dst(%arg13 : memref<128x64xbf16, #tpu.memory_space<vmem>>)
        } else {
        }
        %lt3A = arith.constant 80 : i32
        %lt3A_126 = arith.cmpi slt, %add3A_121, %lt3A : i32
        %convert_element_type3A_127 = arith.extui %lt3A_126 : i1 to i32
        %cond3A_128 = arith.constant 0 : i32
        %cond3A_129 = arith.cmpi ne, %convert_element_type3A_127, %cond3A_128 : i32
        scf.if %cond3A_129 {
          %dma_start3A_130 = arith.constant 0 : i32
          %dma_start3A_131 = tpu.memref_slice %arg7[%add3A_121, %dma_start3A_130] : memref<80x128xi32, #tpu.memory_space<vmem>> -> memref<1x128xi32, #tpu.memory_space<vmem>>
          %dma_start3A_132 = tpu.memref_squeeze %dma_start3A_131 : memref<1x128xi32, #tpu.memory_space<vmem>> -> memref<128xi32, #tpu.memory_space<vmem>>
          %dma_start3A_133 = arith.constant 0 : i32
          %dma_start3A_134 = arith.constant 0 : i32
          %dma_start3A_135 = tpu.memref_slice %arg28[%dma_start3A_133, %dma_start3A_134] : memref<10000x64xbf16, #tpu.memory_space<vmem_shared>> -> memref<10000x64xbf16, #tpu.memory_space<vmem_shared>>
          tpu.enqueue_indirect_dma source(%dma_start3A_135 : memref<10000x64xbf16, #tpu.memory_space<vmem_shared>>) target(%arg13 : memref<128x64xbf16, #tpu.memory_space<vmem>>) offsets(%dma_start3A_132 : memref<128xi32, #tpu.memory_space<vmem>>) semaphore(%arg19 : memref<!tpu.dma_semaphore, #tpu.memory_space<semaphore_mem>>)
        } else {
        }
      } else {
      }
      %eq3A_55 = arith.constant 1 : i32
      %eq3A_56 = arith.cmpi eq, %rem3A_52, %eq3A_55 : i32
      %convert_element_type3A_57 = arith.extui %eq3A_56 : i1 to i32
      %cond3A_58 = arith.constant 0 : i32
      %cond3A_59 = arith.cmpi ne, %convert_element_type3A_57, %cond3A_58 : i32
      scf.if %cond3A_59 {
        tpu.wait_dma2 semaphore(%arg16 : memref<!tpu.dma_semaphore, #tpu.memory_space<semaphore_mem>>) src(%arg4 : memref<10000x64xbf16, #tpu.memory_space<hbm>>) dst(%arg10 : memref<128x64xbf16, #tpu.memory_space<vmem>>)
        %dma_start3A_114 = arith.constant 0 : i32
        %dma_start3A_115 = tpu.memref_slice %arg8[%add3A_51, %dma_start3A_114] : memref<80x128xi32, #tpu.memory_space<vmem>> -> memref<1x128xi32, #tpu.memory_space<vmem>>
        %dma_start3A_116 = tpu.memref_squeeze %dma_start3A_115 : memref<1x128xi32, #tpu.memory_space<vmem>> -> memref<128xi32, #tpu.memory_space<vmem>>
        %dma_start3A_117 = arith.constant 0 : i32
        %dma_start3A_118 = arith.constant 0 : i32
        %dma_start3A_119 = tpu.memref_slice %arg27[%dma_start3A_117, %dma_start3A_118] : memref<10240x64xbf16, #tpu.memory_space<vmem_shared>> -> memref<10240x64xbf16, #tpu.memory_space<vmem_shared>>
        tpu.enqueue_indirect_dma source(%arg10 : memref<128x64xbf16, #tpu.memory_space<vmem>>) target(%dma_start3A_119 : memref<10240x64xbf16, #tpu.memory_space<vmem_shared>>) offsets(%dma_start3A_116 : memref<128xi32, #tpu.memory_space<vmem>>) semaphore(%arg22 : memref<!tpu.dma_semaphore, #tpu.memory_space<semaphore_mem>>) {add = true}
        %add3A_120 = arith.constant 4 : i32
        %add3A_121 = arith.addi %add3A_51, %add3A_120 : i32
        %ge3A = arith.constant 2 : i32
        %ge3A_122 = arith.cmpi sge, %add3A_51, %ge3A : i32
        %convert_element_type3A_123 = arith.extui %ge3A_122 : i1 to i32
        %cond3A_124 = arith.constant 0 : i32
        %cond3A_125 = arith.cmpi ne, %convert_element_type3A_123, %cond3A_124 : i32
        scf.if %cond3A_125 {
          tpu.wait_dma2 semaphore(%arg26 : memref<!tpu.dma_semaphore, #tpu.memory_space<semaphore_mem>>) src(%arg4 : memref<10000x64xbf16, #tpu.memory_space<hbm>>) dst(%arg14 : memref<128x64xbf16, #tpu.memory_space<vmem>>)
        } else {
        }
        %lt3A = arith.constant 80 : i32
        %lt3A_126 = arith.cmpi slt, %add3A_121, %lt3A : i32
        %convert_element_type3A_127 = arith.extui %lt3A_126 : i1 to i32
        %cond3A_128 = arith.constant 0 : i32
        %cond3A_129 = arith.cmpi ne, %convert_element_type3A_127, %cond3A_128 : i32
        scf.if %cond3A_129 {
          %dma_start3A_130 = arith.constant 0 : i32
          %dma_start3A_131 = tpu.memref_slice %arg7[%add3A_121, %dma_start3A_130] : memref<80x128xi32, #tpu.memory_space<vmem>> -> memref<1x128xi32, #tpu.memory_space<vmem>>
          %dma_start3A_132 = tpu.memref_squeeze %dma_start3A_131 : memref<1x128xi32, #tpu.memory_space<vmem>> -> memref<128xi32, #tpu.memory_space<vmem>>
          %dma_start3A_133 = arith.constant 0 : i32
          %dma_start3A_134 = arith.constant 0 : i32
          %dma_start3A_135 = tpu.memref_slice %arg28[%dma_start3A_133, %dma_start3A_134] : memref<10000x64xbf16, #tpu.memory_space<vmem_shared>> -> memref<10000x64xbf16, #tpu.memory_space<vmem_shared>>
          tpu.enqueue_indirect_dma source(%dma_start3A_135 : memref<10000x64xbf16, #tpu.memory_space<vmem_shared>>) target(%arg14 : memref<128x64xbf16, #tpu.memory_space<vmem>>) offsets(%dma_start3A_132 : memref<128xi32, #tpu.memory_space<vmem>>) semaphore(%arg20 : memref<!tpu.dma_semaphore, #tpu.memory_space<semaphore_mem>>)
        } else {
        }
      } else {
      }
      %eq3A_60 = arith.constant 2 : i32
      %eq3A_61 = arith.cmpi eq, %rem3A_52, %eq3A_60 : i32
      %convert_element_type3A_62 = arith.extui %eq3A_61 : i1 to i32
      %cond3A_63 = arith.constant 0 : i32
      %cond3A_64 = arith.cmpi ne, %convert_element_type3A_62, %cond3A_63 : i32
      scf.if %cond3A_64 {
        tpu.wait_dma2 semaphore(%arg17 : memref<!tpu.dma_semaphore, #tpu.memory_space<semaphore_mem>>) src(%arg4 : memref<10000x64xbf16, #tpu.memory_space<hbm>>) dst(%arg11 : memref<128x64xbf16, #tpu.memory_space<vmem>>)
        %dma_start3A_114 = arith.constant 0 : i32
        %dma_start3A_115 = tpu.memref_slice %arg8[%add3A_51, %dma_start3A_114] : memref<80x128xi32, #tpu.memory_space<vmem>> -> memref<1x128xi32, #tpu.memory_space<vmem>>
        %dma_start3A_116 = tpu.memref_squeeze %dma_start3A_115 : memref<1x128xi32, #tpu.memory_space<vmem>> -> memref<128xi32, #tpu.memory_space<vmem>>
        %dma_start3A_117 = arith.constant 0 : i32
        %dma_start3A_118 = arith.constant 0 : i32
        %dma_start3A_119 = tpu.memref_slice %arg27[%dma_start3A_117, %dma_start3A_118] : memref<10240x64xbf16, #tpu.memory_space<vmem_shared>> -> memref<10240x64xbf16, #tpu.memory_space<vmem_shared>>
        tpu.enqueue_indirect_dma source(%arg11 : memref<128x64xbf16, #tpu.memory_space<vmem>>) target(%dma_start3A_119 : memref<10240x64xbf16, #tpu.memory_space<vmem_shared>>) offsets(%dma_start3A_116 : memref<128xi32, #tpu.memory_space<vmem>>) semaphore(%arg23 : memref<!tpu.dma_semaphore, #tpu.memory_space<semaphore_mem>>) {add = true}
        %add3A_120 = arith.constant 4 : i32
        %add3A_121 = arith.addi %add3A_51, %add3A_120 : i32
        %ge3A = arith.constant 2 : i32
        %ge3A_122 = arith.cmpi sge, %add3A_51, %ge3A : i32
        %convert_element_type3A_123 = arith.extui %ge3A_122 : i1 to i32
        %cond3A_124 = arith.constant 0 : i32
        %cond3A_125 = arith.cmpi ne, %convert_element_type3A_123, %cond3A_124 : i32
        scf.if %cond3A_125 {
          tpu.wait_dma2 semaphore(%arg21 : memref<!tpu.dma_semaphore, #tpu.memory_space<semaphore_mem>>) src(%arg4 : memref<10000x64xbf16, #tpu.memory_space<hbm>>) dst(%arg9 : memref<128x64xbf16, #tpu.memory_space<vmem>>)
        } else {
        }
        %lt3A = arith.constant 80 : i32
        %lt3A_126 = arith.cmpi slt, %add3A_121, %lt3A : i32
        %convert_element_type3A_127 = arith.extui %lt3A_126 : i1 to i32
        %cond3A_128 = arith.constant 0 : i32
        %cond3A_129 = arith.cmpi ne, %convert_element_type3A_127, %cond3A_128 : i32
        scf.if %cond3A_129 {
          %dma_start3A_130 = arith.constant 0 : i32
          %dma_start3A_131 = tpu.memref_slice %arg7[%add3A_121, %dma_start3A_130] : memref<80x128xi32, #tpu.memory_space<vmem>> -> memref<1x128xi32, #tpu.memory_space<vmem>>
          %dma_start3A_132 = tpu.memref_squeeze %dma_start3A_131 : memref<1x128xi32, #tpu.memory_space<vmem>> -> memref<128xi32, #tpu.memory_space<vmem>>
          %dma_start3A_133 = arith.constant 0 : i32
          %dma_start3A_134 = arith.constant 0 : i32
          %dma_start3A_135 = tpu.memref_slice %arg28[%dma_start3A_133, %dma_start3A_134] : memref<10000x64xbf16, #tpu.memory_space<vmem_shared>> -> memref<10000x64xbf16, #tpu.memory_space<vmem_shared>>
          tpu.enqueue_indirect_dma source(%dma_start3A_135 : memref<10000x64xbf16, #tpu.memory_space<vmem_shared>>) target(%arg9 : memref<128x64xbf16, #tpu.memory_space<vmem>>) offsets(%dma_start3A_132 : memref<128xi32, #tpu.memory_space<vmem>>) semaphore(%arg15 : memref<!tpu.dma_semaphore, #tpu.memory_space<semaphore_mem>>)
        } else {
        }
      } else {
      }
      %eq3A_65 = arith.constant 3 : i32
      %eq3A_66 = arith.cmpi eq, %rem3A_52, %eq3A_65 : i32
      %convert_element_type3A_67 = arith.extui %eq3A_66 : i1 to i32
      %cond3A_68 = arith.constant 0 : i32
      %cond3A_69 = arith.cmpi ne, %convert_element_type3A_67, %cond3A_68 : i32
      scf.if %cond3A_69 {
        tpu.wait_dma2 semaphore(%arg18 : memref<!tpu.dma_semaphore, #tpu.memory_space<semaphore_mem>>) src(%arg4 : memref<10000x64xbf16, #tpu.memory_space<hbm>>) dst(%arg12 : memref<128x64xbf16, #tpu.memory_space<vmem>>)
        %dma_start3A_114 = arith.constant 0 : i32
        %dma_start3A_115 = tpu.memref_slice %arg8[%add3A_51, %dma_start3A_114] : memref<80x128xi32, #tpu.memory_space<vmem>> -> memref<1x128xi32, #tpu.memory_space<vmem>>
        %dma_start3A_116 = tpu.memref_squeeze %dma_start3A_115 : memref<1x128xi32, #tpu.memory_space<vmem>> -> memref<128xi32, #tpu.memory_space<vmem>>
        %dma_start3A_117 = arith.constant 0 : i32
        %dma_start3A_118 = arith.constant 0 : i32
        %dma_start3A_119 = tpu.memref_slice %arg27[%dma_start3A_117, %dma_start3A_118] : memref<10240x64xbf16, #tpu.memory_space<vmem_shared>> -> memref<10240x64xbf16, #tpu.memory_space<vmem_shared>>
        tpu.enqueue_indirect_dma source(%arg12 : memref<128x64xbf16, #tpu.memory_space<vmem>>) target(%dma_start3A_119 : memref<10240x64xbf16, #tpu.memory_space<vmem_shared>>) offsets(%dma_start3A_116 : memref<128xi32, #tpu.memory_space<vmem>>) semaphore(%arg24 : memref<!tpu.dma_semaphore, #tpu.memory_space<semaphore_mem>>) {add = true}
        %add3A_120 = arith.constant 4 : i32
        %add3A_121 = arith.addi %add3A_51, %add3A_120 : i32
        %ge3A = arith.constant 2 : i32
        %ge3A_122 = arith.cmpi sge, %add3A_51, %ge3A : i32
        %convert_element_type3A_123 = arith.extui %ge3A_122 : i1 to i32
        %cond3A_124 = arith.constant 0 : i32
        %cond3A_125 = arith.cmpi ne, %convert_element_type3A_123, %cond3A_124 : i32
        scf.if %cond3A_125 {
          tpu.wait_dma2 semaphore(%arg22 : memref<!tpu.dma_semaphore, #tpu.memory_space<semaphore_mem>>) src(%arg4 : memref<10000x64xbf16, #tpu.memory_space<hbm>>) dst(%arg10 : memref<128x64xbf16, #tpu.memory_space<vmem>>)
        } else {
        }
        %lt3A = arith.constant 80 : i32
        %lt3A_126 = arith.cmpi slt, %add3A_121, %lt3A : i32
        %convert_element_type3A_127 = arith.extui %lt3A_126 : i1 to i32
        %cond3A_128 = arith.constant 0 : i32
        %cond3A_129 = arith.cmpi ne, %convert_element_type3A_127, %cond3A_128 : i32
        scf.if %cond3A_129 {
          %dma_start3A_130 = arith.constant 0 : i32
          %dma_start3A_131 = tpu.memref_slice %arg7[%add3A_121, %dma_start3A_130] : memref<80x128xi32, #tpu.memory_space<vmem>> -> memref<1x128xi32, #tpu.memory_space<vmem>>
          %dma_start3A_132 = tpu.memref_squeeze %dma_start3A_131 : memref<1x128xi32, #tpu.memory_space<vmem>> -> memref<128xi32, #tpu.memory_space<vmem>>
          %dma_start3A_133 = arith.constant 0 : i32
          %dma_start3A_134 = arith.constant 0 : i32
          %dma_start3A_135 = tpu.memref_slice %arg28[%dma_start3A_133, %dma_start3A_134] : memref<10000x64xbf16, #tpu.memory_space<vmem_shared>> -> memref<10000x64xbf16, #tpu.memory_space<vmem_shared>>
          tpu.enqueue_indirect_dma source(%dma_start3A_135 : memref<10000x64xbf16, #tpu.memory_space<vmem_shared>>) target(%arg10 : memref<128x64xbf16, #tpu.memory_space<vmem>>) offsets(%dma_start3A_132 : memref<128xi32, #tpu.memory_space<vmem>>) semaphore(%arg16 : memref<!tpu.dma_semaphore, #tpu.memory_space<semaphore_mem>>)
        } else {
        }
      } else {
      }
      %eq3A_70 = arith.constant 4 : i32
      %eq3A_71 = arith.cmpi eq, %rem3A_52, %eq3A_70 : i32
      %convert_element_type3A_72 = arith.extui %eq3A_71 : i1 to i32
      %cond3A_73 = arith.constant 0 : i32
      %cond3A_74 = arith.cmpi ne, %convert_element_type3A_72, %cond3A_73 : i32
      scf.if %cond3A_74 {
        tpu.wait_dma2 semaphore(%arg19 : memref<!tpu.dma_semaphore, #tpu.memory_space<semaphore_mem>>) src(%arg4 : memref<10000x64xbf16, #tpu.memory_space<hbm>>) dst(%arg13 : memref<128x64xbf16, #tpu.memory_space<vmem>>)
        %dma_start3A_114 = arith.constant 0 : i32
        %dma_start3A_115 = tpu.memref_slice %arg8[%add3A_51, %dma_start3A_114] : memref<80x128xi32, #tpu.memory_space<vmem>> -> memref<1x128xi32, #tpu.memory_space<vmem>>
        %dma_start3A_116 = tpu.memref_squeeze %dma_start3A_115 : memref<1x128xi32, #tpu.memory_space<vmem>> -> memref<128xi32, #tpu.memory_space<vmem>>
        %dma_start3A_117 = arith.constant 0 : i32
        %dma_start3A_118 = arith.constant 0 : i32
        %dma_start3A_119 = tpu.memref_slice %arg27[%dma_start3A_117, %dma_start3A_118] : memref<10240x64xbf16, #tpu.memory_space<vmem_shared>> -> memref<10240x64xbf16, #tpu.memory_space<vmem_shared>>
        tpu.enqueue_indirect_dma source(%arg13 : memref<128x64xbf16, #tpu.memory_space<vmem>>) target(%dma_start3A_119 : memref<10240x64xbf16, #tpu.memory_space<vmem_shared>>) offsets(%dma_start3A_116 : memref<128xi32, #tpu.memory_space<vmem>>) semaphore(%arg25 : memref<!tpu.dma_semaphore, #tpu.memory_space<semaphore_mem>>) {add = true}
        %add3A_120 = arith.constant 4 : i32
        %add3A_121 = arith.addi %add3A_51, %add3A_120 : i32
        %ge3A = arith.constant 2 : i32
        %ge3A_122 = arith.cmpi sge, %add3A_51, %ge3A : i32
        %convert_element_type3A_123 = arith.extui %ge3A_122 : i1 to i32
        %cond3A_124 = arith.constant 0 : i32
        %cond3A_125 = arith.cmpi ne, %convert_element_type3A_123, %cond3A_124 : i32
        scf.if %cond3A_125 {
          tpu.wait_dma2 semaphore(%arg23 : memref<!tpu.dma_semaphore, #tpu.memory_space<semaphore_mem>>) src(%arg4 : memref<10000x64xbf16, #tpu.memory_space<hbm>>) dst(%arg11 : memref<128x64xbf16, #tpu.memory_space<vmem>>)
        } else {
        }
        %lt3A = arith.constant 80 : i32
        %lt3A_126 = arith.cmpi slt, %add3A_121, %lt3A : i32
        %convert_element_type3A_127 = arith.extui %lt3A_126 : i1 to i32
        %cond3A_128 = arith.constant 0 : i32
        %cond3A_129 = arith.cmpi ne, %convert_element_type3A_127, %cond3A_128 : i32
        scf.if %cond3A_129 {
          %dma_start3A_130 = arith.constant 0 : i32
          %dma_start3A_131 = tpu.memref_slice %arg7[%add3A_121, %dma_start3A_130] : memref<80x128xi32, #tpu.memory_space<vmem>> -> memref<1x128xi32, #tpu.memory_space<vmem>>
          %dma_start3A_132 = tpu.memref_squeeze %dma_start3A_131 : memref<1x128xi32, #tpu.memory_space<vmem>> -> memref<128xi32, #tpu.memory_space<vmem>>
          %dma_start3A_133 = arith.constant 0 : i32
          %dma_start3A_134 = arith.constant 0 : i32
          %dma_start3A_135 = tpu.memref_slice %arg28[%dma_start3A_133, %dma_start3A_134] : memref<10000x64xbf16, #tpu.memory_space<vmem_shared>> -> memref<10000x64xbf16, #tpu.memory_space<vmem_shared>>
          tpu.enqueue_indirect_dma source(%dma_start3A_135 : memref<10000x64xbf16, #tpu.memory_space<vmem_shared>>) target(%arg11 : memref<128x64xbf16, #tpu.memory_space<vmem>>) offsets(%dma_start3A_132 : memref<128xi32, #tpu.memory_space<vmem>>) semaphore(%arg17 : memref<!tpu.dma_semaphore, #tpu.memory_space<semaphore_mem>>)
        } else {
        }
      } else {
      }
      %eq3A_75 = arith.constant 5 : i32
      %eq3A_76 = arith.cmpi eq, %rem3A_52, %eq3A_75 : i32
      %convert_element_type3A_77 = arith.extui %eq3A_76 : i1 to i32
      %cond3A_78 = arith.constant 0 : i32
      %cond3A_79 = arith.cmpi ne, %convert_element_type3A_77, %cond3A_78 : i32
      scf.if %cond3A_79 {
        tpu.wait_dma2 semaphore(%arg20 : memref<!tpu.dma_semaphore, #tpu.memory_space<semaphore_mem>>) src(%arg4 : memref<10000x64xbf16, #tpu.memory_space<hbm>>) dst(%arg14 : memref<128x64xbf16, #tpu.memory_space<vmem>>)
        %dma_start3A_114 = arith.constant 0 : i32
        %dma_start3A_115 = tpu.memref_slice %arg8[%add3A_51, %dma_start3A_114] : memref<80x128xi32, #tpu.memory_space<vmem>> -> memref<1x128xi32, #tpu.memory_space<vmem>>
        %dma_start3A_116 = tpu.memref_squeeze %dma_start3A_115 : memref<1x128xi32, #tpu.memory_space<vmem>> -> memref<128xi32, #tpu.memory_space<vmem>>
        %dma_start3A_117 = arith.constant 0 : i32
        %dma_start3A_118 = arith.constant 0 : i32
        %dma_start3A_119 = tpu.memref_slice %arg27[%dma_start3A_117, %dma_start3A_118] : memref<10240x64xbf16, #tpu.memory_space<vmem_shared>> -> memref<10240x64xbf16, #tpu.memory_space<vmem_shared>>
        tpu.enqueue_indirect_dma source(%arg14 : memref<128x64xbf16, #tpu.memory_space<vmem>>) target(%dma_start3A_119 : memref<10240x64xbf16, #tpu.memory_space<vmem_shared>>) offsets(%dma_start3A_116 : memref<128xi32, #tpu.memory_space<vmem>>) semaphore(%arg26 : memref<!tpu.dma_semaphore, #tpu.memory_space<semaphore_mem>>) {add = true}
        %add3A_120 = arith.constant 4 : i32
        %add3A_121 = arith.addi %add3A_51, %add3A_120 : i32
        %ge3A = arith.constant 2 : i32
        %ge3A_122 = arith.cmpi sge, %add3A_51, %ge3A : i32
        %convert_element_type3A_123 = arith.extui %ge3A_122 : i1 to i32
        %cond3A_124 = arith.constant 0 : i32
        %cond3A_125 = arith.cmpi ne, %convert_element_type3A_123, %cond3A_124 : i32
        scf.if %cond3A_125 {
          tpu.wait_dma2 semaphore(%arg24 : memref<!tpu.dma_semaphore, #tpu.memory_space<semaphore_mem>>) src(%arg4 : memref<10000x64xbf16, #tpu.memory_space<hbm>>) dst(%arg12 : memref<128x64xbf16, #tpu.memory_space<vmem>>)
        } else {
        }
        %lt3A = arith.constant 80 : i32
        %lt3A_126 = arith.cmpi slt, %add3A_121, %lt3A : i32
        %convert_element_type3A_127 = arith.extui %lt3A_126 : i1 to i32
        %cond3A_128 = arith.constant 0 : i32
        %cond3A_129 = arith.cmpi ne, %convert_element_type3A_127, %cond3A_128 : i32
        scf.if %cond3A_129 {
          %dma_start3A_130 = arith.constant 0 : i32
          %dma_start3A_131 = tpu.memref_slice %arg7[%add3A_121, %dma_start3A_130] : memref<80x128xi32, #tpu.memory_space<vmem>> -> memref<1x128xi32, #tpu.memory_space<vmem>>
          %dma_start3A_132 = tpu.memref_squeeze %dma_start3A_131 : memref<1x128xi32, #tpu.memory_space<vmem>> -> memref<128xi32, #tpu.memory_space<vmem>>
          %dma_start3A_133 = arith.constant 0 : i32
          %dma_start3A_134 = arith.constant 0 : i32
          %dma_start3A_135 = tpu.memref_slice %arg28[%dma_start3A_133, %dma_start3A_134] : memref<10000x64xbf16, #tpu.memory_space<vmem_shared>> -> memref<10000x64xbf16, #tpu.memory_space<vmem_shared>>
          tpu.enqueue_indirect_dma source(%dma_start3A_135 : memref<10000x64xbf16, #tpu.memory_space<vmem_shared>>) target(%arg12 : memref<128x64xbf16, #tpu.memory_space<vmem>>) offsets(%dma_start3A_132 : memref<128xi32, #tpu.memory_space<vmem>>) semaphore(%arg18 : memref<!tpu.dma_semaphore, #tpu.memory_space<semaphore_mem>>)
        } else {
        }
      } else {
      }
      %add3A_80 = arith.constant 1 : i32
      %add3A_81 = arith.addi %add3A_49, %add3A_80 : i32
      %rem3A_82 = arith.constant 6 : i32
      %rem3A_83 = arith.remsi %add3A_81, %rem3A_82 : i32
      %eq3A_84 = arith.constant 0 : i32
      %eq3A_85 = arith.cmpi eq, %rem3A_83, %eq3A_84 : i32
      %convert_element_type3A_86 = arith.extui %eq3A_85 : i1 to i32
      %cond3A_87 = arith.constant 0 : i32
      %cond3A_88 = arith.cmpi ne, %convert_element_type3A_86, %cond3A_87 : i32
      scf.if %cond3A_88 {
        tpu.wait_dma2 semaphore(%arg15 : memref<!tpu.dma_semaphore, #tpu.memory_space<semaphore_mem>>) src(%arg4 : memref<10000x64xbf16, #tpu.memory_space<hbm>>) dst(%arg9 : memref<128x64xbf16, #tpu.memory_space<vmem>>)
        %dma_start3A_114 = arith.constant 0 : i32
        %dma_start3A_115 = tpu.memref_slice %arg8[%add3A_81, %dma_start3A_114] : memref<80x128xi32, #tpu.memory_space<vmem>> -> memref<1x128xi32, #tpu.memory_space<vmem>>
        %dma_start3A_116 = tpu.memref_squeeze %dma_start3A_115 : memref<1x128xi32, #tpu.memory_space<vmem>> -> memref<128xi32, #tpu.memory_space<vmem>>
        %dma_start3A_117 = arith.constant 0 : i32
        %dma_start3A_118 = arith.constant 0 : i32
        %dma_start3A_119 = tpu.memref_slice %arg27[%dma_start3A_117, %dma_start3A_118] : memref<10240x64xbf16, #tpu.memory_space<vmem_shared>> -> memref<10240x64xbf16, #tpu.memory_space<vmem_shared>>
        tpu.enqueue_indirect_dma source(%arg9 : memref<128x64xbf16, #tpu.memory_space<vmem>>) target(%dma_start3A_119 : memref<10240x64xbf16, #tpu.memory_space<vmem_shared>>) offsets(%dma_start3A_116 : memref<128xi32, #tpu.memory_space<vmem>>) semaphore(%arg21 : memref<!tpu.dma_semaphore, #tpu.memory_space<semaphore_mem>>) {add = true}
        %add3A_120 = arith.constant 4 : i32
        %add3A_121 = arith.addi %add3A_81, %add3A_120 : i32
        %ge3A = arith.constant 2 : i32
        %ge3A_122 = arith.cmpi sge, %add3A_81, %ge3A : i32
        %convert_element_type3A_123 = arith.extui %ge3A_122 : i1 to i32
        %cond3A_124 = arith.constant 0 : i32
        %cond3A_125 = arith.cmpi ne, %convert_element_type3A_123, %cond3A_124 : i32
        scf.if %cond3A_125 {
          tpu.wait_dma2 semaphore(%arg25 : memref<!tpu.dma_semaphore, #tpu.memory_space<semaphore_mem>>) src(%arg4 : memref<10000x64xbf16, #tpu.memory_space<hbm>>) dst(%arg13 : memref<128x64xbf16, #tpu.memory_space<vmem>>)
        } else {
        }
        %lt3A = arith.constant 80 : i32
        %lt3A_126 = arith.cmpi slt, %add3A_121, %lt3A : i32
        %convert_element_type3A_127 = arith.extui %lt3A_126 : i1 to i32
        %cond3A_128 = arith.constant 0 : i32
        %cond3A_129 = arith.cmpi ne, %convert_element_type3A_127, %cond3A_128 : i32
        scf.if %cond3A_129 {
          %dma_start3A_130 = arith.constant 0 : i32
          %dma_start3A_131 = tpu.memref_slice %arg7[%add3A_121, %dma_start3A_130] : memref<80x128xi32, #tpu.memory_space<vmem>> -> memref<1x128xi32, #tpu.memory_space<vmem>>
          %dma_start3A_132 = tpu.memref_squeeze %dma_start3A_131 : memref<1x128xi32, #tpu.memory_space<vmem>> -> memref<128xi32, #tpu.memory_space<vmem>>
          %dma_start3A_133 = arith.constant 0 : i32
          %dma_start3A_134 = arith.constant 0 : i32
          %dma_start3A_135 = tpu.memref_slice %arg28[%dma_start3A_133, %dma_start3A_134] : memref<10000x64xbf16, #tpu.memory_space<vmem_shared>> -> memref<10000x64xbf16, #tpu.memory_space<vmem_shared>>
          tpu.enqueue_indirect_dma source(%dma_start3A_135 : memref<10000x64xbf16, #tpu.memory_space<vmem_shared>>) target(%arg13 : memref<128x64xbf16, #tpu.memory_space<vmem>>) offsets(%dma_start3A_132 : memref<128xi32, #tpu.memory_space<vmem>>) semaphore(%arg19 : memref<!tpu.dma_semaphore, #tpu.memory_space<semaphore_mem>>)
        } else {
        }
      } else {
      }
      %eq3A_89 = arith.constant 1 : i32
      %eq3A_90 = arith.cmpi eq, %rem3A_83, %eq3A_89 : i32
      %convert_element_type3A_91 = arith.extui %eq3A_90 : i1 to i32
      %cond3A_92 = arith.constant 0 : i32
      %cond3A_93 = arith.cmpi ne, %convert_element_type3A_91, %cond3A_92 : i32
      scf.if %cond3A_93 {
        tpu.wait_dma2 semaphore(%arg16 : memref<!tpu.dma_semaphore, #tpu.memory_space<semaphore_mem>>) src(%arg4 : memref<10000x64xbf16, #tpu.memory_space<hbm>>) dst(%arg10 : memref<128x64xbf16, #tpu.memory_space<vmem>>)
        %dma_start3A_114 = arith.constant 0 : i32
        %dma_start3A_115 = tpu.memref_slice %arg8[%add3A_81, %dma_start3A_114] : memref<80x128xi32, #tpu.memory_space<vmem>> -> memref<1x128xi32, #tpu.memory_space<vmem>>
        %dma_start3A_116 = tpu.memref_squeeze %dma_start3A_115 : memref<1x128xi32, #tpu.memory_space<vmem>> -> memref<128xi32, #tpu.memory_space<vmem>>
        %dma_start3A_117 = arith.constant 0 : i32
        %dma_start3A_118 = arith.constant 0 : i32
        %dma_start3A_119 = tpu.memref_slice %arg27[%dma_start3A_117, %dma_start3A_118] : memref<10240x64xbf16, #tpu.memory_space<vmem_shared>> -> memref<10240x64xbf16, #tpu.memory_space<vmem_shared>>
        tpu.enqueue_indirect_dma source(%arg10 : memref<128x64xbf16, #tpu.memory_space<vmem>>) target(%dma_start3A_119 : memref<10240x64xbf16, #tpu.memory_space<vmem_shared>>) offsets(%dma_start3A_116 : memref<128xi32, #tpu.memory_space<vmem>>) semaphore(%arg22 : memref<!tpu.dma_semaphore, #tpu.memory_space<semaphore_mem>>) {add = true}
        %add3A_120 = arith.constant 4 : i32
        %add3A_121 = arith.addi %add3A_81, %add3A_120 : i32
        %ge3A = arith.constant 2 : i32
        %ge3A_122 = arith.cmpi sge, %add3A_81, %ge3A : i32
        %convert_element_type3A_123 = arith.extui %ge3A_122 : i1 to i32
        %cond3A_124 = arith.constant 0 : i32
        %cond3A_125 = arith.cmpi ne, %convert_element_type3A_123, %cond3A_124 : i32
        scf.if %cond3A_125 {
          tpu.wait_dma2 semaphore(%arg26 : memref<!tpu.dma_semaphore, #tpu.memory_space<semaphore_mem>>) src(%arg4 : memref<10000x64xbf16, #tpu.memory_space<hbm>>) dst(%arg14 : memref<128x64xbf16, #tpu.memory_space<vmem>>)
        } else {
        }
        %lt3A = arith.constant 80 : i32
        %lt3A_126 = arith.cmpi slt, %add3A_121, %lt3A : i32
        %convert_element_type3A_127 = arith.extui %lt3A_126 : i1 to i32
        %cond3A_128 = arith.constant 0 : i32
        %cond3A_129 = arith.cmpi ne, %convert_element_type3A_127, %cond3A_128 : i32
        scf.if %cond3A_129 {
          %dma_start3A_130 = arith.constant 0 : i32
          %dma_start3A_131 = tpu.memref_slice %arg7[%add3A_121, %dma_start3A_130] : memref<80x128xi32, #tpu.memory_space<vmem>> -> memref<1x128xi32, #tpu.memory_space<vmem>>
          %dma_start3A_132 = tpu.memref_squeeze %dma_start3A_131 : memref<1x128xi32, #tpu.memory_space<vmem>> -> memref<128xi32, #tpu.memory_space<vmem>>
          %dma_start3A_133 = arith.constant 0 : i32
          %dma_start3A_134 = arith.constant 0 : i32
          %dma_start3A_135 = tpu.memref_slice %arg28[%dma_start3A_133, %dma_start3A_134] : memref<10000x64xbf16, #tpu.memory_space<vmem_shared>> -> memref<10000x64xbf16, #tpu.memory_space<vmem_shared>>
          tpu.enqueue_indirect_dma source(%dma_start3A_135 : memref<10000x64xbf16, #tpu.memory_space<vmem_shared>>) target(%arg14 : memref<128x64xbf16, #tpu.memory_space<vmem>>) offsets(%dma_start3A_132 : memref<128xi32, #tpu.memory_space<vmem>>) semaphore(%arg20 : memref<!tpu.dma_semaphore, #tpu.memory_space<semaphore_mem>>)
        } else {
        }
      } else {
      }
      %eq3A_94 = arith.constant 2 : i32
      %eq3A_95 = arith.cmpi eq, %rem3A_83, %eq3A_94 : i32
      %convert_element_type3A_96 = arith.extui %eq3A_95 : i1 to i32
      %cond3A_97 = arith.constant 0 : i32
      %cond3A_98 = arith.cmpi ne, %convert_element_type3A_96, %cond3A_97 : i32
      scf.if %cond3A_98 {
        tpu.wait_dma2 semaphore(%arg17 : memref<!tpu.dma_semaphore, #tpu.memory_space<semaphore_mem>>) src(%arg4 : memref<10000x64xbf16, #tpu.memory_space<hbm>>) dst(%arg11 : memref<128x64xbf16, #tpu.memory_space<vmem>>)
        %dma_start3A_114 = arith.constant 0 : i32
        %dma_start3A_115 = tpu.memref_slice %arg8[%add3A_81, %dma_start3A_114] : memref<80x128xi32, #tpu.memory_space<vmem>> -> memref<1x128xi32, #tpu.memory_space<vmem>>
        %dma_start3A_116 = tpu.memref_squeeze %dma_start3A_115 : memref<1x128xi32, #tpu.memory_space<vmem>> -> memref<128xi32, #tpu.memory_space<vmem>>
        %dma_start3A_117 = arith.constant 0 : i32
        %dma_start3A_118 = arith.constant 0 : i32
        %dma_start3A_119 = tpu.memref_slice %arg27[%dma_start3A_117, %dma_start3A_118] : memref<10240x64xbf16, #tpu.memory_space<vmem_shared>> -> memref<10240x64xbf16, #tpu.memory_space<vmem_shared>>
        tpu.enqueue_indirect_dma source(%arg11 : memref<128x64xbf16, #tpu.memory_space<vmem>>) target(%dma_start3A_119 : memref<10240x64xbf16, #tpu.memory_space<vmem_shared>>) offsets(%dma_start3A_116 : memref<128xi32, #tpu.memory_space<vmem>>) semaphore(%arg23 : memref<!tpu.dma_semaphore, #tpu.memory_space<semaphore_mem>>) {add = true}
        %add3A_120 = arith.constant 4 : i32
        %add3A_121 = arith.addi %add3A_81, %add3A_120 : i32
        %ge3A = arith.constant 2 : i32
        %ge3A_122 = arith.cmpi sge, %add3A_81, %ge3A : i32
        %convert_element_type3A_123 = arith.extui %ge3A_122 : i1 to i32
        %cond3A_124 = arith.constant 0 : i32
        %cond3A_125 = arith.cmpi ne, %convert_element_type3A_123, %cond3A_124 : i32
        scf.if %cond3A_125 {
          tpu.wait_dma2 semaphore(%arg21 : memref<!tpu.dma_semaphore, #tpu.memory_space<semaphore_mem>>) src(%arg4 : memref<10000x64xbf16, #tpu.memory_space<hbm>>) dst(%arg9 : memref<128x64xbf16, #tpu.memory_space<vmem>>)
        } else {
        }
        %lt3A = arith.constant 80 : i32
        %lt3A_126 = arith.cmpi slt, %add3A_121, %lt3A : i32
        %convert_element_type3A_127 = arith.extui %lt3A_126 : i1 to i32
        %cond3A_128 = arith.constant 0 : i32
        %cond3A_129 = arith.cmpi ne, %convert_element_type3A_127, %cond3A_128 : i32
        scf.if %cond3A_129 {
          %dma_start3A_130 = arith.constant 0 : i32
          %dma_start3A_131 = tpu.memref_slice %arg7[%add3A_121, %dma_start3A_130] : memref<80x128xi32, #tpu.memory_space<vmem>> -> memref<1x128xi32, #tpu.memory_space<vmem>>
          %dma_start3A_132 = tpu.memref_squeeze %dma_start3A_131 : memref<1x128xi32, #tpu.memory_space<vmem>> -> memref<128xi32, #tpu.memory_space<vmem>>
          %dma_start3A_133 = arith.constant 0 : i32
          %dma_start3A_134 = arith.constant 0 : i32
          %dma_start3A_135 = tpu.memref_slice %arg28[%dma_start3A_133, %dma_start3A_134] : memref<10000x64xbf16, #tpu.memory_space<vmem_shared>> -> memref<10000x64xbf16, #tpu.memory_space<vmem_shared>>
          tpu.enqueue_indirect_dma source(%dma_start3A_135 : memref<10000x64xbf16, #tpu.memory_space<vmem_shared>>) target(%arg9 : memref<128x64xbf16, #tpu.memory_space<vmem>>) offsets(%dma_start3A_132 : memref<128xi32, #tpu.memory_space<vmem>>) semaphore(%arg15 : memref<!tpu.dma_semaphore, #tpu.memory_space<semaphore_mem>>)
        } else {
        }
      } else {
      }
      %eq3A_99 = arith.constant 3 : i32
      %eq3A_100 = arith.cmpi eq, %rem3A_83, %eq3A_99 : i32
      %convert_element_type3A_101 = arith.extui %eq3A_100 : i1 to i32
      %cond3A_102 = arith.constant 0 : i32
      %cond3A_103 = arith.cmpi ne, %convert_element_type3A_101, %cond3A_102 : i32
      scf.if %cond3A_103 {
        tpu.wait_dma2 semaphore(%arg18 : memref<!tpu.dma_semaphore, #tpu.memory_space<semaphore_mem>>) src(%arg4 : memref<10000x64xbf16, #tpu.memory_space<hbm>>) dst(%arg12 : memref<128x64xbf16, #tpu.memory_space<vmem>>)
        %dma_start3A_114 = arith.constant 0 : i32
        %dma_start3A_115 = tpu.memref_slice %arg8[%add3A_81, %dma_start3A_114] : memref<80x128xi32, #tpu.memory_space<vmem>> -> memref<1x128xi32, #tpu.memory_space<vmem>>
        %dma_start3A_116 = tpu.memref_squeeze %dma_start3A_115 : memref<1x128xi32, #tpu.memory_space<vmem>> -> memref<128xi32, #tpu.memory_space<vmem>>
        %dma_start3A_117 = arith.constant 0 : i32
        %dma_start3A_118 = arith.constant 0 : i32
        %dma_start3A_119 = tpu.memref_slice %arg27[%dma_start3A_117, %dma_start3A_118] : memref<10240x64xbf16, #tpu.memory_space<vmem_shared>> -> memref<10240x64xbf16, #tpu.memory_space<vmem_shared>>
        tpu.enqueue_indirect_dma source(%arg12 : memref<128x64xbf16, #tpu.memory_space<vmem>>) target(%dma_start3A_119 : memref<10240x64xbf16, #tpu.memory_space<vmem_shared>>) offsets(%dma_start3A_116 : memref<128xi32, #tpu.memory_space<vmem>>) semaphore(%arg24 : memref<!tpu.dma_semaphore, #tpu.memory_space<semaphore_mem>>) {add = true}
        %add3A_120 = arith.constant 4 : i32
        %add3A_121 = arith.addi %add3A_81, %add3A_120 : i32
        %ge3A = arith.constant 2 : i32
        %ge3A_122 = arith.cmpi sge, %add3A_81, %ge3A : i32
        %convert_element_type3A_123 = arith.extui %ge3A_122 : i1 to i32
        %cond3A_124 = arith.constant 0 : i32
        %cond3A_125 = arith.cmpi ne, %convert_element_type3A_123, %cond3A_124 : i32
        scf.if %cond3A_125 {
          tpu.wait_dma2 semaphore(%arg22 : memref<!tpu.dma_semaphore, #tpu.memory_space<semaphore_mem>>) src(%arg4 : memref<10000x64xbf16, #tpu.memory_space<hbm>>) dst(%arg10 : memref<128x64xbf16, #tpu.memory_space<vmem>>)
        } else {
        }
        %lt3A = arith.constant 80 : i32
        %lt3A_126 = arith.cmpi slt, %add3A_121, %lt3A : i32
        %convert_element_type3A_127 = arith.extui %lt3A_126 : i1 to i32
        %cond3A_128 = arith.constant 0 : i32
        %cond3A_129 = arith.cmpi ne, %convert_element_type3A_127, %cond3A_128 : i32
        scf.if %cond3A_129 {
          %dma_start3A_130 = arith.constant 0 : i32
          %dma_start3A_131 = tpu.memref_slice %arg7[%add3A_121, %dma_start3A_130] : memref<80x128xi32, #tpu.memory_space<vmem>> -> memref<1x128xi32, #tpu.memory_space<vmem>>
          %dma_start3A_132 = tpu.memref_squeeze %dma_start3A_131 : memref<1x128xi32, #tpu.memory_space<vmem>> -> memref<128xi32, #tpu.memory_space<vmem>>
          %dma_start3A_133 = arith.constant 0 : i32
          %dma_start3A_134 = arith.constant 0 : i32
          %dma_start3A_135 = tpu.memref_slice %arg28[%dma_start3A_133, %dma_start3A_134] : memref<10000x64xbf16, #tpu.memory_space<vmem_shared>> -> memref<10000x64xbf16, #tpu.memory_space<vmem_shared>>
          tpu.enqueue_indirect_dma source(%dma_start3A_135 : memref<10000x64xbf16, #tpu.memory_space<vmem_shared>>) target(%arg10 : memref<128x64xbf16, #tpu.memory_space<vmem>>) offsets(%dma_start3A_132 : memref<128xi32, #tpu.memory_space<vmem>>) semaphore(%arg16 : memref<!tpu.dma_semaphore, #tpu.memory_space<semaphore_mem>>)
        } else {
        }
      } else {
      }
      %eq3A_104 = arith.constant 4 : i32
      %eq3A_105 = arith.cmpi eq, %rem3A_83, %eq3A_104 : i32
      %convert_element_type3A_106 = arith.extui %eq3A_105 : i1 to i32
      %cond3A_107 = arith.constant 0 : i32
      %cond3A_108 = arith.cmpi ne, %convert_element_type3A_106, %cond3A_107 : i32
      scf.if %cond3A_108 {
        tpu.wait_dma2 semaphore(%arg19 : memref<!tpu.dma_semaphore, #tpu.memory_space<semaphore_mem>>) src(%arg4 : memref<10000x64xbf16, #tpu.memory_space<hbm>>) dst(%arg13 : memref<128x64xbf16, #tpu.memory_space<vmem>>)
        %dma_start3A_114 = arith.constant 0 : i32
        %dma_start3A_115 = tpu.memref_slice %arg8[%add3A_81, %dma_start3A_114] : memref<80x128xi32, #tpu.memory_space<vmem>> -> memref<1x128xi32, #tpu.memory_space<vmem>>
        %dma_start3A_116 = tpu.memref_squeeze %dma_start3A_115 : memref<1x128xi32, #tpu.memory_space<vmem>> -> memref<128xi32, #tpu.memory_space<vmem>>
        %dma_start3A_117 = arith.constant 0 : i32
        %dma_start3A_118 = arith.constant 0 : i32
        %dma_start3A_119 = tpu.memref_slice %arg27[%dma_start3A_117, %dma_start3A_118] : memref<10240x64xbf16, #tpu.memory_space<vmem_shared>> -> memref<10240x64xbf16, #tpu.memory_space<vmem_shared>>
        tpu.enqueue_indirect_dma source(%arg13 : memref<128x64xbf16, #tpu.memory_space<vmem>>) target(%dma_start3A_119 : memref<10240x64xbf16, #tpu.memory_space<vmem_shared>>) offsets(%dma_start3A_116 : memref<128xi32, #tpu.memory_space<vmem>>) semaphore(%arg25 : memref<!tpu.dma_semaphore, #tpu.memory_space<semaphore_mem>>) {add = true}
        %add3A_120 = arith.constant 4 : i32
        %add3A_121 = arith.addi %add3A_81, %add3A_120 : i32
        %ge3A = arith.constant 2 : i32
        %ge3A_122 = arith.cmpi sge, %add3A_81, %ge3A : i32
        %convert_element_type3A_123 = arith.extui %ge3A_122 : i1 to i32
        %cond3A_124 = arith.constant 0 : i32
        %cond3A_125 = arith.cmpi ne, %convert_element_type3A_123, %cond3A_124 : i32
        scf.if %cond3A_125 {
          tpu.wait_dma2 semaphore(%arg23 : memref<!tpu.dma_semaphore, #tpu.memory_space<semaphore_mem>>) src(%arg4 : memref<10000x64xbf16, #tpu.memory_space<hbm>>) dst(%arg11 : memref<128x64xbf16, #tpu.memory_space<vmem>>)
        } else {
        }
        %lt3A = arith.constant 80 : i32
        %lt3A_126 = arith.cmpi slt, %add3A_121, %lt3A : i32
        %convert_element_type3A_127 = arith.extui %lt3A_126 : i1 to i32
        %cond3A_128 = arith.constant 0 : i32
        %cond3A_129 = arith.cmpi ne, %convert_element_type3A_127, %cond3A_128 : i32
        scf.if %cond3A_129 {
          %dma_start3A_130 = arith.constant 0 : i32
          %dma_start3A_131 = tpu.memref_slice %arg7[%add3A_121, %dma_start3A_130] : memref<80x128xi32, #tpu.memory_space<vmem>> -> memref<1x128xi32, #tpu.memory_space<vmem>>
          %dma_start3A_132 = tpu.memref_squeeze %dma_start3A_131 : memref<1x128xi32, #tpu.memory_space<vmem>> -> memref<128xi32, #tpu.memory_space<vmem>>
          %dma_start3A_133 = arith.constant 0 : i32
          %dma_start3A_134 = arith.constant 0 : i32
          %dma_start3A_135 = tpu.memref_slice %arg28[%dma_start3A_133, %dma_start3A_134] : memref<10000x64xbf16, #tpu.memory_space<vmem_shared>> -> memref<10000x64xbf16, #tpu.memory_space<vmem_shared>>
          tpu.enqueue_indirect_dma source(%dma_start3A_135 : memref<10000x64xbf16, #tpu.memory_space<vmem_shared>>) target(%arg11 : memref<128x64xbf16, #tpu.memory_space<vmem>>) offsets(%dma_start3A_132 : memref<128xi32, #tpu.memory_space<vmem>>) semaphore(%arg17 : memref<!tpu.dma_semaphore, #tpu.memory_space<semaphore_mem>>)
        } else {
        }
      } else {
      }
      %eq3A_109 = arith.constant 5 : i32
      %eq3A_110 = arith.cmpi eq, %rem3A_83, %eq3A_109 : i32
      %convert_element_type3A_111 = arith.extui %eq3A_110 : i1 to i32
      %cond3A_112 = arith.constant 0 : i32
      %cond3A_113 = arith.cmpi ne, %convert_element_type3A_111, %cond3A_112 : i32
      scf.if %cond3A_113 {
        tpu.wait_dma2 semaphore(%arg20 : memref<!tpu.dma_semaphore, #tpu.memory_space<semaphore_mem>>) src(%arg4 : memref<10000x64xbf16, #tpu.memory_space<hbm>>) dst(%arg14 : memref<128x64xbf16, #tpu.memory_space<vmem>>)
        %dma_start3A_114 = arith.constant 0 : i32
        %dma_start3A_115 = tpu.memref_slice %arg8[%add3A_81, %dma_start3A_114] : memref<80x128xi32, #tpu.memory_space<vmem>> -> memref<1x128xi32, #tpu.memory_space<vmem>>
        %dma_start3A_116 = tpu.memref_squeeze %dma_start3A_115 : memref<1x128xi32, #tpu.memory_space<vmem>> -> memref<128xi32, #tpu.memory_space<vmem>>
        %dma_start3A_117 = arith.constant 0 : i32
        %dma_start3A_118 = arith.constant 0 : i32
        %dma_start3A_119 = tpu.memref_slice %arg27[%dma_start3A_117, %dma_start3A_118] : memref<10240x64xbf16, #tpu.memory_space<vmem_shared>> -> memref<10240x64xbf16, #tpu.memory_space<vmem_shared>>
        tpu.enqueue_indirect_dma source(%arg14 : memref<128x64xbf16, #tpu.memory_space<vmem>>) target(%dma_start3A_119 : memref<10240x64xbf16, #tpu.memory_space<vmem_shared>>) offsets(%dma_start3A_116 : memref<128xi32, #tpu.memory_space<vmem>>) semaphore(%arg26 : memref<!tpu.dma_semaphore, #tpu.memory_space<semaphore_mem>>) {add = true}
        %add3A_120 = arith.constant 4 : i32
        %add3A_121 = arith.addi %add3A_81, %add3A_120 : i32
        %ge3A = arith.constant 2 : i32
        %ge3A_122 = arith.cmpi sge, %add3A_81, %ge3A : i32
        %convert_element_type3A_123 = arith.extui %ge3A_122 : i1 to i32
        %cond3A_124 = arith.constant 0 : i32
        %cond3A_125 = arith.cmpi ne, %convert_element_type3A_123, %cond3A_124 : i32
        scf.if %cond3A_125 {
          tpu.wait_dma2 semaphore(%arg24 : memref<!tpu.dma_semaphore, #tpu.memory_space<semaphore_mem>>) src(%arg4 : memref<10000x64xbf16, #tpu.memory_space<hbm>>) dst(%arg12 : memref<128x64xbf16, #tpu.memory_space<vmem>>)
        } else {
        }
        %lt3A = arith.constant 80 : i32
        %lt3A_126 = arith.cmpi slt, %add3A_121, %lt3A : i32
        %convert_element_type3A_127 = arith.extui %lt3A_126 : i1 to i32
        %cond3A_128 = arith.constant 0 : i32
        %cond3A_129 = arith.cmpi ne, %convert_element_type3A_127, %cond3A_128 : i32
        scf.if %cond3A_129 {
          %dma_start3A_130 = arith.constant 0 : i32
          %dma_start3A_131 = tpu.memref_slice %arg7[%add3A_121, %dma_start3A_130] : memref<80x128xi32, #tpu.memory_space<vmem>> -> memref<1x128xi32, #tpu.memory_space<vmem>>
          %dma_start3A_132 = tpu.memref_squeeze %dma_start3A_131 : memref<1x128xi32, #tpu.memory_space<vmem>> -> memref<128xi32, #tpu.memory_space<vmem>>
          %dma_start3A_133 = arith.constant 0 : i32
          %dma_start3A_134 = arith.constant 0 : i32
          %dma_start3A_135 = tpu.memref_slice %arg28[%dma_start3A_133, %dma_start3A_134] : memref<10000x64xbf16, #tpu.memory_space<vmem_shared>> -> memref<10000x64xbf16, #tpu.memory_space<vmem_shared>>
          tpu.enqueue_indirect_dma source(%dma_start3A_135 : memref<10000x64xbf16, #tpu.memory_space<vmem_shared>>) target(%arg12 : memref<128x64xbf16, #tpu.memory_space<vmem>>) offsets(%dma_start3A_132 : memref<128xi32, #tpu.memory_space<vmem>>) semaphore(%arg18 : memref<!tpu.dma_semaphore, #tpu.memory_space<semaphore_mem>>)
        } else {
        }
      } else {
      }
    }
    %scan3A_39 = arith.constant 40 : i32
    tpu.wait_dma2 semaphore(%arg21 : memref<!tpu.dma_semaphore, #tpu.memory_space<semaphore_mem>>) src(%arg4 : memref<10000x64xbf16, #tpu.memory_space<hbm>>) dst(%arg9 : memref<128x64xbf16, #tpu.memory_space<vmem>>)
    tpu.wait_dma2 semaphore(%arg22 : memref<!tpu.dma_semaphore, #tpu.memory_space<semaphore_mem>>) src(%arg4 : memref<10000x64xbf16, #tpu.memory_space<hbm>>) dst(%arg10 : memref<128x64xbf16, #tpu.memory_space<vmem>>)
    %barrier3A_40 = arith.constant 0 : index
    tpu.barrier barrier_id(%barrier3A_40)
    %mul3A_41 = arith.constant 640 : i32
    %mul3A_42 = arith.muli %arg1, %mul3A_41 : i32
    %mul3A_43 = arith.constant 640 : i32
    %mul3A_44 = arith.muli %arg1, %mul3A_43 : i32
    "tpu.region"() ({
      %run_scoped3A = tpu.sem_alloc : memref<!tpu.dma_semaphore, #tpu.memory_space<semaphore_mem>>
      %dma_start3A_45 = arith.constant 0 : i32
      %dma_start3A_46 = tpu.memref_slice %arg6[%arg0, %mul3A_44, %dma_start3A_45] : memref<2x10240x64xbf16, #tpu.memory_space<hbm>> -> memref<1x640x64xbf16, #tpu.memory_space<hbm>>
      %dma_start3A_47 = tpu.memref_squeeze %dma_start3A_46 : memref<1x640x64xbf16, #tpu.memory_space<hbm>> -> memref<640x64xbf16, #tpu.memory_space<hbm>>
      %dma_start3A_48 = arith.constant 0 : i32
      %dma_start3A_49 = tpu.memref_slice %arg27[%mul3A_42, %dma_start3A_48] : memref<10240x64xbf16, #tpu.memory_space<vmem_shared>> -> memref<640x64xbf16, #tpu.memory_space<vmem_shared>>
      tpu.enqueue_dma source(%dma_start3A_49 : memref<640x64xbf16, #tpu.memory_space<vmem_shared>>) target(%dma_start3A_47 : memref<640x64xbf16, #tpu.memory_space<hbm>>) target_semaphore(%run_scoped3A : memref<!tpu.dma_semaphore, #tpu.memory_space<semaphore_mem>>)
      %dma_wait3A = arith.constant 0 : i32
      %dma_wait3A_50 = tpu.memref_slice %arg6[%arg0, %mul3A_44, %dma_wait3A] : memref<2x10240x64xbf16, #tpu.memory_space<hbm>> -> memref<1x640x64xbf16, #tpu.memory_space<hbm>>
      %dma_wait3A_51 = tpu.memref_squeeze %dma_wait3A_50 : memref<1x640x64xbf16, #tpu.memory_space<hbm>> -> memref<640x64xbf16, #tpu.memory_space<hbm>>
      %dma_wait3A_52 = arith.constant 0 : i32
      %dma_wait3A_53 = tpu.memref_slice %arg27[%mul3A_42, %dma_wait3A_52] : memref<10240x64xbf16, #tpu.memory_space<vmem_shared>> -> memref<640x64xbf16, #tpu.memory_space<vmem_shared>>
      tpu.wait_dma2 semaphore(%run_scoped3A : memref<!tpu.dma_semaphore, #tpu.memory_space<semaphore_mem>>) src(%dma_wait3A_53 : memref<640x64xbf16, #tpu.memory_space<vmem_shared>>) dst(%dma_wait3A_51 : memref<640x64xbf16, #tpu.memory_space<hbm>>)
      tpu.yield
    }) : () -> ()
    return
  }
}

#map = affine_map<(d0, d1) -> (0, 0, 0)>
#map1 = affine_map<(d0, d1) -> (0, 0)>
module attributes {stable_mosaic.version = 14 : i64} {
  func.func @_sc_degree(%arg0: i32, %arg1: i32, %arg2: memref<32x80x128xi32, #tpu.memory_space<hbm>>, %arg3: memref<10240x16xf32, #tpu.memory_space<hbm>>, %arg4: memref<128x16xf32, #tpu.memory_space<hbm>>, %arg5: memref<2x10240x16xf32, #tpu.memory_space<hbm>>, %arg6: memref<80x128xi32, #tpu.memory_space<vmem>>, %arg7: memref<128x16xf32, #tpu.memory_space<vmem>>, %arg8: memref<10240x16xf32, #tpu.memory_space<vmem_shared>>) attributes {dimension_semantics = [#tpu.dimension_semantics<core_parallel>, #tpu.dimension_semantics<subcore_parallel>], iteration_bounds = array<i64: 2, 16>, scalar_prefetch = 0 : i64, scratch_operands = 3 : i64, tpu.core_type = #tpu.core_type<sc_vector_subcore>, window_params = [{transform_indices = #map}, {transform_indices = #map1}, {transform_indices = #map1}, {transform_indices = #map}]} {
    %mul3A = arith.constant 2 : i32
    %mul3A_0 = arith.muli %arg1, %mul3A : i32
    %add3A = arith.addi %mul3A_0, %arg0 : i32
    %mul3A_1 = arith.constant 640 : i32
    %mul3A_2 = arith.muli %arg1, %mul3A_1 : i32
    %mul3A_3 = arith.constant 640 : i32
    %mul3A_4 = arith.muli %arg1, %mul3A_3 : i32
    "tpu.region"() ({
      %run_scoped3A = tpu.sem_alloc : memref<!tpu.dma_semaphore, #tpu.memory_space<semaphore_mem>>
      %dma_start3A = arith.constant 0 : i32
      %dma_start3A_14 = tpu.memref_slice %arg8[%mul3A_4, %dma_start3A] : memref<10240x16xf32, #tpu.memory_space<vmem_shared>> -> memref<640x16xf32, #tpu.memory_space<vmem_shared>>
      %dma_start3A_15 = arith.constant 0 : i32
      %dma_start3A_16 = tpu.memref_slice %arg3[%mul3A_2, %dma_start3A_15] : memref<10240x16xf32, #tpu.memory_space<hbm>> -> memref<640x16xf32, #tpu.memory_space<hbm>>
      tpu.enqueue_dma source(%dma_start3A_16 : memref<640x16xf32, #tpu.memory_space<hbm>>) target(%dma_start3A_14 : memref<640x16xf32, #tpu.memory_space<vmem_shared>>) target_semaphore(%run_scoped3A : memref<!tpu.dma_semaphore, #tpu.memory_space<semaphore_mem>>)
      %dma_wait3A = arith.constant 0 : i32
      %dma_wait3A_17 = tpu.memref_slice %arg8[%mul3A_4, %dma_wait3A] : memref<10240x16xf32, #tpu.memory_space<vmem_shared>> -> memref<640x16xf32, #tpu.memory_space<vmem_shared>>
      %dma_wait3A_18 = arith.constant 0 : i32
      %dma_wait3A_19 = tpu.memref_slice %arg3[%mul3A_2, %dma_wait3A_18] : memref<10240x16xf32, #tpu.memory_space<hbm>> -> memref<640x16xf32, #tpu.memory_space<hbm>>
      tpu.wait_dma2 semaphore(%run_scoped3A : memref<!tpu.dma_semaphore, #tpu.memory_space<semaphore_mem>>) src(%dma_wait3A_19 : memref<640x16xf32, #tpu.memory_space<hbm>>) dst(%dma_wait3A_17 : memref<640x16xf32, #tpu.memory_space<vmem_shared>>)
      tpu.yield
    }) : () -> ()
    "tpu.region"() ({
      %run_scoped3A = tpu.sem_alloc : memref<!tpu.dma_semaphore, #tpu.memory_space<semaphore_mem>>
      tpu.enqueue_dma source(%arg4 : memref<128x16xf32, #tpu.memory_space<hbm>>) target(%arg7 : memref<128x16xf32, #tpu.memory_space<vmem>>) target_semaphore(%run_scoped3A : memref<!tpu.dma_semaphore, #tpu.memory_space<semaphore_mem>>)
      tpu.wait_dma2 semaphore(%run_scoped3A : memref<!tpu.dma_semaphore, #tpu.memory_space<semaphore_mem>>) src(%arg4 : memref<128x16xf32, #tpu.memory_space<hbm>>) dst(%arg7 : memref<128x16xf32, #tpu.memory_space<vmem>>)
      tpu.yield
    }) : () -> ()
    "tpu.region"() ({
      %run_scoped3A = tpu.sem_alloc : memref<!tpu.dma_semaphore, #tpu.memory_space<semaphore_mem>>
      %dma_start3A = arith.constant 0 : i32
      %dma_start3A_14 = arith.constant 0 : i32
      %dma_start3A_15 = tpu.memref_slice %arg2[%add3A, %dma_start3A, %dma_start3A_14] : memref<32x80x128xi32, #tpu.memory_space<hbm>> -> memref<1x80x128xi32, #tpu.memory_space<hbm>>
      %dma_start3A_16 = tpu.memref_squeeze %dma_start3A_15 : memref<1x80x128xi32, #tpu.memory_space<hbm>> -> memref<80x128xi32, #tpu.memory_space<hbm>>
      %dma_start3A_17 = arith.constant 0 : i32
      %dma_start3A_18 = arith.constant 0 : i32
      %dma_start3A_19 = tpu.memref_slice %arg2[%add3A, %dma_start3A_17, %dma_start3A_18] : memref<32x80x128xi32, #tpu.memory_space<hbm>> -> memref<1x80x128xi32, #tpu.memory_space<hbm>>
      %dma_start3A_20 = tpu.memref_squeeze %dma_start3A_19 : memref<1x80x128xi32, #tpu.memory_space<hbm>> -> memref<80x128xi32, #tpu.memory_space<hbm>>
      tpu.enqueue_dma source(%dma_start3A_20 : memref<80x128xi32, #tpu.memory_space<hbm>>) target(%arg6 : memref<80x128xi32, #tpu.memory_space<vmem>>) target_semaphore(%run_scoped3A : memref<!tpu.dma_semaphore, #tpu.memory_space<semaphore_mem>>)
      %dma_wait3A = arith.constant 0 : i32
      %dma_wait3A_21 = arith.constant 0 : i32
      %dma_wait3A_22 = tpu.memref_slice %arg2[%add3A, %dma_wait3A, %dma_wait3A_21] : memref<32x80x128xi32, #tpu.memory_space<hbm>> -> memref<1x80x128xi32, #tpu.memory_space<hbm>>
      %dma_wait3A_23 = tpu.memref_squeeze %dma_wait3A_22 : memref<1x80x128xi32, #tpu.memory_space<hbm>> -> memref<80x128xi32, #tpu.memory_space<hbm>>
      %dma_wait3A_24 = arith.constant 0 : i32
      %dma_wait3A_25 = arith.constant 0 : i32
      %dma_wait3A_26 = tpu.memref_slice %arg2[%add3A, %dma_wait3A_24, %dma_wait3A_25] : memref<32x80x128xi32, #tpu.memory_space<hbm>> -> memref<1x80x128xi32, #tpu.memory_space<hbm>>
      %dma_wait3A_27 = tpu.memref_squeeze %dma_wait3A_26 : memref<1x80x128xi32, #tpu.memory_space<hbm>> -> memref<80x128xi32, #tpu.memory_space<hbm>>
      tpu.wait_dma2 semaphore(%run_scoped3A : memref<!tpu.dma_semaphore, #tpu.memory_space<semaphore_mem>>) src(%dma_wait3A_27 : memref<80x128xi32, #tpu.memory_space<hbm>>) dst(%arg6 : memref<80x128xi32, #tpu.memory_space<vmem>>)
      tpu.yield
    }) : () -> ()
    %barrier3A = arith.constant 0 : index
    tpu.barrier barrier_id(%barrier3A)
    %scan3A = arith.constant 0 : i32
    %scan3A_5 = arith.constant 80 : i32
    %scan3A_6 = arith.addi %scan3A, %scan3A_5 : i32
    %scan3A_7 = arith.constant 1 : i32
    scf.for %scan3A_14 = %scan3A to %scan3A_6 step %scan3A_7  : i32 {
      %mul3A_15 = arith.constant 1 : i32
      %mul3A_16 = arith.muli %scan3A_14, %mul3A_15 : i32
      %add3A_17 = arith.constant 0 : i32
      %add3A_18 = arith.addi %add3A_17, %mul3A_16 : i32
      "tpu.region"() ({
        %run_scoped3A = tpu.sem_alloc : memref<!tpu.dma_semaphore, #tpu.memory_space<semaphore_mem>>
        %dma_start3A = arith.constant 0 : i32
        %dma_start3A_19 = tpu.memref_slice %arg6[%add3A_18, %dma_start3A] : memref<80x128xi32, #tpu.memory_space<vmem>> -> memref<1x128xi32, #tpu.memory_space<vmem>>
        %dma_start3A_20 = tpu.memref_squeeze %dma_start3A_19 : memref<1x128xi32, #tpu.memory_space<vmem>> -> memref<128xi32, #tpu.memory_space<vmem>>
        %dma_start3A_21 = arith.constant 0 : i32
        %dma_start3A_22 = arith.constant 0 : i32
        %dma_start3A_23 = tpu.memref_slice %arg8[%dma_start3A_21, %dma_start3A_22] : memref<10240x16xf32, #tpu.memory_space<vmem_shared>> -> memref<10240x16xf32, #tpu.memory_space<vmem_shared>>
        tpu.enqueue_indirect_dma source(%arg7 : memref<128x16xf32, #tpu.memory_space<vmem>>) target(%dma_start3A_23 : memref<10240x16xf32, #tpu.memory_space<vmem_shared>>) offsets(%dma_start3A_20 : memref<128xi32, #tpu.memory_space<vmem>>) semaphore(%run_scoped3A : memref<!tpu.dma_semaphore, #tpu.memory_space<semaphore_mem>>) {add = true}
        %dma_wait3A = arith.constant 0 : i32
        %dma_wait3A_24 = tpu.memref_slice %arg6[%add3A_18, %dma_wait3A] : memref<80x128xi32, #tpu.memory_space<vmem>> -> memref<1x128xi32, #tpu.memory_space<vmem>>
        %dma_wait3A_25 = tpu.memref_squeeze %dma_wait3A_24 : memref<1x128xi32, #tpu.memory_space<vmem>> -> memref<128xi32, #tpu.memory_space<vmem>>
        %dma_wait3A_26 = arith.constant 0 : i32
        %dma_wait3A_27 = arith.constant 0 : i32
        %dma_wait3A_28 = tpu.memref_slice %arg8[%dma_wait3A_26, %dma_wait3A_27] : memref<10240x16xf32, #tpu.memory_space<vmem_shared>> -> memref<10240x16xf32, #tpu.memory_space<vmem_shared>>
        tpu.wait_indirect_dma semaphore(%run_scoped3A : memref<!tpu.dma_semaphore, #tpu.memory_space<semaphore_mem>>) src(%arg7 : memref<128x16xf32, #tpu.memory_space<vmem>>) dst(%dma_wait3A_28 : memref<10240x16xf32, #tpu.memory_space<vmem_shared>>)
        tpu.yield
      }) : () -> ()
    }
    %scan3A_8 = arith.constant 80 : i32
    %barrier3A_9 = arith.constant 0 : index
    tpu.barrier barrier_id(%barrier3A_9)
    %mul3A_10 = arith.constant 640 : i32
    %mul3A_11 = arith.muli %arg1, %mul3A_10 : i32
    %mul3A_12 = arith.constant 640 : i32
    %mul3A_13 = arith.muli %arg1, %mul3A_12 : i32
    "tpu.region"() ({
      %run_scoped3A = tpu.sem_alloc : memref<!tpu.dma_semaphore, #tpu.memory_space<semaphore_mem>>
      %dma_start3A = arith.constant 0 : i32
      %dma_start3A_14 = tpu.memref_slice %arg5[%arg0, %mul3A_13, %dma_start3A] : memref<2x10240x16xf32, #tpu.memory_space<hbm>> -> memref<1x640x16xf32, #tpu.memory_space<hbm>>
      %dma_start3A_15 = tpu.memref_squeeze %dma_start3A_14 : memref<1x640x16xf32, #tpu.memory_space<hbm>> -> memref<640x16xf32, #tpu.memory_space<hbm>>
      %dma_start3A_16 = arith.constant 0 : i32
      %dma_start3A_17 = tpu.memref_slice %arg8[%mul3A_11, %dma_start3A_16] : memref<10240x16xf32, #tpu.memory_space<vmem_shared>> -> memref<640x16xf32, #tpu.memory_space<vmem_shared>>
      tpu.enqueue_dma source(%dma_start3A_17 : memref<640x16xf32, #tpu.memory_space<vmem_shared>>) target(%dma_start3A_15 : memref<640x16xf32, #tpu.memory_space<hbm>>) target_semaphore(%run_scoped3A : memref<!tpu.dma_semaphore, #tpu.memory_space<semaphore_mem>>)
      %dma_wait3A = arith.constant 0 : i32
      %dma_wait3A_18 = tpu.memref_slice %arg5[%arg0, %mul3A_13, %dma_wait3A] : memref<2x10240x16xf32, #tpu.memory_space<hbm>> -> memref<1x640x16xf32, #tpu.memory_space<hbm>>
      %dma_wait3A_19 = tpu.memref_squeeze %dma_wait3A_18 : memref<1x640x16xf32, #tpu.memory_space<hbm>> -> memref<640x16xf32, #tpu.memory_space<hbm>>
      %dma_wait3A_20 = arith.constant 0 : i32
      %dma_wait3A_21 = tpu.memref_slice %arg8[%mul3A_11, %dma_wait3A_20] : memref<10240x16xf32, #tpu.memory_space<vmem_shared>> -> memref<640x16xf32, #tpu.memory_space<vmem_shared>>
      tpu.wait_dma2 semaphore(%run_scoped3A : memref<!tpu.dma_semaphore, #tpu.memory_space<semaphore_mem>>) src(%dma_wait3A_21 : memref<640x16xf32, #tpu.memory_space<vmem_shared>>) dst(%dma_wait3A_19 : memref<640x16xf32, #tpu.memory_space<hbm>>)
      tpu.yield
    }) : () -> ()
    return
  }
}

#map = affine_map<(d0, d1) -> (0, 0, 0)>
#map1 = affine_map<(d0, d1) -> (0, 0)>
module attributes {stable_mosaic.version = 14 : i64} {
  func.func @_sc_aggregate_scaled(%arg0: i32, %arg1: i32, %arg2: memref<32x80x128xi32, #tpu.memory_space<hbm>>, %arg3: memref<32x80x128xi32, #tpu.memory_space<hbm>>, %arg4: memref<10000x64xbf16, #tpu.memory_space<hbm>>, %arg5: memref<10240x64xbf16, #tpu.memory_space<hbm>>, %arg6: memref<2x10240x16xf32, #tpu.memory_space<hbm>>, %arg7: memref<2x10240x64xbf16, #tpu.memory_space<hbm>>, %arg8: memref<80x128xi32, #tpu.memory_space<vmem>>, %arg9: memref<80x128xi32, #tpu.memory_space<vmem>>, %arg10: memref<128x64xbf16, #tpu.memory_space<vmem>>, %arg11: memref<128x64xbf16, #tpu.memory_space<vmem>>, %arg12: memref<128x64xbf16, #tpu.memory_space<vmem>>, %arg13: memref<128x64xbf16, #tpu.memory_space<vmem>>, %arg14: memref<128x64xbf16, #tpu.memory_space<vmem>>, %arg15: memref<128x64xbf16, #tpu.memory_space<vmem>>, %arg16: memref<!tpu.dma_semaphore, #tpu.memory_space<semaphore_mem>>, %arg17: memref<!tpu.dma_semaphore, #tpu.memory_space<semaphore_mem>>, %arg18: memref<!tpu.dma_semaphore, #tpu.memory_space<semaphore_mem>>, %arg19: memref<!tpu.dma_semaphore, #tpu.memory_space<semaphore_mem>>, %arg20: memref<!tpu.dma_semaphore, #tpu.memory_space<semaphore_mem>>, %arg21: memref<!tpu.dma_semaphore, #tpu.memory_space<semaphore_mem>>, %arg22: memref<!tpu.dma_semaphore, #tpu.memory_space<semaphore_mem>>, %arg23: memref<!tpu.dma_semaphore, #tpu.memory_space<semaphore_mem>>, %arg24: memref<!tpu.dma_semaphore, #tpu.memory_space<semaphore_mem>>, %arg25: memref<!tpu.dma_semaphore, #tpu.memory_space<semaphore_mem>>, %arg26: memref<!tpu.dma_semaphore, #tpu.memory_space<semaphore_mem>>, %arg27: memref<!tpu.dma_semaphore, #tpu.memory_space<semaphore_mem>>, %arg28: memref<10240x64xbf16, #tpu.memory_space<vmem_shared>>, %arg29: memref<10000x64xbf16, #tpu.memory_space<vmem_shared>>, %arg30: memref<625x64xbf16, #tpu.memory_space<vmem>>, %arg31: memref<625x16xf32, #tpu.memory_space<vmem>>, %arg32: memref<625x16xf32, #tpu.memory_space<vmem>>) attributes {dimension_semantics = [#tpu.dimension_semantics<core_parallel>, #tpu.dimension_semantics<subcore_parallel>], iteration_bounds = array<i64: 2, 16>, scalar_prefetch = 0 : i64, scratch_operands = 25 : i64, tpu.core_type = #tpu.core_type<sc_vector_subcore>, window_params = [{transform_indices = #map}, {transform_indices = #map}, {transform_indices = #map1}, {transform_indices = #map1}, {transform_indices = #map}, {transform_indices = #map}]} {
    %mul3A = arith.constant 2 : i32
    %mul3A_0 = arith.muli %arg1, %mul3A : i32
    %add3A = arith.addi %mul3A_0, %arg0 : i32
    %mul3A_1 = arith.constant 625 : i32
    %mul3A_2 = arith.muli %arg1, %mul3A_1 : i32
    "tpu.region"() ({
      %run_scoped3A_52 = tpu.sem_alloc : memref<!tpu.dma_semaphore, #tpu.memory_space<semaphore_mem>>
      %dma_start3A_53 = arith.constant 0 : i32
      %dma_start3A_54 = tpu.memref_slice %arg4[%mul3A_2, %dma_start3A_53] : memref<10000x64xbf16, #tpu.memory_space<hbm>> -> memref<625x64xbf16, #tpu.memory_space<hbm>>
      %dma_start3A_55 = arith.constant 0 : i32
      %dma_start3A_56 = tpu.memref_slice %arg4[%mul3A_2, %dma_start3A_55] : memref<10000x64xbf16, #tpu.memory_space<hbm>> -> memref<625x64xbf16, #tpu.memory_space<hbm>>
      tpu.enqueue_dma source(%dma_start3A_56 : memref<625x64xbf16, #tpu.memory_space<hbm>>) target(%arg30 : memref<625x64xbf16, #tpu.memory_space<vmem>>) target_semaphore(%run_scoped3A_52 : memref<!tpu.dma_semaphore, #tpu.memory_space<semaphore_mem>>)
      %dma_wait3A = arith.constant 0 : i32
      %dma_wait3A_57 = tpu.memref_slice %arg4[%mul3A_2, %dma_wait3A] : memref<10000x64xbf16, #tpu.memory_space<hbm>> -> memref<625x64xbf16, #tpu.memory_space<hbm>>
      %dma_wait3A_58 = arith.constant 0 : i32
      %dma_wait3A_59 = tpu.memref_slice %arg4[%mul3A_2, %dma_wait3A_58] : memref<10000x64xbf16, #tpu.memory_space<hbm>> -> memref<625x64xbf16, #tpu.memory_space<hbm>>
      tpu.wait_dma2 semaphore(%run_scoped3A_52 : memref<!tpu.dma_semaphore, #tpu.memory_space<semaphore_mem>>) src(%dma_wait3A_59 : memref<625x64xbf16, #tpu.memory_space<hbm>>) dst(%arg30 : memref<625x64xbf16, #tpu.memory_space<vmem>>)
      tpu.yield
    }) : () -> ()
    %mul3A_3 = arith.constant 625 : i32
    %mul3A_4 = arith.muli %arg1, %mul3A_3 : i32
    %run_scoped3A = arith.constant 0 : i32
    "tpu.region"() ({
      %run_scoped3A_52 = tpu.sem_alloc : memref<!tpu.dma_semaphore, #tpu.memory_space<semaphore_mem>>
      %dma_start3A_53 = arith.constant 0 : i32
      %dma_start3A_54 = tpu.memref_slice %arg6[%run_scoped3A, %mul3A_4, %dma_start3A_53] : memref<2x10240x16xf32, #tpu.memory_space<hbm>> -> memref<1x625x16xf32, #tpu.memory_space<hbm>>
      %dma_start3A_55 = tpu.memref_squeeze %dma_start3A_54 : memref<1x625x16xf32, #tpu.memory_space<hbm>> -> memref<625x16xf32, #tpu.memory_space<hbm>>
      %dma_start3A_56 = arith.constant 0 : i32
      %dma_start3A_57 = tpu.memref_slice %arg6[%run_scoped3A, %mul3A_4, %dma_start3A_56] : memref<2x10240x16xf32, #tpu.memory_space<hbm>> -> memref<1x625x16xf32, #tpu.memory_space<hbm>>
      %dma_start3A_58 = tpu.memref_squeeze %dma_start3A_57 : memref<1x625x16xf32, #tpu.memory_space<hbm>> -> memref<625x16xf32, #tpu.memory_space<hbm>>
      tpu.enqueue_dma source(%dma_start3A_58 : memref<625x16xf32, #tpu.memory_space<hbm>>) target(%arg31 : memref<625x16xf32, #tpu.memory_space<vmem>>) target_semaphore(%run_scoped3A_52 : memref<!tpu.dma_semaphore, #tpu.memory_space<semaphore_mem>>)
      %dma_wait3A = arith.constant 0 : i32
      %dma_wait3A_59 = tpu.memref_slice %arg6[%run_scoped3A, %mul3A_4, %dma_wait3A] : memref<2x10240x16xf32, #tpu.memory_space<hbm>> -> memref<1x625x16xf32, #tpu.memory_space<hbm>>
      %dma_wait3A_60 = tpu.memref_squeeze %dma_wait3A_59 : memref<1x625x16xf32, #tpu.memory_space<hbm>> -> memref<625x16xf32, #tpu.memory_space<hbm>>
      %dma_wait3A_61 = arith.constant 0 : i32
      %dma_wait3A_62 = tpu.memref_slice %arg6[%run_scoped3A, %mul3A_4, %dma_wait3A_61] : memref<2x10240x16xf32, #tpu.memory_space<hbm>> -> memref<1x625x16xf32, #tpu.memory_space<hbm>>
      %dma_wait3A_63 = tpu.memref_squeeze %dma_wait3A_62 : memref<1x625x16xf32, #tpu.memory_space<hbm>> -> memref<625x16xf32, #tpu.memory_space<hbm>>
      tpu.wait_dma2 semaphore(%run_scoped3A_52 : memref<!tpu.dma_semaphore, #tpu.memory_space<semaphore_mem>>) src(%dma_wait3A_63 : memref<625x16xf32, #tpu.memory_space<hbm>>) dst(%arg31 : memref<625x16xf32, #tpu.memory_space<vmem>>)
      tpu.yield
    }) : () -> ()
    %mul3A_5 = arith.constant 625 : i32
    %mul3A_6 = arith.muli %arg1, %mul3A_5 : i32
    %run_scoped3A_7 = arith.constant 1 : i32
    "tpu.region"() ({
      %run_scoped3A_52 = tpu.sem_alloc : memref<!tpu.dma_semaphore, #tpu.memory_space<semaphore_mem>>
      %dma_start3A_53 = arith.constant 0 : i32
      %dma_start3A_54 = tpu.memref_slice %arg6[%run_scoped3A_7, %mul3A_6, %dma_start3A_53] : memref<2x10240x16xf32, #tpu.memory_space<hbm>> -> memref<1x625x16xf32, #tpu.memory_space<hbm>>
      %dma_start3A_55 = tpu.memref_squeeze %dma_start3A_54 : memref<1x625x16xf32, #tpu.memory_space<hbm>> -> memref<625x16xf32, #tpu.memory_space<hbm>>
      %dma_start3A_56 = arith.constant 0 : i32
      %dma_start3A_57 = tpu.memref_slice %arg6[%run_scoped3A_7, %mul3A_6, %dma_start3A_56] : memref<2x10240x16xf32, #tpu.memory_space<hbm>> -> memref<1x625x16xf32, #tpu.memory_space<hbm>>
      %dma_start3A_58 = tpu.memref_squeeze %dma_start3A_57 : memref<1x625x16xf32, #tpu.memory_space<hbm>> -> memref<625x16xf32, #tpu.memory_space<hbm>>
      tpu.enqueue_dma source(%dma_start3A_58 : memref<625x16xf32, #tpu.memory_space<hbm>>) target(%arg32 : memref<625x16xf32, #tpu.memory_space<vmem>>) target_semaphore(%run_scoped3A_52 : memref<!tpu.dma_semaphore, #tpu.memory_space<semaphore_mem>>)
      %dma_wait3A = arith.constant 0 : i32
      %dma_wait3A_59 = tpu.memref_slice %arg6[%run_scoped3A_7, %mul3A_6, %dma_wait3A] : memref<2x10240x16xf32, #tpu.memory_space<hbm>> -> memref<1x625x16xf32, #tpu.memory_space<hbm>>
      %dma_wait3A_60 = tpu.memref_squeeze %dma_wait3A_59 : memref<1x625x16xf32, #tpu.memory_space<hbm>> -> memref<625x16xf32, #tpu.memory_space<hbm>>
      %dma_wait3A_61 = arith.constant 0 : i32
      %dma_wait3A_62 = tpu.memref_slice %arg6[%run_scoped3A_7, %mul3A_6, %dma_wait3A_61] : memref<2x10240x16xf32, #tpu.memory_space<hbm>> -> memref<1x625x16xf32, #tpu.memory_space<hbm>>
      %dma_wait3A_63 = tpu.memref_squeeze %dma_wait3A_62 : memref<1x625x16xf32, #tpu.memory_space<hbm>> -> memref<625x16xf32, #tpu.memory_space<hbm>>
      tpu.wait_dma2 semaphore(%run_scoped3A_52 : memref<!tpu.dma_semaphore, #tpu.memory_space<semaphore_mem>>) src(%dma_wait3A_63 : memref<625x16xf32, #tpu.memory_space<hbm>>) dst(%arg32 : memref<625x16xf32, #tpu.memory_space<vmem>>)
      tpu.yield
    }) : () -> ()
    %mul3A_8 = arith.constant 640 : i32
    %mul3A_9 = arith.muli %arg1, %mul3A_8 : i32
    %mul3A_10 = arith.constant 640 : i32
    %mul3A_11 = arith.muli %arg1, %mul3A_10 : i32
    "tpu.region"() ({
      %run_scoped3A_52 = tpu.sem_alloc : memref<!tpu.dma_semaphore, #tpu.memory_space<semaphore_mem>>
      %dma_start3A_53 = arith.constant 0 : i32
      %dma_start3A_54 = tpu.memref_slice %arg28[%mul3A_11, %dma_start3A_53] : memref<10240x64xbf16, #tpu.memory_space<vmem_shared>> -> memref<640x64xbf16, #tpu.memory_space<vmem_shared>>
      %dma_start3A_55 = arith.constant 0 : i32
      %dma_start3A_56 = tpu.memref_slice %arg5[%mul3A_9, %dma_start3A_55] : memref<10240x64xbf16, #tpu.memory_space<hbm>> -> memref<640x64xbf16, #tpu.memory_space<hbm>>
      tpu.enqueue_dma source(%dma_start3A_56 : memref<640x64xbf16, #tpu.memory_space<hbm>>) target(%dma_start3A_54 : memref<640x64xbf16, #tpu.memory_space<vmem_shared>>) target_semaphore(%run_scoped3A_52 : memref<!tpu.dma_semaphore, #tpu.memory_space<semaphore_mem>>)
      %dma_wait3A = arith.constant 0 : i32
      %dma_wait3A_57 = tpu.memref_slice %arg28[%mul3A_11, %dma_wait3A] : memref<10240x64xbf16, #tpu.memory_space<vmem_shared>> -> memref<640x64xbf16, #tpu.memory_space<vmem_shared>>
      %dma_wait3A_58 = arith.constant 0 : i32
      %dma_wait3A_59 = tpu.memref_slice %arg5[%mul3A_9, %dma_wait3A_58] : memref<10240x64xbf16, #tpu.memory_space<hbm>> -> memref<640x64xbf16, #tpu.memory_space<hbm>>
      tpu.wait_dma2 semaphore(%run_scoped3A_52 : memref<!tpu.dma_semaphore, #tpu.memory_space<semaphore_mem>>) src(%dma_wait3A_59 : memref<640x64xbf16, #tpu.memory_space<hbm>>) dst(%dma_wait3A_57 : memref<640x64xbf16, #tpu.memory_space<vmem_shared>>)
      tpu.yield
    }) : () -> ()
    "tpu.region"() ({
      %run_scoped3A_52 = tpu.sem_alloc : memref<!tpu.dma_semaphore, #tpu.memory_space<semaphore_mem>>
      %dma_start3A_53 = arith.constant 0 : i32
      %dma_start3A_54 = arith.constant 0 : i32
      %dma_start3A_55 = tpu.memref_slice %arg2[%add3A, %dma_start3A_53, %dma_start3A_54] : memref<32x80x128xi32, #tpu.memory_space<hbm>> -> memref<1x80x128xi32, #tpu.memory_space<hbm>>
      %dma_start3A_56 = tpu.memref_squeeze %dma_start3A_55 : memref<1x80x128xi32, #tpu.memory_space<hbm>> -> memref<80x128xi32, #tpu.memory_space<hbm>>
      %dma_start3A_57 = arith.constant 0 : i32
      %dma_start3A_58 = arith.constant 0 : i32
      %dma_start3A_59 = tpu.memref_slice %arg2[%add3A, %dma_start3A_57, %dma_start3A_58] : memref<32x80x128xi32, #tpu.memory_space<hbm>> -> memref<1x80x128xi32, #tpu.memory_space<hbm>>
      %dma_start3A_60 = tpu.memref_squeeze %dma_start3A_59 : memref<1x80x128xi32, #tpu.memory_space<hbm>> -> memref<80x128xi32, #tpu.memory_space<hbm>>
      tpu.enqueue_dma source(%dma_start3A_60 : memref<80x128xi32, #tpu.memory_space<hbm>>) target(%arg8 : memref<80x128xi32, #tpu.memory_space<vmem>>) target_semaphore(%run_scoped3A_52 : memref<!tpu.dma_semaphore, #tpu.memory_space<semaphore_mem>>)
      %dma_wait3A = arith.constant 0 : i32
      %dma_wait3A_61 = arith.constant 0 : i32
      %dma_wait3A_62 = tpu.memref_slice %arg2[%add3A, %dma_wait3A, %dma_wait3A_61] : memref<32x80x128xi32, #tpu.memory_space<hbm>> -> memref<1x80x128xi32, #tpu.memory_space<hbm>>
      %dma_wait3A_63 = tpu.memref_squeeze %dma_wait3A_62 : memref<1x80x128xi32, #tpu.memory_space<hbm>> -> memref<80x128xi32, #tpu.memory_space<hbm>>
      %dma_wait3A_64 = arith.constant 0 : i32
      %dma_wait3A_65 = arith.constant 0 : i32
      %dma_wait3A_66 = tpu.memref_slice %arg2[%add3A, %dma_wait3A_64, %dma_wait3A_65] : memref<32x80x128xi32, #tpu.memory_space<hbm>> -> memref<1x80x128xi32, #tpu.memory_space<hbm>>
      %dma_wait3A_67 = tpu.memref_squeeze %dma_wait3A_66 : memref<1x80x128xi32, #tpu.memory_space<hbm>> -> memref<80x128xi32, #tpu.memory_space<hbm>>
      tpu.wait_dma2 semaphore(%run_scoped3A_52 : memref<!tpu.dma_semaphore, #tpu.memory_space<semaphore_mem>>) src(%dma_wait3A_67 : memref<80x128xi32, #tpu.memory_space<hbm>>) dst(%arg8 : memref<80x128xi32, #tpu.memory_space<vmem>>)
      tpu.yield
    }) : () -> ()
    "tpu.region"() ({
      %run_scoped3A_52 = tpu.sem_alloc : memref<!tpu.dma_semaphore, #tpu.memory_space<semaphore_mem>>
      %dma_start3A_53 = arith.constant 0 : i32
      %dma_start3A_54 = arith.constant 0 : i32
      %dma_start3A_55 = tpu.memref_slice %arg3[%add3A, %dma_start3A_53, %dma_start3A_54] : memref<32x80x128xi32, #tpu.memory_space<hbm>> -> memref<1x80x128xi32, #tpu.memory_space<hbm>>
      %dma_start3A_56 = tpu.memref_squeeze %dma_start3A_55 : memref<1x80x128xi32, #tpu.memory_space<hbm>> -> memref<80x128xi32, #tpu.memory_space<hbm>>
      %dma_start3A_57 = arith.constant 0 : i32
      %dma_start3A_58 = arith.constant 0 : i32
      %dma_start3A_59 = tpu.memref_slice %arg3[%add3A, %dma_start3A_57, %dma_start3A_58] : memref<32x80x128xi32, #tpu.memory_space<hbm>> -> memref<1x80x128xi32, #tpu.memory_space<hbm>>
      %dma_start3A_60 = tpu.memref_squeeze %dma_start3A_59 : memref<1x80x128xi32, #tpu.memory_space<hbm>> -> memref<80x128xi32, #tpu.memory_space<hbm>>
      tpu.enqueue_dma source(%dma_start3A_60 : memref<80x128xi32, #tpu.memory_space<hbm>>) target(%arg9 : memref<80x128xi32, #tpu.memory_space<vmem>>) target_semaphore(%run_scoped3A_52 : memref<!tpu.dma_semaphore, #tpu.memory_space<semaphore_mem>>)
      %dma_wait3A = arith.constant 0 : i32
      %dma_wait3A_61 = arith.constant 0 : i32
      %dma_wait3A_62 = tpu.memref_slice %arg3[%add3A, %dma_wait3A, %dma_wait3A_61] : memref<32x80x128xi32, #tpu.memory_space<hbm>> -> memref<1x80x128xi32, #tpu.memory_space<hbm>>
      %dma_wait3A_63 = tpu.memref_squeeze %dma_wait3A_62 : memref<1x80x128xi32, #tpu.memory_space<hbm>> -> memref<80x128xi32, #tpu.memory_space<hbm>>
      %dma_wait3A_64 = arith.constant 0 : i32
      %dma_wait3A_65 = arith.constant 0 : i32
      %dma_wait3A_66 = tpu.memref_slice %arg3[%add3A, %dma_wait3A_64, %dma_wait3A_65] : memref<32x80x128xi32, #tpu.memory_space<hbm>> -> memref<1x80x128xi32, #tpu.memory_space<hbm>>
      %dma_wait3A_67 = tpu.memref_squeeze %dma_wait3A_66 : memref<1x80x128xi32, #tpu.memory_space<hbm>> -> memref<80x128xi32, #tpu.memory_space<hbm>>
      tpu.wait_dma2 semaphore(%run_scoped3A_52 : memref<!tpu.dma_semaphore, #tpu.memory_space<semaphore_mem>>) src(%dma_wait3A_67 : memref<80x128xi32, #tpu.memory_space<hbm>>) dst(%arg9 : memref<80x128xi32, #tpu.memory_space<vmem>>)
      tpu.yield
    }) : () -> ()
    %parallel_loop3A = arith.constant 0 : i32
    %parallel_loop3A_12 = arith.constant 625 : i32
    %parallel_loop3A_13 = arith.constant 1 : i32
    scf.for %parallel_loop3A_52 = %parallel_loop3A to %parallel_loop3A_12 step %parallel_loop3A_13  : i32 {
      %parallel_loop3A_53 = arith.index_cast %parallel_loop3A_52 : i32 to index
      %parallel_loop3A_54 = arith.constant 0 : index
      %parallel_loop3A_55 = tpu.vector_load %arg31[%parallel_loop3A_53, %parallel_loop3A_54] {strides = array<i32>} : memref<625x16xf32, #tpu.memory_space<vmem>>, vector<16xf32>,
      %parallel_loop3A_56 = arith.index_cast %parallel_loop3A_52 : i32 to index
      %parallel_loop3A_57 = arith.constant 0 : index
      %parallel_loop3A_58 = tpu.vector_load %arg32[%parallel_loop3A_56, %parallel_loop3A_57] {strides = array<i32>} : memref<625x16xf32, #tpu.memory_space<vmem>>, vector<16xf32>,
      %parallel_loop3A_59 = arith.addf %parallel_loop3A_55, %parallel_loop3A_58 : vector<16xf32>
      %parallel_loop3A_60 = arith.constant 1.000000e+00 : f32
      %parallel_loop3A_61 = vector.broadcast %parallel_loop3A_60 : f32 to vector<16xf32>
      %parallel_loop3A_62 = arith.addf %parallel_loop3A_59, %parallel_loop3A_61 : vector<16xf32>
      %parallel_loop3A_63 = vector.bitcast %parallel_loop3A_62 : vector<16xf32> to vector<16xi32>
      %parallel_loop3A_64 = arith.constant 1 : i32
      %parallel_loop3A_65 = vector.broadcast %parallel_loop3A_64 : i32 to vector<16xi32>
      %parallel_loop3A_66 = arith.shrsi %parallel_loop3A_63, %parallel_loop3A_65 : vector<16xi32>
      %parallel_loop3A_67 = arith.constant 1597463007 : i32
      %parallel_loop3A_68 = vector.broadcast %parallel_loop3A_67 : i32 to vector<16xi32>
      %parallel_loop3A_69 = arith.subi %parallel_loop3A_68, %parallel_loop3A_66 : vector<16xi32>
      %parallel_loop3A_70 = vector.bitcast %parallel_loop3A_69 : vector<16xi32> to vector<16xf32>
      %parallel_loop3A_71 = arith.constant 5.000000e-01 : f32
      %parallel_loop3A_72 = vector.broadcast %parallel_loop3A_71 : f32 to vector<16xf32>
      %parallel_loop3A_73 = arith.mulf %parallel_loop3A_72, %parallel_loop3A_62 : vector<16xf32>
      %parallel_loop3A_74 = arith.mulf %parallel_loop3A_73, %parallel_loop3A_70 : vector<16xf32>
      %parallel_loop3A_75 = arith.mulf %parallel_loop3A_74, %parallel_loop3A_70 : vector<16xf32>
      %parallel_loop3A_76 = arith.constant 1.500000e+00 : f32
      %parallel_loop3A_77 = vector.broadcast %parallel_loop3A_76 : f32 to vector<16xf32>
      %parallel_loop3A_78 = arith.subf %parallel_loop3A_77, %parallel_loop3A_75 : vector<16xf32>
      %parallel_loop3A_79 = arith.mulf %parallel_loop3A_70, %parallel_loop3A_78 : vector<16xf32>
      %parallel_loop3A_80 = arith.constant 5.000000e-01 : f32
      %parallel_loop3A_81 = vector.broadcast %parallel_loop3A_80 : f32 to vector<16xf32>
      %parallel_loop3A_82 = arith.mulf %parallel_loop3A_81, %parallel_loop3A_62 : vector<16xf32>
      %parallel_loop3A_83 = arith.mulf %parallel_loop3A_82, %parallel_loop3A_79 : vector<16xf32>
      %parallel_loop3A_84 = arith.mulf %parallel_loop3A_83, %parallel_loop3A_79 : vector<16xf32>
      %parallel_loop3A_85 = arith.constant 1.500000e+00 : f32
      %parallel_loop3A_86 = vector.broadcast %parallel_loop3A_85 : f32 to vector<16xf32>
      %parallel_loop3A_87 = arith.subf %parallel_loop3A_86, %parallel_loop3A_84 : vector<16xf32>
      %parallel_loop3A_88 = arith.mulf %parallel_loop3A_79, %parallel_loop3A_87 : vector<16xf32>
      %parallel_loop3A_89 = arith.constant 5.000000e-01 : f32
      %parallel_loop3A_90 = vector.broadcast %parallel_loop3A_89 : f32 to vector<16xf32>
      %parallel_loop3A_91 = arith.mulf %parallel_loop3A_90, %parallel_loop3A_62 : vector<16xf32>
      %parallel_loop3A_92 = arith.mulf %parallel_loop3A_91, %parallel_loop3A_88 : vector<16xf32>
      %parallel_loop3A_93 = arith.mulf %parallel_loop3A_92, %parallel_loop3A_88 : vector<16xf32>
      %parallel_loop3A_94 = arith.constant 1.500000e+00 : f32
      %parallel_loop3A_95 = vector.broadcast %parallel_loop3A_94 : f32 to vector<16xf32>
      %parallel_loop3A_96 = arith.subf %parallel_loop3A_95, %parallel_loop3A_93 : vector<16xf32>
      %parallel_loop3A_97 = arith.mulf %parallel_loop3A_88, %parallel_loop3A_96 : vector<16xf32>
      %parallel_loop3A_98 = tpu.pack_subelements %parallel_loop3A_97, %parallel_loop3A_97 {pack_format = #tpu.pack_format<interleaved>, positions = array<i32: 0, 1>} : vector<16xf32>, vector<16xf32> -> vector<32xbf16>
      %parallel_loop3A_99 = arith.index_cast %parallel_loop3A_52 : i32 to index
      %parallel_loop3A_100 = arith.constant 0 : index
      %parallel_loop3A_101 = tpu.vector_load %arg30[%parallel_loop3A_99, %parallel_loop3A_100] {strides = array<i32>} : memref<625x64xbf16, #tpu.memory_space<vmem>>, vector<32xbf16>,
      %parallel_loop3A_102 = arith.mulf %parallel_loop3A_101, %parallel_loop3A_98 : vector<32xbf16>
      %parallel_loop3A_103 = arith.index_cast %parallel_loop3A_52 : i32 to index
      %parallel_loop3A_104 = arith.constant 0 : index
      %parallel_loop3A_105 = tpu.vector_load %arg30[%parallel_loop3A_103, %parallel_loop3A_104] {strides = array<i32>} : memref<625x64xbf16, #tpu.memory_space<vmem>>, vector<32xbf16>,
      tpu.vector_store %arg30[%parallel_loop3A_103, %parallel_loop3A_104], %parallel_loop3A_102 {strides = array<i32>} : memref<625x64xbf16, #tpu.memory_space<vmem>>, vector<32xbf16>,
      %parallel_loop3A_106 = arith.index_cast %parallel_loop3A_52 : i32 to index
      %parallel_loop3A_107 = arith.constant 32 : index
      %parallel_loop3A_108 = tpu.vector_load %arg30[%parallel_loop3A_106, %parallel_loop3A_107] {strides = array<i32>} : memref<625x64xbf16, #tpu.memory_space<vmem>>, vector<32xbf16>,
      %parallel_loop3A_109 = arith.mulf %parallel_loop3A_108, %parallel_loop3A_98 : vector<32xbf16>
      %parallel_loop3A_110 = arith.index_cast %parallel_loop3A_52 : i32 to index
      %parallel_loop3A_111 = arith.constant 32 : index
      %parallel_loop3A_112 = tpu.vector_load %arg30[%parallel_loop3A_110, %parallel_loop3A_111] {strides = array<i32>} : memref<625x64xbf16, #tpu.memory_space<vmem>>, vector<32xbf16>,
      tpu.vector_store %arg30[%parallel_loop3A_110, %parallel_loop3A_111], %parallel_loop3A_109 {strides = array<i32>} : memref<625x64xbf16, #tpu.memory_space<vmem>>, vector<32xbf16>,
    } {sc.loop_unroll_factor = 25 : i64, sc.parallel_access}
    %mul3A_14 = arith.constant 625 : i32
    %mul3A_15 = arith.muli %arg1, %mul3A_14 : i32
    "tpu.region"() ({
      %run_scoped3A_52 = tpu.sem_alloc : memref<!tpu.dma_semaphore, #tpu.memory_space<semaphore_mem>>
      %dma_start3A_53 = arith.constant 0 : i32
      %dma_start3A_54 = tpu.memref_slice %arg29[%mul3A_15, %dma_start3A_53] : memref<10000x64xbf16, #tpu.memory_space<vmem_shared>> -> memref<625x64xbf16, #tpu.memory_space<vmem_shared>>
      %dma_start3A_55 = arith.constant 0 : i32
      %dma_start3A_56 = tpu.memref_slice %arg29[%mul3A_15, %dma_start3A_55] : memref<10000x64xbf16, #tpu.memory_space<vmem_shared>> -> memref<625x64xbf16, #tpu.memory_space<vmem_shared>>
      tpu.enqueue_dma source(%arg30 : memref<625x64xbf16, #tpu.memory_space<vmem>>) target(%dma_start3A_56 : memref<625x64xbf16, #tpu.memory_space<vmem_shared>>) target_semaphore(%run_scoped3A_52 : memref<!tpu.dma_semaphore, #tpu.memory_space<semaphore_mem>>)
      %dma_wait3A = arith.constant 0 : i32
      %dma_wait3A_57 = tpu.memref_slice %arg29[%mul3A_15, %dma_wait3A] : memref<10000x64xbf16, #tpu.memory_space<vmem_shared>> -> memref<625x64xbf16, #tpu.memory_space<vmem_shared>>
      %dma_wait3A_58 = arith.constant 0 : i32
      %dma_wait3A_59 = tpu.memref_slice %arg29[%mul3A_15, %dma_wait3A_58] : memref<10000x64xbf16, #tpu.memory_space<vmem_shared>> -> memref<625x64xbf16, #tpu.memory_space<vmem_shared>>
      tpu.wait_dma2 semaphore(%run_scoped3A_52 : memref<!tpu.dma_semaphore, #tpu.memory_space<semaphore_mem>>) src(%arg30 : memref<625x64xbf16, #tpu.memory_space<vmem>>) dst(%dma_wait3A_59 : memref<625x64xbf16, #tpu.memory_space<vmem_shared>>)
      tpu.yield
    }) : () -> ()
    %barrier3A = arith.constant 0 : index
    tpu.barrier barrier_id(%barrier3A)
    %dma_start3A = arith.constant 0 : i32
    %dma_start3A_16 = arith.constant 0 : i32
    %dma_start3A_17 = tpu.memref_slice %arg8[%dma_start3A, %dma_start3A_16] : memref<80x128xi32, #tpu.memory_space<vmem>> -> memref<1x128xi32, #tpu.memory_space<vmem>>
    %dma_start3A_18 = tpu.memref_squeeze %dma_start3A_17 : memref<1x128xi32, #tpu.memory_space<vmem>> -> memref<128xi32, #tpu.memory_space<vmem>>
    %dma_start3A_19 = arith.constant 0 : i32
    %dma_start3A_20 = arith.constant 0 : i32
    %dma_start3A_21 = tpu.memref_slice %arg29[%dma_start3A_19, %dma_start3A_20] : memref<10000x64xbf16, #tpu.memory_space<vmem_shared>> -> memref<10000x64xbf16, #tpu.memory_space<vmem_shared>>
    tpu.enqueue_indirect_dma source(%dma_start3A_21 : memref<10000x64xbf16, #tpu.memory_space<vmem_shared>>) target(%arg10 : memref<128x64xbf16, #tpu.memory_space<vmem>>) offsets(%dma_start3A_18 : memref<128xi32, #tpu.memory_space<vmem>>) semaphore(%arg16 : memref<!tpu.dma_semaphore, #tpu.memory_space<semaphore_mem>>)
    %dma_start3A_22 = arith.constant 1 : i32
    %dma_start3A_23 = arith.constant 0 : i32
    %dma_start3A_24 = tpu.memref_slice %arg8[%dma_start3A_22, %dma_start3A_23] : memref<80x128xi32, #tpu.memory_space<vmem>> -> memref<1x128xi32, #tpu.memory_space<vmem>>
    %dma_start3A_25 = tpu.memref_squeeze %dma_start3A_24 : memref<1x128xi32, #tpu.memory_space<vmem>> -> memref<128xi32, #tpu.memory_space<vmem>>
    %dma_start3A_26 = arith.constant 0 : i32
    %dma_start3A_27 = arith.constant 0 : i32
    %dma_start3A_28 = tpu.memref_slice %arg29[%dma_start3A_26, %dma_start3A_27] : memref<10000x64xbf16, #tpu.memory_space<vmem_shared>> -> memref<10000x64xbf16, #tpu.memory_space<vmem_shared>>
    tpu.enqueue_indirect_dma source(%dma_start3A_28 : memref<10000x64xbf16, #tpu.memory_space<vmem_shared>>) target(%arg11 : memref<128x64xbf16, #tpu.memory_space<vmem>>) offsets(%dma_start3A_25 : memref<128xi32, #tpu.memory_space<vmem>>) semaphore(%arg17 : memref<!tpu.dma_semaphore, #tpu.memory_space<semaphore_mem>>)
    %dma_start3A_29 = arith.constant 2 : i32
    %dma_start3A_30 = arith.constant 0 : i32
    %dma_start3A_31 = tpu.memref_slice %arg8[%dma_start3A_29, %dma_start3A_30] : memref<80x128xi32, #tpu.memory_space<vmem>> -> memref<1x128xi32, #tpu.memory_space<vmem>>
    %dma_start3A_32 = tpu.memref_squeeze %dma_start3A_31 : memref<1x128xi32, #tpu.memory_space<vmem>> -> memref<128xi32, #tpu.memory_space<vmem>>
    %dma_start3A_33 = arith.constant 0 : i32
    %dma_start3A_34 = arith.constant 0 : i32
    %dma_start3A_35 = tpu.memref_slice %arg29[%dma_start3A_33, %dma_start3A_34] : memref<10000x64xbf16, #tpu.memory_space<vmem_shared>> -> memref<10000x64xbf16, #tpu.memory_space<vmem_shared>>
    tpu.enqueue_indirect_dma source(%dma_start3A_35 : memref<10000x64xbf16, #tpu.memory_space<vmem_shared>>) target(%arg12 : memref<128x64xbf16, #tpu.memory_space<vmem>>) offsets(%dma_start3A_32 : memref<128xi32, #tpu.memory_space<vmem>>) semaphore(%arg18 : memref<!tpu.dma_semaphore, #tpu.memory_space<semaphore_mem>>)
    %dma_start3A_36 = arith.constant 3 : i32
    %dma_start3A_37 = arith.constant 0 : i32
    %dma_start3A_38 = tpu.memref_slice %arg8[%dma_start3A_36, %dma_start3A_37] : memref<80x128xi32, #tpu.memory_space<vmem>> -> memref<1x128xi32, #tpu.memory_space<vmem>>
    %dma_start3A_39 = tpu.memref_squeeze %dma_start3A_38 : memref<1x128xi32, #tpu.memory_space<vmem>> -> memref<128xi32, #tpu.memory_space<vmem>>
    %dma_start3A_40 = arith.constant 0 : i32
    %dma_start3A_41 = arith.constant 0 : i32
    %dma_start3A_42 = tpu.memref_slice %arg29[%dma_start3A_40, %dma_start3A_41] : memref<10000x64xbf16, #tpu.memory_space<vmem_shared>> -> memref<10000x64xbf16, #tpu.memory_space<vmem_shared>>
    tpu.enqueue_indirect_dma source(%dma_start3A_42 : memref<10000x64xbf16, #tpu.memory_space<vmem_shared>>) target(%arg13 : memref<128x64xbf16, #tpu.memory_space<vmem>>) offsets(%dma_start3A_39 : memref<128xi32, #tpu.memory_space<vmem>>) semaphore(%arg19 : memref<!tpu.dma_semaphore, #tpu.memory_space<semaphore_mem>>)
    %scan3A = arith.constant 0 : i32
    %scan3A_43 = arith.constant 40 : i32
    %scan3A_44 = arith.addi %scan3A, %scan3A_43 : i32
    %scan3A_45 = arith.constant 1 : i32
    scf.for %scan3A_52 = %scan3A to %scan3A_44 step %scan3A_45  : i32 {
      %mul3A_53 = arith.constant 2 : i32
      %mul3A_54 = arith.muli %scan3A_52, %mul3A_53 : i32
      %add3A_55 = arith.constant 0 : i32
      %add3A_56 = arith.addi %add3A_55, %mul3A_54 : i32
      %add3A_57 = arith.constant 0 : i32
      %add3A_58 = arith.addi %add3A_56, %add3A_57 : i32
      %rem3A = arith.constant 6 : i32
      %rem3A_59 = arith.remsi %add3A_58, %rem3A : i32
      %eq3A = arith.constant 0 : i32
      %eq3A_60 = arith.cmpi eq, %rem3A_59, %eq3A : i32
      %convert_element_type3A = arith.extui %eq3A_60 : i1 to i32
      %cond3A = arith.constant 0 : i32
      %cond3A_61 = arith.cmpi ne, %convert_element_type3A, %cond3A : i32
      scf.if %cond3A_61 {
        tpu.wait_dma2 semaphore(%arg16 : memref<!tpu.dma_semaphore, #tpu.memory_space<semaphore_mem>>) src(%arg4 : memref<10000x64xbf16, #tpu.memory_space<hbm>>) dst(%arg10 : memref<128x64xbf16, #tpu.memory_space<vmem>>)
        %dma_start3A_121 = arith.constant 0 : i32
        %dma_start3A_122 = tpu.memref_slice %arg9[%add3A_58, %dma_start3A_121] : memref<80x128xi32, #tpu.memory_space<vmem>> -> memref<1x128xi32, #tpu.memory_space<vmem>>
        %dma_start3A_123 = tpu.memref_squeeze %dma_start3A_122 : memref<1x128xi32, #tpu.memory_space<vmem>> -> memref<128xi32, #tpu.memory_space<vmem>>
        %dma_start3A_124 = arith.constant 0 : i32
        %dma_start3A_125 = arith.constant 0 : i32
        %dma_start3A_126 = tpu.memref_slice %arg28[%dma_start3A_124, %dma_start3A_125] : memref<10240x64xbf16, #tpu.memory_space<vmem_shared>> -> memref<10240x64xbf16, #tpu.memory_space<vmem_shared>>
        tpu.enqueue_indirect_dma source(%arg10 : memref<128x64xbf16, #tpu.memory_space<vmem>>) target(%dma_start3A_126 : memref<10240x64xbf16, #tpu.memory_space<vmem_shared>>) offsets(%dma_start3A_123 : memref<128xi32, #tpu.memory_space<vmem>>) semaphore(%arg22 : memref<!tpu.dma_semaphore, #tpu.memory_space<semaphore_mem>>) {add = true}
        %add3A_127 = arith.constant 4 : i32
        %add3A_128 = arith.addi %add3A_58, %add3A_127 : i32
        %ge3A = arith.constant 2 : i32
        %ge3A_129 = arith.cmpi sge, %add3A_58, %ge3A : i32
        %convert_element_type3A_130 = arith.extui %ge3A_129 : i1 to i32
        %cond3A_131 = arith.constant 0 : i32
        %cond3A_132 = arith.cmpi ne, %convert_element_type3A_130, %cond3A_131 : i32
        scf.if %cond3A_132 {
          tpu.wait_dma2 semaphore(%arg26 : memref<!tpu.dma_semaphore, #tpu.memory_space<semaphore_mem>>) src(%arg4 : memref<10000x64xbf16, #tpu.memory_space<hbm>>) dst(%arg14 : memref<128x64xbf16, #tpu.memory_space<vmem>>)
        } else {
        }
        %lt3A = arith.constant 80 : i32
        %lt3A_133 = arith.cmpi slt, %add3A_128, %lt3A : i32
        %convert_element_type3A_134 = arith.extui %lt3A_133 : i1 to i32
        %cond3A_135 = arith.constant 0 : i32
        %cond3A_136 = arith.cmpi ne, %convert_element_type3A_134, %cond3A_135 : i32
        scf.if %cond3A_136 {
          %dma_start3A_137 = arith.constant 0 : i32
          %dma_start3A_138 = tpu.memref_slice %arg8[%add3A_128, %dma_start3A_137] : memref<80x128xi32, #tpu.memory_space<vmem>> -> memref<1x128xi32, #tpu.memory_space<vmem>>
          %dma_start3A_139 = tpu.memref_squeeze %dma_start3A_138 : memref<1x128xi32, #tpu.memory_space<vmem>> -> memref<128xi32, #tpu.memory_space<vmem>>
          %dma_start3A_140 = arith.constant 0 : i32
          %dma_start3A_141 = arith.constant 0 : i32
          %dma_start3A_142 = tpu.memref_slice %arg29[%dma_start3A_140, %dma_start3A_141] : memref<10000x64xbf16, #tpu.memory_space<vmem_shared>> -> memref<10000x64xbf16, #tpu.memory_space<vmem_shared>>
          tpu.enqueue_indirect_dma source(%dma_start3A_142 : memref<10000x64xbf16, #tpu.memory_space<vmem_shared>>) target(%arg14 : memref<128x64xbf16, #tpu.memory_space<vmem>>) offsets(%dma_start3A_139 : memref<128xi32, #tpu.memory_space<vmem>>) semaphore(%arg20 : memref<!tpu.dma_semaphore, #tpu.memory_space<semaphore_mem>>)
        } else {
        }
      } else {
      }
      %eq3A_62 = arith.constant 1 : i32
      %eq3A_63 = arith.cmpi eq, %rem3A_59, %eq3A_62 : i32
      %convert_element_type3A_64 = arith.extui %eq3A_63 : i1 to i32
      %cond3A_65 = arith.constant 0 : i32
      %cond3A_66 = arith.cmpi ne, %convert_element_type3A_64, %cond3A_65 : i32
      scf.if %cond3A_66 {
        tpu.wait_dma2 semaphore(%arg17 : memref<!tpu.dma_semaphore, #tpu.memory_space<semaphore_mem>>) src(%arg4 : memref<10000x64xbf16, #tpu.memory_space<hbm>>) dst(%arg11 : memref<128x64xbf16, #tpu.memory_space<vmem>>)
        %dma_start3A_121 = arith.constant 0 : i32
        %dma_start3A_122 = tpu.memref_slice %arg9[%add3A_58, %dma_start3A_121] : memref<80x128xi32, #tpu.memory_space<vmem>> -> memref<1x128xi32, #tpu.memory_space<vmem>>
        %dma_start3A_123 = tpu.memref_squeeze %dma_start3A_122 : memref<1x128xi32, #tpu.memory_space<vmem>> -> memref<128xi32, #tpu.memory_space<vmem>>
        %dma_start3A_124 = arith.constant 0 : i32
        %dma_start3A_125 = arith.constant 0 : i32
        %dma_start3A_126 = tpu.memref_slice %arg28[%dma_start3A_124, %dma_start3A_125] : memref<10240x64xbf16, #tpu.memory_space<vmem_shared>> -> memref<10240x64xbf16, #tpu.memory_space<vmem_shared>>
        tpu.enqueue_indirect_dma source(%arg11 : memref<128x64xbf16, #tpu.memory_space<vmem>>) target(%dma_start3A_126 : memref<10240x64xbf16, #tpu.memory_space<vmem_shared>>) offsets(%dma_start3A_123 : memref<128xi32, #tpu.memory_space<vmem>>) semaphore(%arg23 : memref<!tpu.dma_semaphore, #tpu.memory_space<semaphore_mem>>) {add = true}
        %add3A_127 = arith.constant 4 : i32
        %add3A_128 = arith.addi %add3A_58, %add3A_127 : i32
        %ge3A = arith.constant 2 : i32
        %ge3A_129 = arith.cmpi sge, %add3A_58, %ge3A : i32
        %convert_element_type3A_130 = arith.extui %ge3A_129 : i1 to i32
        %cond3A_131 = arith.constant 0 : i32
        %cond3A_132 = arith.cmpi ne, %convert_element_type3A_130, %cond3A_131 : i32
        scf.if %cond3A_132 {
          tpu.wait_dma2 semaphore(%arg27 : memref<!tpu.dma_semaphore, #tpu.memory_space<semaphore_mem>>) src(%arg4 : memref<10000x64xbf16, #tpu.memory_space<hbm>>) dst(%arg15 : memref<128x64xbf16, #tpu.memory_space<vmem>>)
        } else {
        }
        %lt3A = arith.constant 80 : i32
        %lt3A_133 = arith.cmpi slt, %add3A_128, %lt3A : i32
        %convert_element_type3A_134 = arith.extui %lt3A_133 : i1 to i32
        %cond3A_135 = arith.constant 0 : i32
        %cond3A_136 = arith.cmpi ne, %convert_element_type3A_134, %cond3A_135 : i32
        scf.if %cond3A_136 {
          %dma_start3A_137 = arith.constant 0 : i32
          %dma_start3A_138 = tpu.memref_slice %arg8[%add3A_128, %dma_start3A_137] : memref<80x128xi32, #tpu.memory_space<vmem>> -> memref<1x128xi32, #tpu.memory_space<vmem>>
          %dma_start3A_139 = tpu.memref_squeeze %dma_start3A_138 : memref<1x128xi32, #tpu.memory_space<vmem>> -> memref<128xi32, #tpu.memory_space<vmem>>
          %dma_start3A_140 = arith.constant 0 : i32
          %dma_start3A_141 = arith.constant 0 : i32
          %dma_start3A_142 = tpu.memref_slice %arg29[%dma_start3A_140, %dma_start3A_141] : memref<10000x64xbf16, #tpu.memory_space<vmem_shared>> -> memref<10000x64xbf16, #tpu.memory_space<vmem_shared>>
          tpu.enqueue_indirect_dma source(%dma_start3A_142 : memref<10000x64xbf16, #tpu.memory_space<vmem_shared>>) target(%arg15 : memref<128x64xbf16, #tpu.memory_space<vmem>>) offsets(%dma_start3A_139 : memref<128xi32, #tpu.memory_space<vmem>>) semaphore(%arg21 : memref<!tpu.dma_semaphore, #tpu.memory_space<semaphore_mem>>)
        } else {
        }
      } else {
      }
      %eq3A_67 = arith.constant 2 : i32
      %eq3A_68 = arith.cmpi eq, %rem3A_59, %eq3A_67 : i32
      %convert_element_type3A_69 = arith.extui %eq3A_68 : i1 to i32
      %cond3A_70 = arith.constant 0 : i32
      %cond3A_71 = arith.cmpi ne, %convert_element_type3A_69, %cond3A_70 : i32
      scf.if %cond3A_71 {
        tpu.wait_dma2 semaphore(%arg18 : memref<!tpu.dma_semaphore, #tpu.memory_space<semaphore_mem>>) src(%arg4 : memref<10000x64xbf16, #tpu.memory_space<hbm>>) dst(%arg12 : memref<128x64xbf16, #tpu.memory_space<vmem>>)
        %dma_start3A_121 = arith.constant 0 : i32
        %dma_start3A_122 = tpu.memref_slice %arg9[%add3A_58, %dma_start3A_121] : memref<80x128xi32, #tpu.memory_space<vmem>> -> memref<1x128xi32, #tpu.memory_space<vmem>>
        %dma_start3A_123 = tpu.memref_squeeze %dma_start3A_122 : memref<1x128xi32, #tpu.memory_space<vmem>> -> memref<128xi32, #tpu.memory_space<vmem>>
        %dma_start3A_124 = arith.constant 0 : i32
        %dma_start3A_125 = arith.constant 0 : i32
        %dma_start3A_126 = tpu.memref_slice %arg28[%dma_start3A_124, %dma_start3A_125] : memref<10240x64xbf16, #tpu.memory_space<vmem_shared>> -> memref<10240x64xbf16, #tpu.memory_space<vmem_shared>>
        tpu.enqueue_indirect_dma source(%arg12 : memref<128x64xbf16, #tpu.memory_space<vmem>>) target(%dma_start3A_126 : memref<10240x64xbf16, #tpu.memory_space<vmem_shared>>) offsets(%dma_start3A_123 : memref<128xi32, #tpu.memory_space<vmem>>) semaphore(%arg24 : memref<!tpu.dma_semaphore, #tpu.memory_space<semaphore_mem>>) {add = true}
        %add3A_127 = arith.constant 4 : i32
        %add3A_128 = arith.addi %add3A_58, %add3A_127 : i32
        %ge3A = arith.constant 2 : i32
        %ge3A_129 = arith.cmpi sge, %add3A_58, %ge3A : i32
        %convert_element_type3A_130 = arith.extui %ge3A_129 : i1 to i32
        %cond3A_131 = arith.constant 0 : i32
        %cond3A_132 = arith.cmpi ne, %convert_element_type3A_130, %cond3A_131 : i32
        scf.if %cond3A_132 {
          tpu.wait_dma2 semaphore(%arg22 : memref<!tpu.dma_semaphore, #tpu.memory_space<semaphore_mem>>) src(%arg4 : memref<10000x64xbf16, #tpu.memory_space<hbm>>) dst(%arg10 : memref<128x64xbf16, #tpu.memory_space<vmem>>)
        } else {
        }
        %lt3A = arith.constant 80 : i32
        %lt3A_133 = arith.cmpi slt, %add3A_128, %lt3A : i32
        %convert_element_type3A_134 = arith.extui %lt3A_133 : i1 to i32
        %cond3A_135 = arith.constant 0 : i32
        %cond3A_136 = arith.cmpi ne, %convert_element_type3A_134, %cond3A_135 : i32
        scf.if %cond3A_136 {
          %dma_start3A_137 = arith.constant 0 : i32
          %dma_start3A_138 = tpu.memref_slice %arg8[%add3A_128, %dma_start3A_137] : memref<80x128xi32, #tpu.memory_space<vmem>> -> memref<1x128xi32, #tpu.memory_space<vmem>>
          %dma_start3A_139 = tpu.memref_squeeze %dma_start3A_138 : memref<1x128xi32, #tpu.memory_space<vmem>> -> memref<128xi32, #tpu.memory_space<vmem>>
          %dma_start3A_140 = arith.constant 0 : i32
          %dma_start3A_141 = arith.constant 0 : i32
          %dma_start3A_142 = tpu.memref_slice %arg29[%dma_start3A_140, %dma_start3A_141] : memref<10000x64xbf16, #tpu.memory_space<vmem_shared>> -> memref<10000x64xbf16, #tpu.memory_space<vmem_shared>>
          tpu.enqueue_indirect_dma source(%dma_start3A_142 : memref<10000x64xbf16, #tpu.memory_space<vmem_shared>>) target(%arg10 : memref<128x64xbf16, #tpu.memory_space<vmem>>) offsets(%dma_start3A_139 : memref<128xi32, #tpu.memory_space<vmem>>) semaphore(%arg16 : memref<!tpu.dma_semaphore, #tpu.memory_space<semaphore_mem>>)
        } else {
        }
      } else {
      }
      %eq3A_72 = arith.constant 3 : i32
      %eq3A_73 = arith.cmpi eq, %rem3A_59, %eq3A_72 : i32
      %convert_element_type3A_74 = arith.extui %eq3A_73 : i1 to i32
      %cond3A_75 = arith.constant 0 : i32
      %cond3A_76 = arith.cmpi ne, %convert_element_type3A_74, %cond3A_75 : i32
      scf.if %cond3A_76 {
        tpu.wait_dma2 semaphore(%arg19 : memref<!tpu.dma_semaphore, #tpu.memory_space<semaphore_mem>>) src(%arg4 : memref<10000x64xbf16, #tpu.memory_space<hbm>>) dst(%arg13 : memref<128x64xbf16, #tpu.memory_space<vmem>>)
        %dma_start3A_121 = arith.constant 0 : i32
        %dma_start3A_122 = tpu.memref_slice %arg9[%add3A_58, %dma_start3A_121] : memref<80x128xi32, #tpu.memory_space<vmem>> -> memref<1x128xi32, #tpu.memory_space<vmem>>
        %dma_start3A_123 = tpu.memref_squeeze %dma_start3A_122 : memref<1x128xi32, #tpu.memory_space<vmem>> -> memref<128xi32, #tpu.memory_space<vmem>>
        %dma_start3A_124 = arith.constant 0 : i32
        %dma_start3A_125 = arith.constant 0 : i32
        %dma_start3A_126 = tpu.memref_slice %arg28[%dma_start3A_124, %dma_start3A_125] : memref<10240x64xbf16, #tpu.memory_space<vmem_shared>> -> memref<10240x64xbf16, #tpu.memory_space<vmem_shared>>
        tpu.enqueue_indirect_dma source(%arg13 : memref<128x64xbf16, #tpu.memory_space<vmem>>) target(%dma_start3A_126 : memref<10240x64xbf16, #tpu.memory_space<vmem_shared>>) offsets(%dma_start3A_123 : memref<128xi32, #tpu.memory_space<vmem>>) semaphore(%arg25 : memref<!tpu.dma_semaphore, #tpu.memory_space<semaphore_mem>>) {add = true}
        %add3A_127 = arith.constant 4 : i32
        %add3A_128 = arith.addi %add3A_58, %add3A_127 : i32
        %ge3A = arith.constant 2 : i32
        %ge3A_129 = arith.cmpi sge, %add3A_58, %ge3A : i32
        %convert_element_type3A_130 = arith.extui %ge3A_129 : i1 to i32
        %cond3A_131 = arith.constant 0 : i32
        %cond3A_132 = arith.cmpi ne, %convert_element_type3A_130, %cond3A_131 : i32
        scf.if %cond3A_132 {
          tpu.wait_dma2 semaphore(%arg23 : memref<!tpu.dma_semaphore, #tpu.memory_space<semaphore_mem>>) src(%arg4 : memref<10000x64xbf16, #tpu.memory_space<hbm>>) dst(%arg11 : memref<128x64xbf16, #tpu.memory_space<vmem>>)
        } else {
        }
        %lt3A = arith.constant 80 : i32
        %lt3A_133 = arith.cmpi slt, %add3A_128, %lt3A : i32
        %convert_element_type3A_134 = arith.extui %lt3A_133 : i1 to i32
        %cond3A_135 = arith.constant 0 : i32
        %cond3A_136 = arith.cmpi ne, %convert_element_type3A_134, %cond3A_135 : i32
        scf.if %cond3A_136 {
          %dma_start3A_137 = arith.constant 0 : i32
          %dma_start3A_138 = tpu.memref_slice %arg8[%add3A_128, %dma_start3A_137] : memref<80x128xi32, #tpu.memory_space<vmem>> -> memref<1x128xi32, #tpu.memory_space<vmem>>
          %dma_start3A_139 = tpu.memref_squeeze %dma_start3A_138 : memref<1x128xi32, #tpu.memory_space<vmem>> -> memref<128xi32, #tpu.memory_space<vmem>>
          %dma_start3A_140 = arith.constant 0 : i32
          %dma_start3A_141 = arith.constant 0 : i32
          %dma_start3A_142 = tpu.memref_slice %arg29[%dma_start3A_140, %dma_start3A_141] : memref<10000x64xbf16, #tpu.memory_space<vmem_shared>> -> memref<10000x64xbf16, #tpu.memory_space<vmem_shared>>
          tpu.enqueue_indirect_dma source(%dma_start3A_142 : memref<10000x64xbf16, #tpu.memory_space<vmem_shared>>) target(%arg11 : memref<128x64xbf16, #tpu.memory_space<vmem>>) offsets(%dma_start3A_139 : memref<128xi32, #tpu.memory_space<vmem>>) semaphore(%arg17 : memref<!tpu.dma_semaphore, #tpu.memory_space<semaphore_mem>>)
        } else {
        }
      } else {
      }
      %eq3A_77 = arith.constant 4 : i32
      %eq3A_78 = arith.cmpi eq, %rem3A_59, %eq3A_77 : i32
      %convert_element_type3A_79 = arith.extui %eq3A_78 : i1 to i32
      %cond3A_80 = arith.constant 0 : i32
      %cond3A_81 = arith.cmpi ne, %convert_element_type3A_79, %cond3A_80 : i32
      scf.if %cond3A_81 {
        tpu.wait_dma2 semaphore(%arg20 : memref<!tpu.dma_semaphore, #tpu.memory_space<semaphore_mem>>) src(%arg4 : memref<10000x64xbf16, #tpu.memory_space<hbm>>) dst(%arg14 : memref<128x64xbf16, #tpu.memory_space<vmem>>)
        %dma_start3A_121 = arith.constant 0 : i32
        %dma_start3A_122 = tpu.memref_slice %arg9[%add3A_58, %dma_start3A_121] : memref<80x128xi32, #tpu.memory_space<vmem>> -> memref<1x128xi32, #tpu.memory_space<vmem>>
        %dma_start3A_123 = tpu.memref_squeeze %dma_start3A_122 : memref<1x128xi32, #tpu.memory_space<vmem>> -> memref<128xi32, #tpu.memory_space<vmem>>
        %dma_start3A_124 = arith.constant 0 : i32
        %dma_start3A_125 = arith.constant 0 : i32
        %dma_start3A_126 = tpu.memref_slice %arg28[%dma_start3A_124, %dma_start3A_125] : memref<10240x64xbf16, #tpu.memory_space<vmem_shared>> -> memref<10240x64xbf16, #tpu.memory_space<vmem_shared>>
        tpu.enqueue_indirect_dma source(%arg14 : memref<128x64xbf16, #tpu.memory_space<vmem>>) target(%dma_start3A_126 : memref<10240x64xbf16, #tpu.memory_space<vmem_shared>>) offsets(%dma_start3A_123 : memref<128xi32, #tpu.memory_space<vmem>>) semaphore(%arg26 : memref<!tpu.dma_semaphore, #tpu.memory_space<semaphore_mem>>) {add = true}
        %add3A_127 = arith.constant 4 : i32
        %add3A_128 = arith.addi %add3A_58, %add3A_127 : i32
        %ge3A = arith.constant 2 : i32
        %ge3A_129 = arith.cmpi sge, %add3A_58, %ge3A : i32
        %convert_element_type3A_130 = arith.extui %ge3A_129 : i1 to i32
        %cond3A_131 = arith.constant 0 : i32
        %cond3A_132 = arith.cmpi ne, %convert_element_type3A_130, %cond3A_131 : i32
        scf.if %cond3A_132 {
          tpu.wait_dma2 semaphore(%arg24 : memref<!tpu.dma_semaphore, #tpu.memory_space<semaphore_mem>>) src(%arg4 : memref<10000x64xbf16, #tpu.memory_space<hbm>>) dst(%arg12 : memref<128x64xbf16, #tpu.memory_space<vmem>>)
        } else {
        }
        %lt3A = arith.constant 80 : i32
        %lt3A_133 = arith.cmpi slt, %add3A_128, %lt3A : i32
        %convert_element_type3A_134 = arith.extui %lt3A_133 : i1 to i32
        %cond3A_135 = arith.constant 0 : i32
        %cond3A_136 = arith.cmpi ne, %convert_element_type3A_134, %cond3A_135 : i32
        scf.if %cond3A_136 {
          %dma_start3A_137 = arith.constant 0 : i32
          %dma_start3A_138 = tpu.memref_slice %arg8[%add3A_128, %dma_start3A_137] : memref<80x128xi32, #tpu.memory_space<vmem>> -> memref<1x128xi32, #tpu.memory_space<vmem>>
          %dma_start3A_139 = tpu.memref_squeeze %dma_start3A_138 : memref<1x128xi32, #tpu.memory_space<vmem>> -> memref<128xi32, #tpu.memory_space<vmem>>
          %dma_start3A_140 = arith.constant 0 : i32
          %dma_start3A_141 = arith.constant 0 : i32
          %dma_start3A_142 = tpu.memref_slice %arg29[%dma_start3A_140, %dma_start3A_141] : memref<10000x64xbf16, #tpu.memory_space<vmem_shared>> -> memref<10000x64xbf16, #tpu.memory_space<vmem_shared>>
          tpu.enqueue_indirect_dma source(%dma_start3A_142 : memref<10000x64xbf16, #tpu.memory_space<vmem_shared>>) target(%arg12 : memref<128x64xbf16, #tpu.memory_space<vmem>>) offsets(%dma_start3A_139 : memref<128xi32, #tpu.memory_space<vmem>>) semaphore(%arg18 : memref<!tpu.dma_semaphore, #tpu.memory_space<semaphore_mem>>)
        } else {
        }
      } else {
      }
      %eq3A_82 = arith.constant 5 : i32
      %eq3A_83 = arith.cmpi eq, %rem3A_59, %eq3A_82 : i32
      %convert_element_type3A_84 = arith.extui %eq3A_83 : i1 to i32
      %cond3A_85 = arith.constant 0 : i32
      %cond3A_86 = arith.cmpi ne, %convert_element_type3A_84, %cond3A_85 : i32
      scf.if %cond3A_86 {
        tpu.wait_dma2 semaphore(%arg21 : memref<!tpu.dma_semaphore, #tpu.memory_space<semaphore_mem>>) src(%arg4 : memref<10000x64xbf16, #tpu.memory_space<hbm>>) dst(%arg15 : memref<128x64xbf16, #tpu.memory_space<vmem>>)
        %dma_start3A_121 = arith.constant 0 : i32
        %dma_start3A_122 = tpu.memref_slice %arg9[%add3A_58, %dma_start3A_121] : memref<80x128xi32, #tpu.memory_space<vmem>> -> memref<1x128xi32, #tpu.memory_space<vmem>>
        %dma_start3A_123 = tpu.memref_squeeze %dma_start3A_122 : memref<1x128xi32, #tpu.memory_space<vmem>> -> memref<128xi32, #tpu.memory_space<vmem>>
        %dma_start3A_124 = arith.constant 0 : i32
        %dma_start3A_125 = arith.constant 0 : i32
        %dma_start3A_126 = tpu.memref_slice %arg28[%dma_start3A_124, %dma_start3A_125] : memref<10240x64xbf16, #tpu.memory_space<vmem_shared>> -> memref<10240x64xbf16, #tpu.memory_space<vmem_shared>>
        tpu.enqueue_indirect_dma source(%arg15 : memref<128x64xbf16, #tpu.memory_space<vmem>>) target(%dma_start3A_126 : memref<10240x64xbf16, #tpu.memory_space<vmem_shared>>) offsets(%dma_start3A_123 : memref<128xi32, #tpu.memory_space<vmem>>) semaphore(%arg27 : memref<!tpu.dma_semaphore, #tpu.memory_space<semaphore_mem>>) {add = true}
        %add3A_127 = arith.constant 4 : i32
        %add3A_128 = arith.addi %add3A_58, %add3A_127 : i32
        %ge3A = arith.constant 2 : i32
        %ge3A_129 = arith.cmpi sge, %add3A_58, %ge3A : i32
        %convert_element_type3A_130 = arith.extui %ge3A_129 : i1 to i32
        %cond3A_131 = arith.constant 0 : i32
        %cond3A_132 = arith.cmpi ne, %convert_element_type3A_130, %cond3A_131 : i32
        scf.if %cond3A_132 {
          tpu.wait_dma2 semaphore(%arg25 : memref<!tpu.dma_semaphore, #tpu.memory_space<semaphore_mem>>) src(%arg4 : memref<10000x64xbf16, #tpu.memory_space<hbm>>) dst(%arg13 : memref<128x64xbf16, #tpu.memory_space<vmem>>)
        } else {
        }
        %lt3A = arith.constant 80 : i32
        %lt3A_133 = arith.cmpi slt, %add3A_128, %lt3A : i32
        %convert_element_type3A_134 = arith.extui %lt3A_133 : i1 to i32
        %cond3A_135 = arith.constant 0 : i32
        %cond3A_136 = arith.cmpi ne, %convert_element_type3A_134, %cond3A_135 : i32
        scf.if %cond3A_136 {
          %dma_start3A_137 = arith.constant 0 : i32
          %dma_start3A_138 = tpu.memref_slice %arg8[%add3A_128, %dma_start3A_137] : memref<80x128xi32, #tpu.memory_space<vmem>> -> memref<1x128xi32, #tpu.memory_space<vmem>>
          %dma_start3A_139 = tpu.memref_squeeze %dma_start3A_138 : memref<1x128xi32, #tpu.memory_space<vmem>> -> memref<128xi32, #tpu.memory_space<vmem>>
          %dma_start3A_140 = arith.constant 0 : i32
          %dma_start3A_141 = arith.constant 0 : i32
          %dma_start3A_142 = tpu.memref_slice %arg29[%dma_start3A_140, %dma_start3A_141] : memref<10000x64xbf16, #tpu.memory_space<vmem_shared>> -> memref<10000x64xbf16, #tpu.memory_space<vmem_shared>>
          tpu.enqueue_indirect_dma source(%dma_start3A_142 : memref<10000x64xbf16, #tpu.memory_space<vmem_shared>>) target(%arg13 : memref<128x64xbf16, #tpu.memory_space<vmem>>) offsets(%dma_start3A_139 : memref<128xi32, #tpu.memory_space<vmem>>) semaphore(%arg19 : memref<!tpu.dma_semaphore, #tpu.memory_space<semaphore_mem>>)
        } else {
        }
      } else {
      }
      %add3A_87 = arith.constant 1 : i32
      %add3A_88 = arith.addi %add3A_56, %add3A_87 : i32
      %rem3A_89 = arith.constant 6 : i32
      %rem3A_90 = arith.remsi %add3A_88, %rem3A_89 : i32
      %eq3A_91 = arith.constant 0 : i32
      %eq3A_92 = arith.cmpi eq, %rem3A_90, %eq3A_91 : i32
      %convert_element_type3A_93 = arith.extui %eq3A_92 : i1 to i32
      %cond3A_94 = arith.constant 0 : i32
      %cond3A_95 = arith.cmpi ne, %convert_element_type3A_93, %cond3A_94 : i32
      scf.if %cond3A_95 {
        tpu.wait_dma2 semaphore(%arg16 : memref<!tpu.dma_semaphore, #tpu.memory_space<semaphore_mem>>) src(%arg4 : memref<10000x64xbf16, #tpu.memory_space<hbm>>) dst(%arg10 : memref<128x64xbf16, #tpu.memory_space<vmem>>)
        %dma_start3A_121 = arith.constant 0 : i32
        %dma_start3A_122 = tpu.memref_slice %arg9[%add3A_88, %dma_start3A_121] : memref<80x128xi32, #tpu.memory_space<vmem>> -> memref<1x128xi32, #tpu.memory_space<vmem>>
        %dma_start3A_123 = tpu.memref_squeeze %dma_start3A_122 : memref<1x128xi32, #tpu.memory_space<vmem>> -> memref<128xi32, #tpu.memory_space<vmem>>
        %dma_start3A_124 = arith.constant 0 : i32
        %dma_start3A_125 = arith.constant 0 : i32
        %dma_start3A_126 = tpu.memref_slice %arg28[%dma_start3A_124, %dma_start3A_125] : memref<10240x64xbf16, #tpu.memory_space<vmem_shared>> -> memref<10240x64xbf16, #tpu.memory_space<vmem_shared>>
        tpu.enqueue_indirect_dma source(%arg10 : memref<128x64xbf16, #tpu.memory_space<vmem>>) target(%dma_start3A_126 : memref<10240x64xbf16, #tpu.memory_space<vmem_shared>>) offsets(%dma_start3A_123 : memref<128xi32, #tpu.memory_space<vmem>>) semaphore(%arg22 : memref<!tpu.dma_semaphore, #tpu.memory_space<semaphore_mem>>) {add = true}
        %add3A_127 = arith.constant 4 : i32
        %add3A_128 = arith.addi %add3A_88, %add3A_127 : i32
        %ge3A = arith.constant 2 : i32
        %ge3A_129 = arith.cmpi sge, %add3A_88, %ge3A : i32
        %convert_element_type3A_130 = arith.extui %ge3A_129 : i1 to i32
        %cond3A_131 = arith.constant 0 : i32
        %cond3A_132 = arith.cmpi ne, %convert_element_type3A_130, %cond3A_131 : i32
        scf.if %cond3A_132 {
          tpu.wait_dma2 semaphore(%arg26 : memref<!tpu.dma_semaphore, #tpu.memory_space<semaphore_mem>>) src(%arg4 : memref<10000x64xbf16, #tpu.memory_space<hbm>>) dst(%arg14 : memref<128x64xbf16, #tpu.memory_space<vmem>>)
        } else {
        }
        %lt3A = arith.constant 80 : i32
        %lt3A_133 = arith.cmpi slt, %add3A_128, %lt3A : i32
        %convert_element_type3A_134 = arith.extui %lt3A_133 : i1 to i32
        %cond3A_135 = arith.constant 0 : i32
        %cond3A_136 = arith.cmpi ne, %convert_element_type3A_134, %cond3A_135 : i32
        scf.if %cond3A_136 {
          %dma_start3A_137 = arith.constant 0 : i32
          %dma_start3A_138 = tpu.memref_slice %arg8[%add3A_128, %dma_start3A_137] : memref<80x128xi32, #tpu.memory_space<vmem>> -> memref<1x128xi32, #tpu.memory_space<vmem>>
          %dma_start3A_139 = tpu.memref_squeeze %dma_start3A_138 : memref<1x128xi32, #tpu.memory_space<vmem>> -> memref<128xi32, #tpu.memory_space<vmem>>
          %dma_start3A_140 = arith.constant 0 : i32
          %dma_start3A_141 = arith.constant 0 : i32
          %dma_start3A_142 = tpu.memref_slice %arg29[%dma_start3A_140, %dma_start3A_141] : memref<10000x64xbf16, #tpu.memory_space<vmem_shared>> -> memref<10000x64xbf16, #tpu.memory_space<vmem_shared>>
          tpu.enqueue_indirect_dma source(%dma_start3A_142 : memref<10000x64xbf16, #tpu.memory_space<vmem_shared>>) target(%arg14 : memref<128x64xbf16, #tpu.memory_space<vmem>>) offsets(%dma_start3A_139 : memref<128xi32, #tpu.memory_space<vmem>>) semaphore(%arg20 : memref<!tpu.dma_semaphore, #tpu.memory_space<semaphore_mem>>)
        } else {
        }
      } else {
      }
      %eq3A_96 = arith.constant 1 : i32
      %eq3A_97 = arith.cmpi eq, %rem3A_90, %eq3A_96 : i32
      %convert_element_type3A_98 = arith.extui %eq3A_97 : i1 to i32
      %cond3A_99 = arith.constant 0 : i32
      %cond3A_100 = arith.cmpi ne, %convert_element_type3A_98, %cond3A_99 : i32
      scf.if %cond3A_100 {
        tpu.wait_dma2 semaphore(%arg17 : memref<!tpu.dma_semaphore, #tpu.memory_space<semaphore_mem>>) src(%arg4 : memref<10000x64xbf16, #tpu.memory_space<hbm>>) dst(%arg11 : memref<128x64xbf16, #tpu.memory_space<vmem>>)
        %dma_start3A_121 = arith.constant 0 : i32
        %dma_start3A_122 = tpu.memref_slice %arg9[%add3A_88, %dma_start3A_121] : memref<80x128xi32, #tpu.memory_space<vmem>> -> memref<1x128xi32, #tpu.memory_space<vmem>>
        %dma_start3A_123 = tpu.memref_squeeze %dma_start3A_122 : memref<1x128xi32, #tpu.memory_space<vmem>> -> memref<128xi32, #tpu.memory_space<vmem>>
        %dma_start3A_124 = arith.constant 0 : i32
        %dma_start3A_125 = arith.constant 0 : i32
        %dma_start3A_126 = tpu.memref_slice %arg28[%dma_start3A_124, %dma_start3A_125] : memref<10240x64xbf16, #tpu.memory_space<vmem_shared>> -> memref<10240x64xbf16, #tpu.memory_space<vmem_shared>>
        tpu.enqueue_indirect_dma source(%arg11 : memref<128x64xbf16, #tpu.memory_space<vmem>>) target(%dma_start3A_126 : memref<10240x64xbf16, #tpu.memory_space<vmem_shared>>) offsets(%dma_start3A_123 : memref<128xi32, #tpu.memory_space<vmem>>) semaphore(%arg23 : memref<!tpu.dma_semaphore, #tpu.memory_space<semaphore_mem>>) {add = true}
        %add3A_127 = arith.constant 4 : i32
        %add3A_128 = arith.addi %add3A_88, %add3A_127 : i32
        %ge3A = arith.constant 2 : i32
        %ge3A_129 = arith.cmpi sge, %add3A_88, %ge3A : i32
        %convert_element_type3A_130 = arith.extui %ge3A_129 : i1 to i32
        %cond3A_131 = arith.constant 0 : i32
        %cond3A_132 = arith.cmpi ne, %convert_element_type3A_130, %cond3A_131 : i32
        scf.if %cond3A_132 {
          tpu.wait_dma2 semaphore(%arg27 : memref<!tpu.dma_semaphore, #tpu.memory_space<semaphore_mem>>) src(%arg4 : memref<10000x64xbf16, #tpu.memory_space<hbm>>) dst(%arg15 : memref<128x64xbf16, #tpu.memory_space<vmem>>)
        } else {
        }
        %lt3A = arith.constant 80 : i32
        %lt3A_133 = arith.cmpi slt, %add3A_128, %lt3A : i32
        %convert_element_type3A_134 = arith.extui %lt3A_133 : i1 to i32
        %cond3A_135 = arith.constant 0 : i32
        %cond3A_136 = arith.cmpi ne, %convert_element_type3A_134, %cond3A_135 : i32
        scf.if %cond3A_136 {
          %dma_start3A_137 = arith.constant 0 : i32
          %dma_start3A_138 = tpu.memref_slice %arg8[%add3A_128, %dma_start3A_137] : memref<80x128xi32, #tpu.memory_space<vmem>> -> memref<1x128xi32, #tpu.memory_space<vmem>>
          %dma_start3A_139 = tpu.memref_squeeze %dma_start3A_138 : memref<1x128xi32, #tpu.memory_space<vmem>> -> memref<128xi32, #tpu.memory_space<vmem>>
          %dma_start3A_140 = arith.constant 0 : i32
          %dma_start3A_141 = arith.constant 0 : i32
          %dma_start3A_142 = tpu.memref_slice %arg29[%dma_start3A_140, %dma_start3A_141] : memref<10000x64xbf16, #tpu.memory_space<vmem_shared>> -> memref<10000x64xbf16, #tpu.memory_space<vmem_shared>>
          tpu.enqueue_indirect_dma source(%dma_start3A_142 : memref<10000x64xbf16, #tpu.memory_space<vmem_shared>>) target(%arg15 : memref<128x64xbf16, #tpu.memory_space<vmem>>) offsets(%dma_start3A_139 : memref<128xi32, #tpu.memory_space<vmem>>) semaphore(%arg21 : memref<!tpu.dma_semaphore, #tpu.memory_space<semaphore_mem>>)
        } else {
        }
      } else {
      }
      %eq3A_101 = arith.constant 2 : i32
      %eq3A_102 = arith.cmpi eq, %rem3A_90, %eq3A_101 : i32
      %convert_element_type3A_103 = arith.extui %eq3A_102 : i1 to i32
      %cond3A_104 = arith.constant 0 : i32
      %cond3A_105 = arith.cmpi ne, %convert_element_type3A_103, %cond3A_104 : i32
      scf.if %cond3A_105 {
        tpu.wait_dma2 semaphore(%arg18 : memref<!tpu.dma_semaphore, #tpu.memory_space<semaphore_mem>>) src(%arg4 : memref<10000x64xbf16, #tpu.memory_space<hbm>>) dst(%arg12 : memref<128x64xbf16, #tpu.memory_space<vmem>>)
        %dma_start3A_121 = arith.constant 0 : i32
        %dma_start3A_122 = tpu.memref_slice %arg9[%add3A_88, %dma_start3A_121] : memref<80x128xi32, #tpu.memory_space<vmem>> -> memref<1x128xi32, #tpu.memory_space<vmem>>
        %dma_start3A_123 = tpu.memref_squeeze %dma_start3A_122 : memref<1x128xi32, #tpu.memory_space<vmem>> -> memref<128xi32, #tpu.memory_space<vmem>>
        %dma_start3A_124 = arith.constant 0 : i32
        %dma_start3A_125 = arith.constant 0 : i32
        %dma_start3A_126 = tpu.memref_slice %arg28[%dma_start3A_124, %dma_start3A_125] : memref<10240x64xbf16, #tpu.memory_space<vmem_shared>> -> memref<10240x64xbf16, #tpu.memory_space<vmem_shared>>
        tpu.enqueue_indirect_dma source(%arg12 : memref<128x64xbf16, #tpu.memory_space<vmem>>) target(%dma_start3A_126 : memref<10240x64xbf16, #tpu.memory_space<vmem_shared>>) offsets(%dma_start3A_123 : memref<128xi32, #tpu.memory_space<vmem>>) semaphore(%arg24 : memref<!tpu.dma_semaphore, #tpu.memory_space<semaphore_mem>>) {add = true}
        %add3A_127 = arith.constant 4 : i32
        %add3A_128 = arith.addi %add3A_88, %add3A_127 : i32
        %ge3A = arith.constant 2 : i32
        %ge3A_129 = arith.cmpi sge, %add3A_88, %ge3A : i32
        %convert_element_type3A_130 = arith.extui %ge3A_129 : i1 to i32
        %cond3A_131 = arith.constant 0 : i32
        %cond3A_132 = arith.cmpi ne, %convert_element_type3A_130, %cond3A_131 : i32
        scf.if %cond3A_132 {
          tpu.wait_dma2 semaphore(%arg22 : memref<!tpu.dma_semaphore, #tpu.memory_space<semaphore_mem>>) src(%arg4 : memref<10000x64xbf16, #tpu.memory_space<hbm>>) dst(%arg10 : memref<128x64xbf16, #tpu.memory_space<vmem>>)
        } else {
        }
        %lt3A = arith.constant 80 : i32
        %lt3A_133 = arith.cmpi slt, %add3A_128, %lt3A : i32
        %convert_element_type3A_134 = arith.extui %lt3A_133 : i1 to i32
        %cond3A_135 = arith.constant 0 : i32
        %cond3A_136 = arith.cmpi ne, %convert_element_type3A_134, %cond3A_135 : i32
        scf.if %cond3A_136 {
          %dma_start3A_137 = arith.constant 0 : i32
          %dma_start3A_138 = tpu.memref_slice %arg8[%add3A_128, %dma_start3A_137] : memref<80x128xi32, #tpu.memory_space<vmem>> -> memref<1x128xi32, #tpu.memory_space<vmem>>
          %dma_start3A_139 = tpu.memref_squeeze %dma_start3A_138 : memref<1x128xi32, #tpu.memory_space<vmem>> -> memref<128xi32, #tpu.memory_space<vmem>>
          %dma_start3A_140 = arith.constant 0 : i32
          %dma_start3A_141 = arith.constant 0 : i32
          %dma_start3A_142 = tpu.memref_slice %arg29[%dma_start3A_140, %dma_start3A_141] : memref<10000x64xbf16, #tpu.memory_space<vmem_shared>> -> memref<10000x64xbf16, #tpu.memory_space<vmem_shared>>
          tpu.enqueue_indirect_dma source(%dma_start3A_142 : memref<10000x64xbf16, #tpu.memory_space<vmem_shared>>) target(%arg10 : memref<128x64xbf16, #tpu.memory_space<vmem>>) offsets(%dma_start3A_139 : memref<128xi32, #tpu.memory_space<vmem>>) semaphore(%arg16 : memref<!tpu.dma_semaphore, #tpu.memory_space<semaphore_mem>>)
        } else {
        }
      } else {
      }
      %eq3A_106 = arith.constant 3 : i32
      %eq3A_107 = arith.cmpi eq, %rem3A_90, %eq3A_106 : i32
      %convert_element_type3A_108 = arith.extui %eq3A_107 : i1 to i32
      %cond3A_109 = arith.constant 0 : i32
      %cond3A_110 = arith.cmpi ne, %convert_element_type3A_108, %cond3A_109 : i32
      scf.if %cond3A_110 {
        tpu.wait_dma2 semaphore(%arg19 : memref<!tpu.dma_semaphore, #tpu.memory_space<semaphore_mem>>) src(%arg4 : memref<10000x64xbf16, #tpu.memory_space<hbm>>) dst(%arg13 : memref<128x64xbf16, #tpu.memory_space<vmem>>)
        %dma_start3A_121 = arith.constant 0 : i32
        %dma_start3A_122 = tpu.memref_slice %arg9[%add3A_88, %dma_start3A_121] : memref<80x128xi32, #tpu.memory_space<vmem>> -> memref<1x128xi32, #tpu.memory_space<vmem>>
        %dma_start3A_123 = tpu.memref_squeeze %dma_start3A_122 : memref<1x128xi32, #tpu.memory_space<vmem>> -> memref<128xi32, #tpu.memory_space<vmem>>
        %dma_start3A_124 = arith.constant 0 : i32
        %dma_start3A_125 = arith.constant 0 : i32
        %dma_start3A_126 = tpu.memref_slice %arg28[%dma_start3A_124, %dma_start3A_125] : memref<10240x64xbf16, #tpu.memory_space<vmem_shared>> -> memref<10240x64xbf16, #tpu.memory_space<vmem_shared>>
        tpu.enqueue_indirect_dma source(%arg13 : memref<128x64xbf16, #tpu.memory_space<vmem>>) target(%dma_start3A_126 : memref<10240x64xbf16, #tpu.memory_space<vmem_shared>>) offsets(%dma_start3A_123 : memref<128xi32, #tpu.memory_space<vmem>>) semaphore(%arg25 : memref<!tpu.dma_semaphore, #tpu.memory_space<semaphore_mem>>) {add = true}
        %add3A_127 = arith.constant 4 : i32
        %add3A_128 = arith.addi %add3A_88, %add3A_127 : i32
        %ge3A = arith.constant 2 : i32
        %ge3A_129 = arith.cmpi sge, %add3A_88, %ge3A : i32
        %convert_element_type3A_130 = arith.extui %ge3A_129 : i1 to i32
        %cond3A_131 = arith.constant 0 : i32
        %cond3A_132 = arith.cmpi ne, %convert_element_type3A_130, %cond3A_131 : i32
        scf.if %cond3A_132 {
          tpu.wait_dma2 semaphore(%arg23 : memref<!tpu.dma_semaphore, #tpu.memory_space<semaphore_mem>>) src(%arg4 : memref<10000x64xbf16, #tpu.memory_space<hbm>>) dst(%arg11 : memref<128x64xbf16, #tpu.memory_space<vmem>>)
        } else {
        }
        %lt3A = arith.constant 80 : i32
        %lt3A_133 = arith.cmpi slt, %add3A_128, %lt3A : i32
        %convert_element_type3A_134 = arith.extui %lt3A_133 : i1 to i32
        %cond3A_135 = arith.constant 0 : i32
        %cond3A_136 = arith.cmpi ne, %convert_element_type3A_134, %cond3A_135 : i32
        scf.if %cond3A_136 {
          %dma_start3A_137 = arith.constant 0 : i32
          %dma_start3A_138 = tpu.memref_slice %arg8[%add3A_128, %dma_start3A_137] : memref<80x128xi32, #tpu.memory_space<vmem>> -> memref<1x128xi32, #tpu.memory_space<vmem>>
          %dma_start3A_139 = tpu.memref_squeeze %dma_start3A_138 : memref<1x128xi32, #tpu.memory_space<vmem>> -> memref<128xi32, #tpu.memory_space<vmem>>
          %dma_start3A_140 = arith.constant 0 : i32
          %dma_start3A_141 = arith.constant 0 : i32
          %dma_start3A_142 = tpu.memref_slice %arg29[%dma_start3A_140, %dma_start3A_141] : memref<10000x64xbf16, #tpu.memory_space<vmem_shared>> -> memref<10000x64xbf16, #tpu.memory_space<vmem_shared>>
          tpu.enqueue_indirect_dma source(%dma_start3A_142 : memref<10000x64xbf16, #tpu.memory_space<vmem_shared>>) target(%arg11 : memref<128x64xbf16, #tpu.memory_space<vmem>>) offsets(%dma_start3A_139 : memref<128xi32, #tpu.memory_space<vmem>>) semaphore(%arg17 : memref<!tpu.dma_semaphore, #tpu.memory_space<semaphore_mem>>)
        } else {
        }
      } else {
      }
      %eq3A_111 = arith.constant 4 : i32
      %eq3A_112 = arith.cmpi eq, %rem3A_90, %eq3A_111 : i32
      %convert_element_type3A_113 = arith.extui %eq3A_112 : i1 to i32
      %cond3A_114 = arith.constant 0 : i32
      %cond3A_115 = arith.cmpi ne, %convert_element_type3A_113, %cond3A_114 : i32
      scf.if %cond3A_115 {
        tpu.wait_dma2 semaphore(%arg20 : memref<!tpu.dma_semaphore, #tpu.memory_space<semaphore_mem>>) src(%arg4 : memref<10000x64xbf16, #tpu.memory_space<hbm>>) dst(%arg14 : memref<128x64xbf16, #tpu.memory_space<vmem>>)
        %dma_start3A_121 = arith.constant 0 : i32
        %dma_start3A_122 = tpu.memref_slice %arg9[%add3A_88, %dma_start3A_121] : memref<80x128xi32, #tpu.memory_space<vmem>> -> memref<1x128xi32, #tpu.memory_space<vmem>>
        %dma_start3A_123 = tpu.memref_squeeze %dma_start3A_122 : memref<1x128xi32, #tpu.memory_space<vmem>> -> memref<128xi32, #tpu.memory_space<vmem>>
        %dma_start3A_124 = arith.constant 0 : i32
        %dma_start3A_125 = arith.constant 0 : i32
        %dma_start3A_126 = tpu.memref_slice %arg28[%dma_start3A_124, %dma_start3A_125] : memref<10240x64xbf16, #tpu.memory_space<vmem_shared>> -> memref<10240x64xbf16, #tpu.memory_space<vmem_shared>>
        tpu.enqueue_indirect_dma source(%arg14 : memref<128x64xbf16, #tpu.memory_space<vmem>>) target(%dma_start3A_126 : memref<10240x64xbf16, #tpu.memory_space<vmem_shared>>) offsets(%dma_start3A_123 : memref<128xi32, #tpu.memory_space<vmem>>) semaphore(%arg26 : memref<!tpu.dma_semaphore, #tpu.memory_space<semaphore_mem>>) {add = true}
        %add3A_127 = arith.constant 4 : i32
        %add3A_128 = arith.addi %add3A_88, %add3A_127 : i32
        %ge3A = arith.constant 2 : i32
        %ge3A_129 = arith.cmpi sge, %add3A_88, %ge3A : i32
        %convert_element_type3A_130 = arith.extui %ge3A_129 : i1 to i32
        %cond3A_131 = arith.constant 0 : i32
        %cond3A_132 = arith.cmpi ne, %convert_element_type3A_130, %cond3A_131 : i32
        scf.if %cond3A_132 {
          tpu.wait_dma2 semaphore(%arg24 : memref<!tpu.dma_semaphore, #tpu.memory_space<semaphore_mem>>) src(%arg4 : memref<10000x64xbf16, #tpu.memory_space<hbm>>) dst(%arg12 : memref<128x64xbf16, #tpu.memory_space<vmem>>)
        } else {
        }
        %lt3A = arith.constant 80 : i32
        %lt3A_133 = arith.cmpi slt, %add3A_128, %lt3A : i32
        %convert_element_type3A_134 = arith.extui %lt3A_133 : i1 to i32
        %cond3A_135 = arith.constant 0 : i32
        %cond3A_136 = arith.cmpi ne, %convert_element_type3A_134, %cond3A_135 : i32
        scf.if %cond3A_136 {
          %dma_start3A_137 = arith.constant 0 : i32
          %dma_start3A_138 = tpu.memref_slice %arg8[%add3A_128, %dma_start3A_137] : memref<80x128xi32, #tpu.memory_space<vmem>> -> memref<1x128xi32, #tpu.memory_space<vmem>>
          %dma_start3A_139 = tpu.memref_squeeze %dma_start3A_138 : memref<1x128xi32, #tpu.memory_space<vmem>> -> memref<128xi32, #tpu.memory_space<vmem>>
          %dma_start3A_140 = arith.constant 0 : i32
          %dma_start3A_141 = arith.constant 0 : i32
          %dma_start3A_142 = tpu.memref_slice %arg29[%dma_start3A_140, %dma_start3A_141] : memref<10000x64xbf16, #tpu.memory_space<vmem_shared>> -> memref<10000x64xbf16, #tpu.memory_space<vmem_shared>>
          tpu.enqueue_indirect_dma source(%dma_start3A_142 : memref<10000x64xbf16, #tpu.memory_space<vmem_shared>>) target(%arg12 : memref<128x64xbf16, #tpu.memory_space<vmem>>) offsets(%dma_start3A_139 : memref<128xi32, #tpu.memory_space<vmem>>) semaphore(%arg18 : memref<!tpu.dma_semaphore, #tpu.memory_space<semaphore_mem>>)
        } else {
        }
      } else {
      }
      %eq3A_116 = arith.constant 5 : i32
      %eq3A_117 = arith.cmpi eq, %rem3A_90, %eq3A_116 : i32
      %convert_element_type3A_118 = arith.extui %eq3A_117 : i1 to i32
      %cond3A_119 = arith.constant 0 : i32
      %cond3A_120 = arith.cmpi ne, %convert_element_type3A_118, %cond3A_119 : i32
      scf.if %cond3A_120 {
        tpu.wait_dma2 semaphore(%arg21 : memref<!tpu.dma_semaphore, #tpu.memory_space<semaphore_mem>>) src(%arg4 : memref<10000x64xbf16, #tpu.memory_space<hbm>>) dst(%arg15 : memref<128x64xbf16, #tpu.memory_space<vmem>>)
        %dma_start3A_121 = arith.constant 0 : i32
        %dma_start3A_122 = tpu.memref_slice %arg9[%add3A_88, %dma_start3A_121] : memref<80x128xi32, #tpu.memory_space<vmem>> -> memref<1x128xi32, #tpu.memory_space<vmem>>
        %dma_start3A_123 = tpu.memref_squeeze %dma_start3A_122 : memref<1x128xi32, #tpu.memory_space<vmem>> -> memref<128xi32, #tpu.memory_space<vmem>>
        %dma_start3A_124 = arith.constant 0 : i32
        %dma_start3A_125 = arith.constant 0 : i32
        %dma_start3A_126 = tpu.memref_slice %arg28[%dma_start3A_124, %dma_start3A_125] : memref<10240x64xbf16, #tpu.memory_space<vmem_shared>> -> memref<10240x64xbf16, #tpu.memory_space<vmem_shared>>
        tpu.enqueue_indirect_dma source(%arg15 : memref<128x64xbf16, #tpu.memory_space<vmem>>) target(%dma_start3A_126 : memref<10240x64xbf16, #tpu.memory_space<vmem_shared>>) offsets(%dma_start3A_123 : memref<128xi32, #tpu.memory_space<vmem>>) semaphore(%arg27 : memref<!tpu.dma_semaphore, #tpu.memory_space<semaphore_mem>>) {add = true}
        %add3A_127 = arith.constant 4 : i32
        %add3A_128 = arith.addi %add3A_88, %add3A_127 : i32
        %ge3A = arith.constant 2 : i32
        %ge3A_129 = arith.cmpi sge, %add3A_88, %ge3A : i32
        %convert_element_type3A_130 = arith.extui %ge3A_129 : i1 to i32
        %cond3A_131 = arith.constant 0 : i32
        %cond3A_132 = arith.cmpi ne, %convert_element_type3A_130, %cond3A_131 : i32
        scf.if %cond3A_132 {
          tpu.wait_dma2 semaphore(%arg25 : memref<!tpu.dma_semaphore, #tpu.memory_space<semaphore_mem>>) src(%arg4 : memref<10000x64xbf16, #tpu.memory_space<hbm>>) dst(%arg13 : memref<128x64xbf16, #tpu.memory_space<vmem>>)
        } else {
        }
        %lt3A = arith.constant 80 : i32
        %lt3A_133 = arith.cmpi slt, %add3A_128, %lt3A : i32
        %convert_element_type3A_134 = arith.extui %lt3A_133 : i1 to i32
        %cond3A_135 = arith.constant 0 : i32
        %cond3A_136 = arith.cmpi ne, %convert_element_type3A_134, %cond3A_135 : i32
        scf.if %cond3A_136 {
          %dma_start3A_137 = arith.constant 0 : i32
          %dma_start3A_138 = tpu.memref_slice %arg8[%add3A_128, %dma_start3A_137] : memref<80x128xi32, #tpu.memory_space<vmem>> -> memref<1x128xi32, #tpu.memory_space<vmem>>
          %dma_start3A_139 = tpu.memref_squeeze %dma_start3A_138 : memref<1x128xi32, #tpu.memory_space<vmem>> -> memref<128xi32, #tpu.memory_space<vmem>>
          %dma_start3A_140 = arith.constant 0 : i32
          %dma_start3A_141 = arith.constant 0 : i32
          %dma_start3A_142 = tpu.memref_slice %arg29[%dma_start3A_140, %dma_start3A_141] : memref<10000x64xbf16, #tpu.memory_space<vmem_shared>> -> memref<10000x64xbf16, #tpu.memory_space<vmem_shared>>
          tpu.enqueue_indirect_dma source(%dma_start3A_142 : memref<10000x64xbf16, #tpu.memory_space<vmem_shared>>) target(%arg13 : memref<128x64xbf16, #tpu.memory_space<vmem>>) offsets(%dma_start3A_139 : memref<128xi32, #tpu.memory_space<vmem>>) semaphore(%arg19 : memref<!tpu.dma_semaphore, #tpu.memory_space<semaphore_mem>>)
        } else {
        }
      } else {
      }
    }
    %scan3A_46 = arith.constant 40 : i32
    tpu.wait_dma2 semaphore(%arg22 : memref<!tpu.dma_semaphore, #tpu.memory_space<semaphore_mem>>) src(%arg4 : memref<10000x64xbf16, #tpu.memory_space<hbm>>) dst(%arg10 : memref<128x64xbf16, #tpu.memory_space<vmem>>)
    tpu.wait_dma2 semaphore(%arg23 : memref<!tpu.dma_semaphore, #tpu.memory_space<semaphore_mem>>) src(%arg4 : memref<10000x64xbf16, #tpu.memory_space<hbm>>) dst(%arg11 : memref<128x64xbf16, #tpu.memory_space<vmem>>)
    %barrier3A_47 = arith.constant 0 : index
    tpu.barrier barrier_id(%barrier3A_47)
    %mul3A_48 = arith.constant 640 : i32
    %mul3A_49 = arith.muli %arg1, %mul3A_48 : i32
    %mul3A_50 = arith.constant 640 : i32
    %mul3A_51 = arith.muli %arg1, %mul3A_50 : i32
    "tpu.region"() ({
      %run_scoped3A_52 = tpu.sem_alloc : memref<!tpu.dma_semaphore, #tpu.memory_space<semaphore_mem>>
      %dma_start3A_53 = arith.constant 0 : i32
      %dma_start3A_54 = tpu.memref_slice %arg7[%arg0, %mul3A_51, %dma_start3A_53] : memref<2x10240x64xbf16, #tpu.memory_space<hbm>> -> memref<1x640x64xbf16, #tpu.memory_space<hbm>>
      %dma_start3A_55 = tpu.memref_squeeze %dma_start3A_54 : memref<1x640x64xbf16, #tpu.memory_space<hbm>> -> memref<640x64xbf16, #tpu.memory_space<hbm>>
      %dma_start3A_56 = arith.constant 0 : i32
      %dma_start3A_57 = tpu.memref_slice %arg28[%mul3A_49, %dma_start3A_56] : memref<10240x64xbf16, #tpu.memory_space<vmem_shared>> -> memref<640x64xbf16, #tpu.memory_space<vmem_shared>>
      tpu.enqueue_dma source(%dma_start3A_57 : memref<640x64xbf16, #tpu.memory_space<vmem_shared>>) target(%dma_start3A_55 : memref<640x64xbf16, #tpu.memory_space<hbm>>) target_semaphore(%run_scoped3A_52 : memref<!tpu.dma_semaphore, #tpu.memory_space<semaphore_mem>>)
      %dma_wait3A = arith.constant 0 : i32
      %dma_wait3A_58 = tpu.memref_slice %arg7[%arg0, %mul3A_51, %dma_wait3A] : memref<2x10240x64xbf16, #tpu.memory_space<hbm>> -> memref<1x640x64xbf16, #tpu.memory_space<hbm>>
      %dma_wait3A_59 = tpu.memref_squeeze %dma_wait3A_58 : memref<1x640x64xbf16, #tpu.memory_space<hbm>> -> memref<640x64xbf16, #tpu.memory_space<hbm>>
      %dma_wait3A_60 = arith.constant 0 : i32
      %dma_wait3A_61 = tpu.memref_slice %arg28[%mul3A_49, %dma_wait3A_60] : memref<10240x64xbf16, #tpu.memory_space<vmem_shared>> -> memref<640x64xbf16, #tpu.memory_space<vmem_shared>>
      tpu.wait_dma2 semaphore(%run_scoped3A_52 : memref<!tpu.dma_semaphore, #tpu.memory_space<semaphore_mem>>) src(%dma_wait3A_61 : memref<640x64xbf16, #tpu.memory_space<vmem_shared>>) dst(%dma_wait3A_59 : memref<640x64xbf16, #tpu.memory_space<hbm>>)
      tpu.yield
    }) : () -> ()
    return
  }
}

module attributes {stable_mosaic.version = 14 : i64} {
  func.func @_tc1_body(%arg0: i32, %arg1: memref<2000x128xf32, #tpu.memory_space<vmem>>, %arg2: memref<128x64xf32, #tpu.memory_space<vmem>>, %arg3: memref<2000x64xbf16, #tpu.memory_space<vmem>>) attributes {dimension_semantics = [#tpu.dimension_semantics<arbitrary>], iteration_bounds = array<i64: 5>, scalar_prefetch = 0 : i64, scratch_operands = 0 : i64, tpu.core_type = #tpu.core_type<tc>, window_params = [{transform_indices = @transform_0, window_bounds = array<i64: 2000, 128>}, {pipeline_mode = #tpu.pipeline_mode<synchronous>, transform_indices = @transform_1, window_bounds = array<i64: 128, 64>}, {transform_indices = @transform_2, window_bounds = array<i64: 2000, 64>}]} {
    %get3A = arith.constant 0 : index
    %get3A_0 = arith.constant 0 : index
    %get3A_1 = vector.load %arg1[%get3A, %get3A_0] : memref<2000x128xf32, #tpu.memory_space<vmem>>, vector<2000x128xf32>
    %get3A_2 = arith.constant 0 : index
    %get3A_3 = arith.constant 0 : index
    %get3A_4 = vector.load %arg2[%get3A_2, %get3A_3] : memref<128x64xf32, #tpu.memory_space<vmem>>, vector<128x64xf32>
    %dot_general3A = arith.constant dense<0.000000e+00> : vector<2000x64xf32>
    %dot_general3A_5 = tpu.matmul %get3A_1, %get3A_4, %dot_general3A {dimension_numbers = #tpu.dot_dimension_numbers<[1], [0], [0], [1], [0, 0, 1, 1], [], []>, transpose_lhs_hint = false} : vector<2000x128xf32>, vector<128x64xf32>, vector<2000x64xf32> -> vector<2000x64xf32>
    %convert_element_type3A = arith.truncf %dot_general3A_5 : vector<2000x64xf32> to vector<2000x64xbf16>
    %swap3A = arith.constant 0 : index
    %swap3A_6 = arith.constant 0 : index
    %swap3A_7 = vector.load %arg3[%swap3A, %swap3A_6] : memref<2000x64xbf16, #tpu.memory_space<vmem>>, vector<2000x64xbf16>
    tpu.vector_store %arg3[%swap3A, %swap3A_6], %convert_element_type3A {strides = array<i32>} : memref<2000x64xbf16, #tpu.memory_space<vmem>>, vector<2000x64xbf16>,
    return
  }
  func.func @transform_0(%arg0: i32) -> (i32, i32) {
    %c0_i32 = arith.constant 0 : i32
    %c0_i32_0 = arith.constant 0 : i32
    return %arg0, %c0_i32 : i32, i32
  }
  func.func @transform_1(%arg0: i32) -> (i32, i32) {
    %c0_i32 = arith.constant 0 : i32
    %c0_i32_0 = arith.constant 0 : i32
    %c0_i32_1 = arith.constant 0 : i32
    return %c0_i32, %c0_i32_0 : i32, i32
  }
  func.func @transform_2(%arg0: i32) -> (i32, i32) {
    %c0_i32 = arith.constant 0 : i32
    %c0_i32_0 = arith.constant 0 : i32
    return %arg0, %c0_i32 : i32, i32
  }
}

module attributes {stable_mosaic.version = 14 : i64} {
  func.func @_tc2_body(%arg0: i32, %arg1: memref<2x2000x64xbf16, #tpu.memory_space<vmem>>, %arg2: memref<2x2000x16xf32, #tpu.memory_space<vmem>>, %arg3: memref<2000x64xbf16, #tpu.memory_space<vmem>>, %arg4: memref<64x64xf32, #tpu.memory_space<vmem>>, %arg5: memref<64xf32, #tpu.memory_space<vmem>>, %arg6: memref<2000x64xbf16, #tpu.memory_space<vmem>>) attributes {dimension_semantics = [#tpu.dimension_semantics<arbitrary>], iteration_bounds = array<i64: 5>, scalar_prefetch = 0 : i64, scratch_operands = 0 : i64, tpu.core_type = #tpu.core_type<tc>, window_params = [{transform_indices = @transform_0, window_bounds = array<i64: 2, 2000, 64>}, {transform_indices = @transform_1, window_bounds = array<i64: 2, 2000, 16>}, {transform_indices = @transform_2, window_bounds = array<i64: 2000, 64>}, {pipeline_mode = #tpu.pipeline_mode<synchronous>, transform_indices = @transform_3, window_bounds = array<i64: 64, 64>}, {pipeline_mode = #tpu.pipeline_mode<synchronous>, transform_indices = @transform_4, window_bounds = array<i64: 64>}, {transform_indices = @transform_5, window_bounds = array<i64: 2000, 64>}]} {
    %get3A = arith.constant 0 : index
    %get3A_0 = arith.constant 0 : index
    %get3A_1 = arith.constant 0 : index
    %get3A_2 = vector.load %arg2[%get3A, %get3A_0, %get3A_1] : memref<2x2000x16xf32, #tpu.memory_space<vmem>>, vector<1x2000x1xf32>
    %get3A_3 = vector.shape_cast %get3A_2 : vector<1x2000x1xf32> to vector<2000xf32>
    %get3A_4 = arith.constant 1 : index
    %get3A_5 = arith.constant 0 : index
    %get3A_6 = arith.constant 0 : index
    %get3A_7 = vector.load %arg2[%get3A_4, %get3A_5, %get3A_6] : memref<2x2000x16xf32, #tpu.memory_space<vmem>>, vector<1x2000x1xf32>
    %get3A_8 = vector.shape_cast %get3A_7 : vector<1x2000x1xf32> to vector<2000xf32>
    %add3A = arith.addf %get3A_3, %get3A_8 : vector<2000xf32>
    %add3A_9 = arith.constant 1.000000e+00 : f32
    %add3A_10 = vector.broadcast %add3A_9 : f32 to vector<2000xf32>
    %add3A_11 = arith.addf %add3A, %add3A_10 : vector<2000xf32>
    %rsqrt3A = math.rsqrt %add3A_11 : vector<2000xf32>
    %broadcast_in_dim3A = vector.shape_cast %rsqrt3A : vector<2000xf32> to vector<2000x1xf32>
    %get3A_12 = arith.constant 0 : index
    %get3A_13 = arith.constant 0 : index
    %get3A_14 = arith.constant 0 : index
    %get3A_15 = vector.load %arg1[%get3A_12, %get3A_13, %get3A_14] : memref<2x2000x64xbf16, #tpu.memory_space<vmem>>, vector<1x2000x64xbf16>
    %get3A_16 = vector.shape_cast %get3A_15 : vector<1x2000x64xbf16> to vector<2000x64xbf16>
    %convert_element_type3A = arith.extf %get3A_16 : vector<2000x64xbf16> to vector<2000x64xf32>
    %get3A_17 = arith.constant 1 : index
    %get3A_18 = arith.constant 0 : index
    %get3A_19 = arith.constant 0 : index
    %get3A_20 = vector.load %arg1[%get3A_17, %get3A_18, %get3A_19] : memref<2x2000x64xbf16, #tpu.memory_space<vmem>>, vector<1x2000x64xbf16>
    %get3A_21 = vector.shape_cast %get3A_20 : vector<1x2000x64xbf16> to vector<2000x64xbf16>
    %convert_element_type3A_22 = arith.extf %get3A_21 : vector<2000x64xbf16> to vector<2000x64xf32>
    %add3A_23 = arith.addf %convert_element_type3A, %convert_element_type3A_22 : vector<2000x64xf32>
    %get3A_24 = arith.constant 0 : index
    %get3A_25 = arith.constant 0 : index
    %get3A_26 = vector.load %arg3[%get3A_24, %get3A_25] : memref<2000x64xbf16, #tpu.memory_space<vmem>>, vector<2000x64xbf16>
    %convert_element_type3A_27 = arith.extf %get3A_26 : vector<2000x64xbf16> to vector<2000x64xf32>
    %mul3A = vector.broadcast %broadcast_in_dim3A : vector<2000x1xf32> to vector<2000x64xf32>
    %mul3A_28 = arith.mulf %mul3A, %add3A_23 : vector<2000x64xf32>
    %mul3A_29 = arith.mulf %broadcast_in_dim3A, %broadcast_in_dim3A : vector<2000x1xf32>
    %mul3A_30 = vector.broadcast %mul3A_29 : vector<2000x1xf32> to vector<2000x64xf32>
    %mul3A_31 = arith.mulf %mul3A_30, %convert_element_type3A_27 : vector<2000x64xf32>
    %add3A_32 = arith.addf %mul3A_28, %mul3A_31 : vector<2000x64xf32>
    %get3A_33 = arith.constant 0 : index
    %get3A_34 = vector.load %arg5[%get3A_33] : memref<64xf32, #tpu.memory_space<vmem>>, vector<64xf32>
    %broadcast_in_dim3A_35 = vector.shape_cast %get3A_34 : vector<64xf32> to vector<1x64xf32>
    %add3A_36 = vector.broadcast %broadcast_in_dim3A_35 : vector<1x64xf32> to vector<2000x64xf32>
    %add3A_37 = arith.addf %add3A_32, %add3A_36 : vector<2000x64xf32>
    %max3A = arith.constant 0.000000e+00 : f32
    %max3A_38 = vector.broadcast %max3A : f32 to vector<2000x64xf32>
    %max3A_39 = arith.maximumf %add3A_37, %max3A_38 : vector<2000x64xf32>
    %get3A_40 = arith.constant 0 : index
    %get3A_41 = arith.constant 0 : index
    %get3A_42 = vector.load %arg4[%get3A_40, %get3A_41] : memref<64x64xf32, #tpu.memory_space<vmem>>, vector<64x64xf32>
    %dot_general3A = arith.constant dense<0.000000e+00> : vector<2000x64xf32>
    %dot_general3A_43 = tpu.matmul %max3A_39, %get3A_42, %dot_general3A {dimension_numbers = #tpu.dot_dimension_numbers<[1], [0], [0], [1], [0, 0, 1, 1], [], []>, transpose_lhs_hint = false} : vector<2000x64xf32>, vector<64x64xf32>, vector<2000x64xf32> -> vector<2000x64xf32>
    %mul3A_44 = vector.broadcast %broadcast_in_dim3A : vector<2000x1xf32> to vector<2000x64xf32>
    %mul3A_45 = arith.mulf %mul3A_44, %dot_general3A_43 : vector<2000x64xf32>
    %convert_element_type3A_46 = arith.truncf %mul3A_45 : vector<2000x64xf32> to vector<2000x64xbf16>
    %swap3A = arith.constant 0 : index
    %swap3A_47 = arith.constant 0 : index
    %swap3A_48 = vector.load %arg6[%swap3A, %swap3A_47] : memref<2000x64xbf16, #tpu.memory_space<vmem>>, vector<2000x64xbf16>
    tpu.vector_store %arg6[%swap3A, %swap3A_47], %convert_element_type3A_46 {strides = array<i32>} : memref<2000x64xbf16, #tpu.memory_space<vmem>>, vector<2000x64xbf16>,
    return
  }
  func.func @transform_0(%arg0: i32) -> (i32, i32, i32) {
    %c0_i32 = arith.constant 0 : i32
    %c0_i32_0 = arith.constant 0 : i32
    %c0_i32_1 = arith.constant 0 : i32
    return %c0_i32, %arg0, %c0_i32_0 : i32, i32, i32
  }
  func.func @transform_1(%arg0: i32) -> (i32, i32, i32) {
    %c0_i32 = arith.constant 0 : i32
    %c0_i32_0 = arith.constant 0 : i32
    %c0_i32_1 = arith.constant 0 : i32
    return %c0_i32, %arg0, %c0_i32_0 : i32, i32, i32
  }
  func.func @transform_2(%arg0: i32) -> (i32, i32) {
    %c0_i32 = arith.constant 0 : i32
    %c0_i32_0 = arith.constant 0 : i32
    return %arg0, %c0_i32 : i32, i32
  }
  func.func @transform_3(%arg0: i32) -> (i32, i32) {
    %c0_i32 = arith.constant 0 : i32
    %c0_i32_0 = arith.constant 0 : i32
    %c0_i32_1 = arith.constant 0 : i32
    return %c0_i32, %c0_i32_0 : i32, i32
  }
  func.func @transform_4(%arg0: i32) -> i32 {
    %c0_i32 = arith.constant 0 : i32
    %c0_i32_0 = arith.constant 0 : i32
    return %c0_i32 : i32
  }
  func.func @transform_5(%arg0: i32) -> (i32, i32) {
    %c0_i32 = arith.constant 0 : i32
    %c0_i32_0 = arith.constant 0 : i32
    return %arg0, %c0_i32 : i32, i32
  }
}

module attributes {stable_mosaic.version = 14 : i64} {
  func.func @_tc3_body(%arg0: i32, %arg1: memref<2x2000x64xbf16, #tpu.memory_space<vmem>>, %arg2: memref<2x2000x16xf32, #tpu.memory_space<vmem>>, %arg3: memref<2000x64xbf16, #tpu.memory_space<vmem>>, %arg4: memref<64xf32, #tpu.memory_space<vmem>>, %arg5: memref<1x1x2000xi32, #tpu.memory_space<vmem>>, %arg6: memref<64x10xf32, #tpu.memory_space<vmem>>, %arg7: memref<10xf32, #tpu.memory_space<vmem>>, %arg8: memref<64x10xf32, #tpu.memory_space<vmem>>, %arg9: memref<64x64xf32, #tpu.memory_space<vmem>>, %arg10: memref<1x64xf32, #tpu.memory_space<vmem>>) attributes {dimension_semantics = [#tpu.dimension_semantics<arbitrary>], iteration_bounds = array<i64: 5>, scalar_prefetch = 0 : i64, scratch_operands = 2 : i64, tpu.core_type = #tpu.core_type<tc>, window_params = [{transform_indices = @transform_0, window_bounds = array<i64: 2, 2000, 64>}, {transform_indices = @transform_1, window_bounds = array<i64: 2, 2000, 16>}, {transform_indices = @transform_2, window_bounds = array<i64: 2000, 64>}, {pipeline_mode = #tpu.pipeline_mode<synchronous>, transform_indices = @transform_3, window_bounds = array<i64: 64>}, {transform_indices = @transform_4, window_bounds = array<i64: 1, 1, 2000>}, {pipeline_mode = #tpu.pipeline_mode<synchronous>, transform_indices = @transform_5, window_bounds = array<i64: 64, 10>}, {pipeline_mode = #tpu.pipeline_mode<synchronous>, transform_indices = @transform_6, window_bounds = array<i64: 10>}, {pipeline_mode = #tpu.pipeline_mode<synchronous>, transform_indices = @transform_7, window_bounds = array<i64: 64, 10>}]} {
    %get3A = arith.constant 0 : index
    %get3A_0 = arith.constant 0 : index
    %get3A_1 = arith.constant 0 : index
    %get3A_2 = vector.load %arg2[%get3A, %get3A_0, %get3A_1] : memref<2x2000x16xf32, #tpu.memory_space<vmem>>, vector<1x2000x1xf32>
    %get3A_3 = vector.shape_cast %get3A_2 : vector<1x2000x1xf32> to vector<2000xf32>
    %get3A_4 = arith.constant 1 : index
    %get3A_5 = arith.constant 0 : index
    %get3A_6 = arith.constant 0 : index
    %get3A_7 = vector.load %arg2[%get3A_4, %get3A_5, %get3A_6] : memref<2x2000x16xf32, #tpu.memory_space<vmem>>, vector<1x2000x1xf32>
    %get3A_8 = vector.shape_cast %get3A_7 : vector<1x2000x1xf32> to vector<2000xf32>
    %add3A = arith.addf %get3A_3, %get3A_8 : vector<2000xf32>
    %add3A_9 = arith.constant 1.000000e+00 : f32
    %add3A_10 = vector.broadcast %add3A_9 : f32 to vector<2000xf32>
    %add3A_11 = arith.addf %add3A, %add3A_10 : vector<2000xf32>
    %rsqrt3A = math.rsqrt %add3A_11 : vector<2000xf32>
    %broadcast_in_dim3A = vector.shape_cast %rsqrt3A : vector<2000xf32> to vector<2000x1xf32>
    %get3A_12 = arith.constant 0 : index
    %get3A_13 = arith.constant 0 : index
    %get3A_14 = arith.constant 0 : index
    %get3A_15 = vector.load %arg1[%get3A_12, %get3A_13, %get3A_14] : memref<2x2000x64xbf16, #tpu.memory_space<vmem>>, vector<1x2000x64xbf16>
    %get3A_16 = vector.shape_cast %get3A_15 : vector<1x2000x64xbf16> to vector<2000x64xbf16>
    %convert_element_type3A = arith.extf %get3A_16 : vector<2000x64xbf16> to vector<2000x64xf32>
    %get3A_17 = arith.constant 1 : index
    %get3A_18 = arith.constant 0 : index
    %get3A_19 = arith.constant 0 : index
    %get3A_20 = vector.load %arg1[%get3A_17, %get3A_18, %get3A_19] : memref<2x2000x64xbf16, #tpu.memory_space<vmem>>, vector<1x2000x64xbf16>
    %get3A_21 = vector.shape_cast %get3A_20 : vector<1x2000x64xbf16> to vector<2000x64xbf16>
    %convert_element_type3A_22 = arith.extf %get3A_21 : vector<2000x64xbf16> to vector<2000x64xf32>
    %add3A_23 = arith.addf %convert_element_type3A, %convert_element_type3A_22 : vector<2000x64xf32>
    %get3A_24 = arith.constant 0 : index
    %get3A_25 = arith.constant 0 : index
    %get3A_26 = vector.load %arg3[%get3A_24, %get3A_25] : memref<2000x64xbf16, #tpu.memory_space<vmem>>, vector<2000x64xbf16>
    %convert_element_type3A_27 = arith.extf %get3A_26 : vector<2000x64xbf16> to vector<2000x64xf32>
    %mul3A = vector.broadcast %broadcast_in_dim3A : vector<2000x1xf32> to vector<2000x64xf32>
    %mul3A_28 = arith.mulf %mul3A, %add3A_23 : vector<2000x64xf32>
    %mul3A_29 = vector.broadcast %broadcast_in_dim3A : vector<2000x1xf32> to vector<2000x64xf32>
    %mul3A_30 = arith.mulf %mul3A_29, %convert_element_type3A_27 : vector<2000x64xf32>
    %add3A_31 = arith.addf %mul3A_28, %mul3A_30 : vector<2000x64xf32>
    %get3A_32 = arith.constant 0 : index
    %get3A_33 = vector.load %arg4[%get3A_32] : memref<64xf32, #tpu.memory_space<vmem>>, vector<64xf32>
    %broadcast_in_dim3A_34 = vector.shape_cast %get3A_33 : vector<64xf32> to vector<1x64xf32>
    %add3A_35 = vector.broadcast %broadcast_in_dim3A_34 : vector<1x64xf32> to vector<2000x64xf32>
    %add3A_36 = arith.addf %add3A_31, %add3A_35 : vector<2000x64xf32>
    %max3A = arith.constant 0.000000e+00 : f32
    %max3A_37 = vector.broadcast %max3A : f32 to vector<2000x64xf32>
    %max3A_38 = arith.maximumf %add3A_36, %max3A_37 : vector<2000x64xf32>
    %get3A_39 = arith.constant 0 : index
    %get3A_40 = arith.constant 0 : index
    %get3A_41 = arith.constant 0 : index
    %get3A_42 = vector.load %arg5[%get3A_39, %get3A_40, %get3A_41] : memref<1x1x2000xi32, #tpu.memory_space<vmem>>, vector<1x1x2000xi32>
    %get3A_43 = vector.shape_cast %get3A_42 : vector<1x1x2000xi32> to vector<2000xi32>
    %broadcast_in_dim3A_44 = vector.shape_cast %get3A_43 : vector<2000xi32> to vector<2000x1xi32>
    %iota3A = tpu.iota {dimensions = array<i32: 1>} : vector<2000x64xi32>
    %eq3A = vector.broadcast %broadcast_in_dim3A_44 : vector<2000x1xi32> to vector<2000x64xi32>
    %eq3A_45 = arith.cmpi eq, %eq3A, %iota3A : vector<2000x64xi32>
    %convert_element_type3A_46 = arith.extui %eq3A_45 : vector<2000x64xi1> to vector<2000x64xi32>
    %convert_element_type3A_47 = arith.sitofp %convert_element_type3A_46 : vector<2000x64xi32> to vector<2000x64xf32>
    %dot_general3A = arith.constant dense<0.000000e+00> : vector<64x64xf32>
    %dot_general3A_48 = tpu.matmul %convert_element_type3A_47, %max3A_38, %dot_general3A {dimension_numbers = #tpu.dot_dimension_numbers<[0], [0], [1], [1], [0, 1, 1, 1], [], []>, transpose_lhs_hint = false} : vector<2000x64xf32>, vector<2000x64xf32>, vector<64x64xf32> -> vector<64x64xf32>
    %reduce_sum3A = arith.constant dense<0.000000e+00> : vector<64xf32>
    %reduce_sum3A_49 = vector.multi_reduction <add>, %convert_element_type3A_47, %reduce_sum3A [0] : vector<2000x64xf32> to vector<64xf32>
    %broadcast_in_dim3A_50 = vector.shape_cast %reduce_sum3A_49 : vector<64xf32> to vector<1x64xf32>
    %eq3A_51 = arith.constant 0 : i32
    %eq3A_52 = arith.cmpi eq, %arg0, %eq3A_51 : i32
    %convert_element_type3A_53 = arith.extui %eq3A_52 : i1 to i32
    %cond3A = arith.constant 0 : i32
    %cond3A_54 = arith.cmpi ne, %convert_element_type3A_53, %cond3A : i32
    scf.if %cond3A_54 {
      %broadcast_in_dim3A_73 = arith.constant 0.000000e+00 : f32
      %broadcast_in_dim3A_74 = vector.broadcast %broadcast_in_dim3A_73 : f32 to vector<64x64xf32>
      %swap3A_75 = arith.constant 0 : index
      %swap3A_76 = arith.constant 0 : index
      %swap3A_77 = vector.load %arg9[%swap3A_75, %swap3A_76] : memref<64x64xf32, #tpu.memory_space<vmem>>, vector<64x64xf32>
      tpu.vector_store %arg9[%swap3A_75, %swap3A_76], %broadcast_in_dim3A_74 {strides = array<i32>} : memref<64x64xf32, #tpu.memory_space<vmem>>, vector<64x64xf32>,
      %broadcast_in_dim3A_78 = arith.constant 0.000000e+00 : f32
      %broadcast_in_dim3A_79 = vector.broadcast %broadcast_in_dim3A_78 : f32 to vector<1x64xf32>
      %swap3A_80 = arith.constant 0 : index
      %swap3A_81 = arith.constant 0 : index
      %swap3A_82 = vector.load %arg10[%swap3A_80, %swap3A_81] : memref<1x64xf32, #tpu.memory_space<vmem>>, vector<1x64xf32>
      tpu.vector_store %arg10[%swap3A_80, %swap3A_81], %broadcast_in_dim3A_79 {strides = array<i32>} : memref<1x64xf32, #tpu.memory_space<vmem>>, vector<1x64xf32>,
    } else {
    }
    %get3A_55 = arith.constant 0 : index
    %get3A_56 = arith.constant 0 : index
    %get3A_57 = vector.load %arg9[%get3A_55, %get3A_56] : memref<64x64xf32, #tpu.memory_space<vmem>>, vector<64x64xf32>
    %add3A_58 = arith.addf %get3A_57, %dot_general3A_48 : vector<64x64xf32>
    %swap3A = arith.constant 0 : index
    %swap3A_59 = arith.constant 0 : index
    %swap3A_60 = vector.load %arg9[%swap3A, %swap3A_59] : memref<64x64xf32, #tpu.memory_space<vmem>>, vector<64x64xf32>
    tpu.vector_store %arg9[%swap3A, %swap3A_59], %add3A_58 {strides = array<i32>} : memref<64x64xf32, #tpu.memory_space<vmem>>, vector<64x64xf32>,
    %get3A_61 = arith.constant 0 : index
    %get3A_62 = arith.constant 0 : index
    %get3A_63 = vector.load %arg10[%get3A_61, %get3A_62] : memref<1x64xf32, #tpu.memory_space<vmem>>, vector<1x64xf32>
    %add3A_64 = arith.addf %get3A_63, %broadcast_in_dim3A_50 : vector<1x64xf32>
    %swap3A_65 = arith.constant 0 : index
    %swap3A_66 = arith.constant 0 : index
    %swap3A_67 = vector.load %arg10[%swap3A_65, %swap3A_66] : memref<1x64xf32, #tpu.memory_space<vmem>>, vector<1x64xf32>
    tpu.vector_store %arg10[%swap3A_65, %swap3A_66], %add3A_64 {strides = array<i32>} : memref<1x64xf32, #tpu.memory_space<vmem>>, vector<1x64xf32>,
    %eq3A_68 = arith.constant 4 : i32
    %eq3A_69 = arith.cmpi eq, %arg0, %eq3A_68 : i32
    %convert_element_type3A_70 = arith.extui %eq3A_69 : i1 to i32
    %cond3A_71 = arith.constant 0 : i32
    %cond3A_72 = arith.cmpi ne, %convert_element_type3A_70, %cond3A_71 : i32
    scf.if %cond3A_72 {
      %get3A_73 = arith.constant 0 : index
      %get3A_74 = arith.constant 0 : index
      %get3A_75 = vector.load %arg10[%get3A_73, %get3A_74] : memref<1x64xf32, #tpu.memory_space<vmem>>, vector<1x64xf32>
      %get3A_76 = vector.shape_cast %get3A_75 : vector<1x64xf32> to vector<64xf32>
      %max3A_77 = arith.constant 1.000000e+00 : f32
      %max3A_78 = vector.broadcast %max3A_77 : f32 to vector<64xf32>
      %max3A_79 = arith.maximumf %get3A_76, %max3A_78 : vector<64xf32>
      %get3A_80 = arith.constant 0 : index
      %get3A_81 = arith.constant 0 : index
      %get3A_82 = vector.load %arg9[%get3A_80, %get3A_81] : memref<64x64xf32, #tpu.memory_space<vmem>>, vector<64x64xf32>
      %broadcast_in_dim3A_83 = vector.shape_cast %max3A_79 : vector<64xf32> to vector<64x1xf32>
      %div3A = vector.broadcast %broadcast_in_dim3A_83 : vector<64x1xf32> to vector<64x64xf32>
      %div3A_84 = arith.divf %get3A_82, %div3A : vector<64x64xf32>
      %get3A_85 = arith.constant 0 : index
      %get3A_86 = arith.constant 0 : index
      %get3A_87 = vector.load %arg6[%get3A_85, %get3A_86] : memref<64x10xf32, #tpu.memory_space<vmem>>, vector<64x10xf32>
      %dot_general3A_88 = arith.constant dense<0.000000e+00> : vector<64x10xf32>
      %dot_general3A_89 = tpu.matmul %div3A_84, %get3A_87, %dot_general3A_88 {dimension_numbers = #tpu.dot_dimension_numbers<[1], [0], [0], [1], [0, 0, 1, 1], [], []>, transpose_lhs_hint = false} : vector<64x64xf32>, vector<64x10xf32>, vector<64x10xf32> -> vector<64x10xf32>
      %get3A_90 = arith.constant 0 : index
      %get3A_91 = vector.load %arg7[%get3A_90] : memref<10xf32, #tpu.memory_space<vmem>>, vector<10xf32>
      %broadcast_in_dim3A_92 = vector.shape_cast %get3A_91 : vector<10xf32> to vector<1x10xf32>
      %add3A_93 = vector.broadcast %broadcast_in_dim3A_92 : vector<1x10xf32> to vector<64x10xf32>
      %add3A_94 = arith.addf %dot_general3A_89, %add3A_93 : vector<64x10xf32>
      %reduce_max3A = arith.constant dense<0xFF800000> : vector<64xf32>
      %reduce_max3A_95 = vector.multi_reduction <maximumf>, %add3A_94, %reduce_max3A [1] : vector<64x10xf32> to vector<64xf32>
      %broadcast_in_dim3A_96 = vector.shape_cast %reduce_max3A_95 : vector<64xf32> to vector<64x1xf32>
      %sub3A = vector.broadcast %broadcast_in_dim3A_96 : vector<64x1xf32> to vector<64x10xf32>
      %sub3A_97 = arith.subf %add3A_94, %sub3A : vector<64x10xf32>
      %exp3A = math.exp %sub3A_97 : vector<64x10xf32>
      %reduce_sum3A_98 = arith.constant dense<0.000000e+00> : vector<64xf32>
      %reduce_sum3A_99 = vector.multi_reduction <add>, %exp3A, %reduce_sum3A_98 [1] : vector<64x10xf32> to vector<64xf32>
      %broadcast_in_dim3A_100 = vector.shape_cast %reduce_sum3A_99 : vector<64xf32> to vector<64x1xf32>
      %div3A_101 = vector.broadcast %broadcast_in_dim3A_100 : vector<64x1xf32> to vector<64x10xf32>
      %div3A_102 = arith.divf %exp3A, %div3A_101 : vector<64x10xf32>
      %swap3A_103 = arith.constant 0 : index
      %swap3A_104 = arith.constant 0 : index
      %swap3A_105 = vector.load %arg8[%swap3A_103, %swap3A_104] : memref<64x10xf32, #tpu.memory_space<vmem>>, vector<64x10xf32>
      tpu.vector_store %arg8[%swap3A_103, %swap3A_104], %div3A_102 {strides = array<i32>} : memref<64x10xf32, #tpu.memory_space<vmem>>, vector<64x10xf32>,
    } else {
    }
    return
  }
  func.func @transform_0(%arg0: i32) -> (i32, i32, i32) {
    %c0_i32 = arith.constant 0 : i32
    %c0_i32_0 = arith.constant 0 : i32
    %c0_i32_1 = arith.constant 0 : i32
    return %c0_i32, %arg0, %c0_i32_0 : i32, i32, i32
  }
  func.func @transform_1(%arg0: i32) -> (i32, i32, i32) {
    %c0_i32 = arith.constant 0 : i32
    %c0_i32_0 = arith.constant 0 : i32
    %c0_i32_1 = arith.constant 0 : i32
    return %c0_i32, %arg0, %c0_i32_0 : i32, i32, i32
  }
  func.func @transform_2(%arg0: i32) -> (i32, i32) {
    %c0_i32 = arith.constant 0 : i32
    %c0_i32_0 = arith.constant 0 : i32
    return %arg0, %c0_i32 : i32, i32
  }
  func.func @transform_3(%arg0: i32) -> i32 {
    %c0_i32 = arith.constant 0 : i32
    %c0_i32_0 = arith.constant 0 : i32
    return %c0_i32 : i32
  }
  func.func @transform_4(%arg0: i32) -> (i32, i32, i32) {
    %c0_i32 = arith.constant 0 : i32
    %c0_i32_0 = arith.constant 0 : i32
    %c0_i32_1 = arith.constant 0 : i32
    return %arg0, %c0_i32, %c0_i32_0 : i32, i32, i32
  }
  func.func @transform_5(%arg0: i32) -> (i32, i32) {
    %c0_i32 = arith.constant 0 : i32
    %c0_i32_0 = arith.constant 0 : i32
    %c0_i32_1 = arith.constant 0 : i32
    return %c0_i32, %c0_i32_0 : i32, i32
  }
  func.func @transform_6(%arg0: i32) -> i32 {
    %c0_i32 = arith.constant 0 : i32
    %c0_i32_0 = arith.constant 0 : i32
    return %c0_i32 : i32
  }
  func.func @transform_7(%arg0: i32) -> (i32, i32) {
    %c0_i32 = arith.constant 0 : i32
    %c0_i32_0 = arith.constant 0 : i32
    %c0_i32_1 = arith.constant 0 : i32
    return %c0_i32, %c0_i32_0 : i32, i32
  }
}

</mosaic_0001>

<sc_bundles>
// kernel: kernel.11.cloned.1.call-start
scs
__scs_entry_jumppad:
0x0: {  	(pc) =	sbr.rel $0x88, $3  }
0x1: {  	(tag) =	ssettag $0x0;
	lr =	simm.s32 $0x1  }
0x2: {  	[smem:$0x3F98] =	sst lr;
	_ =	strace $0xD0000000  }
0x3: {  	_ = 	snop  }
0x4: {  	_ = 	snop  }
0x5: {  	_ = 	snop  }
0x6: {  	_ = 	snop  }
0x7: {  	_ = 	snop  }
__scs_overlays_trampoline_lowered:
0x8: {  	[smem:$0x3FA7] =	sst s0  }
0x9: {  	[smem:$0x3FA8] =	sst s1  }
0xa: {  	[smem:$0x3FA9] =	sst s2  }
0xb: {  	[smem:$0x3FAA] =	sst s3  }
0xc: {  	[smem:$0x3FAB] =	sst s4  }
0xd: {  	[smem:$0x3FAC] =	sst s5  }
0xe: {  	[smem:$0x3FAD] =	sst s6  }
0xf: {  	[smem:$0x3FAE] =	sst s7  }
0x10: {  	[smem:$0x3FAF] =	sst s8  }
0x11: {  	[smem:$0x3FB0] =	sst s9;
	s0 =	simm.s32 @!p0 $0x0  }
0x12: {  	s1 =	sld [smem:$0x3F96];
	s0 =	simm.s32 @p0 $0x1  }
0x13: {  	[smem:$0x3FB1] =	sst s0;
	s0 =	simm.s32 @!p1 $0x0  }
0x14: {  	s2 =	sld [smem:$0x3F95];
	s0 =	simm.s32 @p1 $0x1  }
0x15: {  	[smem:$0x3FB2] =	sst s0;
	s0 =	simm.s32 @!p2 $0x0  }
0x16: {  	s3 =	sld [smem:$0x3FDB];
	s0 =	simm.s32 @p2 $0x1  }
0x17: {  	s4 =	simm.s32 $0x1BF5;
	[smem:$0x3FB4] =	sst s0  }
0x18: {  	s0 =	sld [smem:$0x3F97];
	_ =	swait.ge [sflag:s4], $0x0  }
0x19: {  	s7 =	sld [smem:$0x3F98]  }
0x1a: {  	s8 =	sadd.s32 $0xFFFFE003, lr  }
0x1b: {  	s9 =	sadd.s32 $0xFFFFFEF7, lr;
	s5 =	simm.s32 $0xFFFFFFFF;
	p2 =	slt.u32 s8, $0xFFFFF086  }
0x1c: {  	p1 =	slt.u32 s9, $0xF7A;
	s5 =	simm.s32 @!p2 $0x0  }
0x1d: {  	s5 =	simm.s32 @p1 $0x1;
	p0 =	seq.s32 s7, s2  }
0x1e: {  	s7 =	smul.u32 @!p0 $0xF7A, s2;
	p2 =	seq.s32 @!p0 s5, $0x0  }
0x1f: {  	s9 =	smul.u32 $0xF7A, s1;
	s8 =	simm.s32 @!p0 $0x1BF5;
	p2 =	por !p2, p0  }
0x20: {  	[sflag:s8] =	ssyncset.s32 @!p0 $0xFFFFF086;
	s6 =	sadd.s32 @!p0 s3, s7;
	s7 =	simm.s32 @!p0 $0x108  }
0x21: {  	s3 =	sadd.s32 s3, s9;
	s6 =	sadd.s32 @!p0 $0x88, s6;
	s7 =	simm.s32 @p2 $0x1082  }
0x22: {  	[simem:s7], [sflag:s8] =	dma.local @!p0 [hbm:s6], $0xF7A  }
0x23: {  	s9 =	sor.u32 $0xD0000000, s2;
	s6 =	simm.s32 $0x108;
	_ =	swait.ge @!p0 [sflag:s8], $0x0  }
0x24: {  	s3 =	sadd.s32 $0x88, s3;
	s6 =	simm.s32 @!p1 $0x1082;
	[sflag:s4] =	ssyncset.s32 $0xFFFFF086  }
0x25: {  	[simem:s6], [sflag:s4] =	dma.local [hbm:s3], $0xF7A  }
0x26: {  	[smem:$0x3F98] =	sst s1;
	(tag) =	ssettag s2;
	_ =	strace s9  }
0x27: {  	s1 =	sld [smem:$0x3FA8]  }
0x28: {  	s2 =	sld [smem:$0x3FA9]  }
0x29: {  	s4 =	sld [smem:$0x3FAB]  }
0x2a: {  	p0 =	seq.s32 s5, $0x0;
	s5 =	sld [smem:$0x3FAC]  }
0x2b: {  	s6 =	sld [smem:$0x3FAD]  }
0x2c: {  	s7 =	sld [smem:$0x3FAE]  }
0x2d: {  	s3 =	simm.s32 $0x108;
	s8 =	sld [smem:$0x3FAF]  }
0x2e: {  	s3 =	simm.s32 @!p0 $0x1082;
	s9 =	sld [smem:$0x3FB0]  }
0x2f: {  	lr =	sadd.s32 s0, s3;
	s0 =	sld [smem:$0x3FA7]  }
0x30: {  	s3 =	sld [smem:$0x3FAA]  }
0x31: {  	[smem:$0x3FB3] =	sst s10  }
0x32: {  	s10 =	sld [smem:$0x3FB1];
	_ =	sdelay $0x3  }
0x33: {  	p0 =	seq.s32 s10, $0x1;
	s10 =	sld [smem:$0x3FB3];
	_ =	sdelay $0x3  }
0x34: {  	[smem:$0x3FB3] =	sst s10  }
0x35: {  	s10 =	sld [smem:$0x3FB2];
	_ =	sdelay $0x3  }
0x36: {  	p1 =	seq.s32 s10, $0x1;
	s10 =	sld [smem:$0x3FB3];
	_ =	sdelay $0x3  }
0x37: {  	[smem:$0x3FB3] =	sst s10  }
0x38: {  	s10 =	sld [smem:$0x3FB4]  }
0x39: {  	_ = 	snop;
	(pc) =	sbr.ind lr, $3  }
0x3a: {  	_ = 	snop  }
0x3b: {  	_ = 	snop  }
0x3c: {  	p2 =	seq.s32 s10, $0x1;
	s10 =	sld [smem:$0x3FB3]  }
0x3d: {  	_ =	shalt  }
0x3e: {  	_ =	shalt  }
0x3f: {  	_ =	shalt  }
0x40: {  	_ =	shalt  }
0x41: {  	_ =	shalt  }
0x42: {  	_ =	shalt  }
0x43: {  	_ =	shalt  }
0x44: {  	_ =	shalt  }
0x45: {  	_ =	shalt  }
0x46: {  	_ =	shalt  }
0x47: {  	_ =	shalt  }
0x48: {  	_ =	shalt  }
0x49: {  	_ =	shalt  }
0x4a: {  	_ =	shalt  }
0x4b: {  	_ =	shalt  }
0x4c: {  	_ =	shalt  }
0x4d: {  	_ =	shalt  }
0x4e: {  	_ =	shalt  }
0x4f: {  	_ =	shalt  }
0x50: {  	_ =	shalt  }
0x51: {  	_ =	shalt  }
0x52: {  	_ =	shalt  }
0x53: {  	_ =	shalt  }
0x54: {  	_ =	shalt  }
0x55: {  	_ =	shalt  }
0x56: {  	_ =	shalt  }
0x57: {  	_ =	shalt  }
0x58: {  	_ =	shalt  }
0x59: {  	_ =	shalt  }
0x5a: {  	_ =	shalt  }
0x5b: {  	_ =	shalt  }
0x5c: {  	_ =	shalt  }
0x5d: {  	_ =	shalt  }
0x5e: {  	_ =	shalt  }
0x5f: {  	_ =	shalt  }
0x60: {  	_ =	shalt  }
0x61: {  	_ =	shalt  }
0x62: {  	_ =	shalt  }
0x63: {  	_ =	shalt  }
0x64: {  	_ =	shalt  }
0x65: {  	_ =	shalt  }
0x66: {  	_ =	shalt  }
0x67: {  	_ =	shalt  }
0x68: {  	_ =	shalt  }
0x69: {  	_ =	shalt  }
0x6a: {  	_ =	shalt  }
0x6b: {  	_ =	shalt  }
0x6c: {  	_ =	shalt  }
0x6d: {  	_ =	shalt  }
0x6e: {  	_ =	shalt  }
0x6f: {  	_ =	shalt  }
0x70: {  	_ =	shalt  }
0x71: {  	_ =	shalt  }
0x72: {  	_ =	shalt  }
0x73: {  	_ =	shalt  }
0x74: {  	_ =	shalt  }
0x75: {  	_ =	shalt  }
0x76: {  	_ =	shalt  }
0x77: {  	_ =	shalt  }
0x78: {  	_ =	shalt  }
0x79: {  	_ =	shalt  }
0x7a: {  	_ =	shalt  }
0x7b: {  	_ =	shalt  }
0x7c: {  	_ =	shalt  }
0x7d: {  	_ =	shalt  }
0x7e: {  	_ =	shalt  }
0x7f: {  	_ =	shalt  }
0x80: {  	_ =	shalt  }
0x81: {  	_ =	shalt  }
0x82: {  	_ =	shalt  }
0x83: {  	_ =	shalt  }
0x84: {  	_ =	shalt  }
0x85: {  	_ =	shalt  }
0x86: {  	_ =	shalt  }
0x87: {  	_ =	shalt  }
.Lfunc_end0:
.L_simem_size_0:
called_computation.1_lowered:
.L_overlay_start_0:
0x88: {  	s2 =	sld [smem:$0x3FD9]  }
0x89: {  	s3 =	sld [smem:$0x3FFE];
	_ =	sdelay $0x1  }
0x8a: {  	s1 =	srdreg.scid  }
0x8b: {  	s0 =	sand.u32 $0x1, s1  }
0x8c: {  	s16 =	sshll.u32 s0, $0xA;
	s2 =	sadd.s32 s3, s2  }
0x8d: {  	s2 =	sadd.s32 s2, s16  }
0x8e: {  	[smem:$0x3FBF] =	sst s2  }
0x8f: {  	_ = 	snop  }
0x90: {  	(tm) =	ssettm $0x1  }
0x91: {  	s17 =	sld [smem:$0x3FFB];
	_ =	sdelay $0x3  }
0x92: {  	_ =	strace s17  }
0x93: {  	s2 =	sld [smem:$0x3FFC];
	_ =	sdelay $0x3  }
0x94: {  	_ =	strace s2  }
0x95: {  	s2 =	sld [smem:$0x3FFD];
	_ =	sdelay $0x3  }
0x96: {  	_ =	strace s2  }
0x97: {  	_ =	strace $0x8FFFFFFF  }
0x98: {  	s18 =	sld [smem:$0x3FDB];
	_ =	sdelay $0x1  }
0x99: {  	s19 =	simm.s32 $_scs_section_size  }
0x9a: {  	s4 =	simm.s32 $_size__tile_overlayer_lowered;
	s5 =	simm.s32 $_tile_overlayer_lowered  }
0x9b: {  	s22 =	simm.s32 $0x1BFF;
	s21 =	sshll.u32 s5, $0x1;
	s2 =	sadd.s32 s19, s18  }
0x9c: {  	s6 =	simm.s32 $0x0;
	s20 =	sshll.u32 s4, $0x1;
	s4 =	sadd.s32 s21, s2  }
0x9d: {  	[timem:s6], [sflag:s22] =	dma.local [hbm:s4], s20  }
0x9e: {  	_ =	swait.ge [sflag:s22], s20  }
0x9f: {  	s3 =	ssub.s32 $0x0, s20;
	[sflag:s22] =	ssyncset.done $0x0  }
0xa0: {  	[sflag:s22] =	ssyncadd.s32 s3;
	_ =	sdelay $0x1  }
0xa1: {  	s23 =	simm.s32 $0x1B8B  }
0xa2: {  	_ =	swait.ge [sflag:s23], $0x1  }
0xa3: {  	[sflag:s23] =	ssyncset.done $0x0  }
0xa4: {  	s25 =	simm.s32 $0x1B8E;
	s24 =	sld [smem:$0x3FFE];
	[sflag:s23] =	ssyncadd.s32 $0xFFFFFFFF  }
0xa5: {  	s26 =	simm.s32 $execute0_lowered;
	[smem:$0x3FD2] =	sst s25  }
0xa6: {  	s4 =	sshll.u32 s26, $0x1;
	_ =	strace $0x80000049;
	[dreg:$0x1] =	wrdreg $0xFFFFFFFF  }
0xa7: {  	s28 =	simm.s32 $_size_execute0_lowered;
	s2 =	sadd.s32 s2, s4;
	[dreg:$0x0] =	wrdreg $0x0  }
0xa8: {  	s4 =	sshll.u32 s28, $0x1;
	[dreg:$0x2] =	wrdreg s2  }
0xa9: {  	[dreg:$0x3] =	wrdreg s4  }
0xaa: {  	[dreg:$0x4] =	wrdreg $0xC0  }
0xab: {  	_ =	task [dreg:s6], $0x5FFFF  }
0xac: {  	[dreg:$0x1] =	wrdreg $0xFFFFFFFF  }
0xad: {  	[dreg:$0x0] =	wrdreg $0x60  }
0xae: {  	[dreg:$0x2] =	wrdreg s24  }
0xaf: {  	[dreg:$0x3] =	wrdreg $0xB0000  }
0xb0: {  	[dreg:$0x4] =	wrdreg $0x100000  }
0xb1: {  	[dreg:$0x5] =	wrdreg $0x9  }
0xb2: {  	_ =	task.clear_ibuf [dreg:s6], $0x6FFFF;
	_ =	strace $0x90000049  }
0xb3: {  	s29 =	simm.s32 $0x9;
	_ =	strace $0x8000004B  }
0xb4: {  	_ =	swait.ge [sflag:s29], $0x1  }
0xb5: {  	[sflag:s29] =	ssyncadd.s32 $0xFFFFFFFF  }
0xb6: {  	_ =	strace $0x9000004B  }
0xb7: {  	_ =	sfence  }
0xb8: {  	s30 =	sld [smem:$0x0];
	_ =	sdelay $0x2  }
0xb9: {  	s31 =	sshll.u32 s1, $0xD;
	s1 =	sshrl.u32 s1, $0x2  }
0xba: {  	s3 =	sand.u32 $0x4000, s31;
	s1 =	sadd.s32 s1, s30  }
0xbb: {  	s0 =	sor.u32 s3, s0;
	s1 =	sshll.u32 s1, $0x11  }
0xbc: {  	s0 =	sor.u32 s1, s0  }
0xbd: {  	s0 =	sadd.s32 $0x8F2B, s0  }
0xbe: {  	[sflag:s0] =	ssyncadd.remote.s32 $0x1  }
0xbf: {  	_ =	sfence.sel $0xFFFF  }
0xc0: {  	[dreg:$0x0] =	wrdreg $0xFFFFFFFF;
	(pc) =	sbr.abs _section_cstart, $3  }
0xc1: {  	[dreg:$0x1] =	wrdreg $0xFFFFFFFF  }
0xc2: {  	_ =	task.clear_ibuf [dreg:s6], $0x2FFFF;
	_ =	strace $0x9FFFFFFF  }
0xc3: {  	(tm) =	ssettm $0x7FFFFFFF  }
tec
execute0_lowered:
.L_overlay_start_1:
0x0: {  	(tag) =	ssettag $0x1  }
0x1: {  	s0 =	srdreg.scid;
	s1 =	rddreg [dreg:$0x0]  }
0x2: {  	s13 =	stileid.u32;
	s2 =	rddreg [dreg:$0x1]  }
0x3: {  	s15 =	simm.s32 $0xD;
	s21 =	simm.s32 $0x80;
	s28 =	simm.s32 $0x8000  }
0x4: {  	s29 =	simm.s32 $0x5;
	s30 =	simm.s32 $0x9000;
	s31 =	simm.s32 $0x9  }
0x5: {  	s16 =	simm.s32 $0xA;
	s17 =	simm.s32 $0x7;
	s6 =	smul.u32 $0x9C40, s13  }
0x6: {  	s20 =	simm.s32 $0x8;
	s14 =	simm.s32 $0x3;
	s7 =	smul.u32 $0xA000, s13  }
0x7: {  	s0 =	sand.u32 $0x1, s0;
	s3 =	sshll.u32 s13, $0x1;
	s8 =	smul.u32 $0x2710, s13  }
0x8: {  	s26 =	sshll.u32 s13, $0x6;
	s4 =	sor.u32 s0, s3;
	s3 =	rddreg [dreg:$0x2]  }
0x9: {  	s11 =	smul.u32 $0xA0000, s0;
	s0 =	ssub.s32 $0x2, s0;
	s18 =	sor.u32 $0x1C0D, s26  }
0xa: {  	s26 =	simm.s32 $0x2;
	s5 =	smul.u32 $0x500, s4;
	s4 =	simm.s32 $0x0  }
0xb: {  	s9 =	sshrl.u32 s6, $0x4;
	s10 =	sshrl.u32 s7, $0x4;
	s8 =	sshrl.u32 s8, $0x3  }
0xc: {  	s12 =	sshrl.u32 s0, $0x1;
	s6 =	sshrl.u32 s6, $0x1;
	[smem:$0x7FF] =	sst s4  }
0xd: {  	s9 =	sadd.s32 s9, s1;
	s10 =	sadd.s32 s10, s1;
	s11 =	sadd.s32 s7, s11  }
0xe: {  	s8 =	sadd.s32 s8, s1;
	s0 =	ssub.s32 s0, s12;
	s7 =	sshrl.u32 s7, $0x1  }
0xf: {  	s25 =	sadd.s32 s6, s3;
	s6 =	simm.s32 $0x0;
	_ =	strace $0x8000004A  }
0x10: {  	s5 =	sadd.s32 s5, s1;
	s9 =	sadd.s32 $0x1AC00, s9;
	[dreg:$0xa] =	wrdreg s25  }
0x11: {  	s11 =	sshrl.u32 s11, $0x4;
	s22 =	sadd.s32 $0x10C00, s8;
	[dreg:$0x4] =	wrdreg s9  }
0x12: {  	s8 =	sadd.s32 $0x15C00, s8;
	s7 =	sadd.s32 s7, s2;
	[dreg:$0x5] =	wrdreg s22  }
0x13: {  	s23 =	sadd.s32 $0x24A00, s10;
	s0 =	smax.u32 s0, $0x1;
	[dreg:$0x6] =	wrdreg s8  }
0x14: {  	s25 =	simm.s32 $0x7000;
	s1 =	sadd.s32 s11, s1;
	[dreg:$0x7] =	wrdreg s23  }
.Ltmp0:
0x15: {  	s24 =	sadd.s32 $0x2EA00, s5;
	s5 =	sadd.s32 $0x1C00, s5;
	(pc) =	sbr.rel .LBB2_1-.Ltmp0, $4  }
0x16: {  	[dreg:$0xc] =	wrdreg s0;
	s19 =	sshrl.u32 s7, $0x3;
	s22 =	simm.s32 $0x5000  }
0x17: {  	s23 =	simm.s32 $0x6000;
	s0 =	simm.s32 $0xA000;
	[dreg:$0x8] =	wrdreg s24  }
0x18: {  	[dreg:$0x9] =	wrdreg s5;
	s1 =	sadd.s32 $0x38A00, s1;
	s24 =	simm.s32 $0x4  }
0x19: {  	s5 =	simm.s32 $0x1;
	[dreg:$0xb] =	wrdreg s1;
	s1 =	simm.s32 $0x6  }
.LBB2_17:
0x1a: {  	_ =	swait.ge [sflag:s17], $0x1000  }
0x1b: {  	[sflag:s17] =	ssyncset.done $0x0  }
0x1c: {  	[sflag:s17] =	ssyncadd.s32 $0xFFFFF000  }
0x1d: {  	_ =	swait.ge [sflag:s20], $0x1000  }
0x1e: {  	[sflag:s20] =	ssyncset.done $0x0  }
0x1f: {  	[sflag:s20] =	ssyncadd.s32 $0xFFFFF000  }
0x20: {  	[bflag:$0x0] =	sbarrier.arrive $0xFFFF  }
0x21: {  	s7 =	rddreg [dreg:$0xb]  }
0x22: {  	[hbm:s7], [sflag:s18] =	dma.local [spmem:s19], $0xA00  }
0x23: {  	_ =	swait.ge [sflag:s15], $0xA00  }
0x24: {  	s6 =	sadd.s32 $0x1, s6;
	s13 =	rddreg [dreg:$0xc]  }
0x25: {  	p0 =	sne.s32 s6, s13  }
.Ltmp1:
0x26: {  	_ = 	snop;
	(pc) =	sbr.rel @!p0 .LBB2_18-.Ltmp1, $3  }
0x27: {  	_ =	sdelay $0x1  }
0x28: {  	[sflag:s15] =	ssyncset.done $0x0  }
0x29: {  	[sflag:s15] =	ssyncadd.s32 $0xFFFFF600  }
.LBB2_1:
0x2a: {  	s7 =	rddreg [dreg:$0x4];
	s8 =	simm.s32 $0x14E20  }
0x2b: {  	[tilespmem:s8], [sflag:$0xD] =	stream.linear.gather [hbm4b:s7+s4], $0x4E20, $0x38;
	[tilespmem:$0x1EA60] =	vst v63  }
0x2c: {  	_ =	swait.ge [sflag:s15], $0x4E20  }
0x2d: {  	[sflag:s15] =	ssyncset.done $0x0  }
0x2e: {  	s11 =	simm.s32 $0x19C40;
	s10 =	rddreg [dreg:$0x5];
	[sflag:s15] =	ssyncadd.s32 $0xFFFFB1E0  }
0x2f: {  	[tilespmem:s11], [sflag:$0xD] =	stream.linear.gather [hbm4b:s10+s4], $0x2710, $0x38;
	[tilespmem:$0x1EA60] =	vst v63  }
0x30: {  	_ =	swait.ge [sflag:s15], $0x2710  }
0x31: {  	[sflag:s15] =	ssyncset.done $0x0  }
0x32: {  	s13 =	simm.s32 $0x1C350;
	s12 =	rddreg [dreg:$0x6];
	[sflag:s15] =	ssyncadd.s32 $0xFFFFD8F0  }
0x33: {  	[tilespmem:s13], [sflag:$0xD] =	stream.linear.gather [hbm4b:s12+s4], $0x2710, $0x38;
	[tilespmem:$0x1EA60] =	vst v63  }
0x34: {  	_ =	swait.ge [sflag:s15], $0x2710  }
0x35: {  	[sflag:s15] =	ssyncset.done $0x0  }
0x36: {  	s9 =	rddreg [dreg:$0x7];
	[sflag:s15] =	ssyncadd.s32 $0xFFFFD8F0  }
0x37: {  	[spmem:s19], [sflag:s18] =	dma.local [hbm:s9], $0xA00  }
0x38: {  	_ =	swait.ge [sflag:s15], $0xA00  }
0x39: {  	[sflag:s15] =	ssyncset.done $0x0  }
0x3a: {  	s10 =	rddreg [dreg:$0x8];
	[sflag:s15] =	ssyncadd.s32 $0xFFFFF600  }
0x3b: {  	[tilespmem:s4], [sflag:$0xD] =	stream.linear.gather [hbm4b:s10+s4], $0x2800, $0x38;
	[tilespmem:$0x1EA60] =	vst v63  }
0x3c: {  	_ =	swait.ge [sflag:s15], $0x2800  }
0x3d: {  	[sflag:s15] =	ssyncset.done $0x0  }
0x3e: {  	s12 =	simm.s32 $0x2800;
	s11 =	rddreg [dreg:$0x9];
	[sflag:s15] =	ssyncadd.s32 $0xFFFFD800  }
0x3f: {  	[tilespmem:s12], [sflag:$0xD] =	stream.linear.gather [hbm4b:s11+s4], $0x2800, $0x38;
	[tilespmem:$0x1EA60] =	vst v63  }
0x40: {  	_ =	swait.ge [sflag:s15], $0x2800  }
0x41: {  	[sflag:s15] =	ssyncset.done $0x0  }
0x42: {  	s13 =	simm.s32 $0x19D00;
	[sflag:s15] =	ssyncadd.s32 $0xFFFFD800  }
0x43: {  	s7 =	simm.s32 $0x1C410;
	v0 =	vld [tilespmem:s13+$0xC0]  }
0x44: {  	v1 =	vld [tilespmem:s7+$0xC0]  }
0x45: {  	v2 =	vld [tilespmem:s13+$0xFFFFFF50]  }
0x46: {  	v3 =	vld [tilespmem:s7+$0xFFFFFF50]  }
0x47: {  	v4 =	vld [tilespmem:s13+$0xFFFFFF60]  }
0x48: {  	v5 =	vld [tilespmem:s7+$0xFFFFFF60];
	_ =	sdelay $0x1  }
0x49: {  	v6 =	vld [tilespmem:s7+$0xFFFFFF70]  }
0x4a: {  	v7 =	vld [tilespmem:s13+$0xFFFFFF80]  }
0x4b: {  	v0 =	vadd.f32 v1, v0;
	v1 =	vld [tilespmem:s13+$0xFFFFFF70];
	v2 =	vadd.f32 v3, v2  }
0x4c: {  	v3 =	vld [tilespmem:s7+$0xFFFFFF80];
	v4 =	vadd.f32 v5, v4  }
0x4d: {  	v9 =	vld [tilespmem:s13+$0xFFFFFF90];
	v0 =	vadd.f32 $1.000000000e+00, v0;
	v2 =	vadd.f32 $1.000000000e+00, v2  }
0x4e: {  	v11 =	vld [tilespmem:s13+$0xFFFFFFA0];
	v4 =	vadd.f32 $1.000000000e+00, v4  }
0x4f: {  	v13 =	vld [tilespmem:s7+$0xFFFFFFA0];
	v8 =	vshra.s32 v0, $0x1;
	v0 =	vmul.f32 $5.000000000e-01, v0;
	v12 =	vshra.s32 v2, $0x1  }
0x50: {  	v5 =	vsub.s32 $0x5F3759DF, v8;
	v8 =	vld [tilespmem:s7+$0xFFFFFF90];
	v6 =	vadd.f32 v6, v1;
	v25 =	vsub.s32 $0x5F3759DF, v12  }
0x51: {  	v1 =	vmul.f32 $5.000000000e-01, v2;
	v12 =	vld [tilespmem:s13+$0xFFFFFFB0];
	v2 =	vshra.s32 v4, $0x1;
	v3 =	vadd.f32 v3, v7  }
0x52: {  	v7 =	vld [tilespmem:s7+$0xFFFFFFB0];
	v10 =	vmul.f32 v5, v0;
	v26 =	vsub.s32 $0x5F3759DF, v2;
	v2 =	vmul.f32 $5.000000000e-01, v4  }
0x53: {  	v6 =	vadd.f32 $1.000000000e+00, v6;
	v40 =	vmul.f32 v25, v1  }
0x54: {  	v15 =	vadd.f32 $1.000000000e+00, v3;
	v10 =	vmul.f32 v5, v10;
	v41 =	vmul.f32 v26, v2  }
0x55: {  	v14 =	vshra.s32 v6, $0x1;
	v3 =	vmul.f32 $5.000000000e-01, v6;
	v6 =	vadd.f32 v13, v11  }
0x56: {  	v40 =	vmul.f32 v25, v40;
	v4 =	vsub.f32 $1.500000000e+00, v10;
	v8 =	vadd.f32 v8, v9  }
0x57: {  	v27 =	vsub.s32 $0x5F3759DF, v14;
	v7 =	vadd.f32 v7, v12;
	v41 =	vmul.f32 v26, v41  }
0x58: {  	v13 =	vld [tilespmem:s13+$0xFFFFFFE0];
	v6 =	vadd.f32 $1.000000000e+00, v6;
	v42 =	vmul.f32 v27, v3;
	v40 =	vsub.f32 $1.500000000e+00, v40  }
0x59: {  	v10 =	vld [tilespmem:s13+$0xFFFFFFC0];
	v14 =	vmul.f32 v5, v4;
	v4 =	vshra.s32 v15, $0x1;
	v5 =	vadd.f32 $1.000000000e+00, v8  }
0x5a: {  	v9 =	vld [tilespmem:s7+$0xFFFFFFC0];
	v7 =	vadd.f32 $1.000000000e+00, v7;
	v28 =	vsub.s32 $0x5F3759DF, v4;
	v4 =	vmul.f32 $5.000000000e-01, v15  }
0x5b: {  	v12 =	vld [tilespmem:s7+$0xFFFFFFE0];
	v17 =	vshra.s32 v6, $0x1;
	v6 =	vmul.f32 $5.000000000e-01, v6;
	v42 =	vmul.f32 v27, v42  }
0x5c: {  	v16 =	vld [tilespmem:s13+$0xFFFFFFD0];
	v41 =	vsub.f32 $1.500000000e+00, v41;
	v25 =	vmul.f32 v25, v40;
	v11 =	vmul.f32 v14, v0  }
0x5d: {  	v8 =	vld [tilespmem:s7+$0xFFFFFFD0];
	v15 =	vshra.s32 v5, $0x1;
	v5 =	vmul.f32 $5.000000000e-01, v5;
	v30 =	vsub.s32 $0x5F3759DF, v17  }
0x5e: {  	v18 =	vshra.s32 v7, $0x1;
	v7 =	vmul.f32 $5.000000000e-01, v7;
	v26 =	vmul.f32 v26, v41  }
0x5f: {  	v29 =	vsub.s32 $0x5F3759DF, v15;
	v9 =	vadd.f32 v9, v10;
	v31 =	vsub.s32 $0x5F3759DF, v18  }
0x60: {  	v12 =	vadd.f32 v12, v13;
	v44 =	vmul.f32 v28, v4;
	v50 =	vmul.f32 v30, v6  }
0x61: {  	v15 =	vld [tilespmem:s13+$0xFFFFFFF0];
	v42 =	vsub.f32 $1.500000000e+00, v42;
	v11 =	vmul.f32 v11, v14;
	v46 =	vmul.f32 v29, v5  }
0x62: {  	v10 =	vld [tilespmem:s7+$0xFFFFFFF0];
	v9 =	vadd.f32 $1.000000000e+00, v9;
	v8 =	vadd.f32 v8, v16;
	v44 =	vmul.f32 v28, v44  }
0x63: {  	v12 =	vadd.f32 $1.000000000e+00, v12;
	v27 =	vmul.f32 v27, v42;
	v50 =	vmul.f32 v30, v50  }
0x64: {  	v11 =	vsub.f32 $1.500000000e+00, v11;
	v46 =	vmul.f32 v29, v46;
	v18 =	vshra.s32 v9, $0x1  }
0x65: {  	v17 =	vld [tilespmem:s13+$0x0];
	v19 =	vadd.f32 $1.000000000e+00, v8;
	v8 =	vmul.f32 $5.000000000e-01, v9;
	v44 =	vsub.f32 $1.500000000e+00, v44  }
0x66: {  	v16 =	vld [tilespmem:s7+$0x0];
	v50 =	vsub.f32 $1.500000000e+00, v50;
	v14 =	vmul.f32 v11, v14;
	v32 =	vsub.s32 $0x5F3759DF, v18  }
0x67: {  	v13 =	vld [tilespmem:s7+$0x10];
	v10 =	vadd.f32 v10, v15;
	v46 =	vsub.f32 $1.500000000e+00, v46;
	v54 =	vmul.f32 v32, v8  }
0x68: {  	v11 =	vld [tilespmem:s13+$0x10];
	v9 =	vshra.s32 v19, $0x1;
	v28 =	vmul.f32 v28, v44;
	v0 =	vmul.f32 v14, v0  }
0x69: {  	v18 =	vld [tilespmem:s13+$0x20];
	v30 =	vmul.f32 v30, v50;
	v34 =	vsub.s32 $0x5F3759DF, v9;
	v9 =	vmul.f32 $5.000000000e-01, v19  }
0x6a: {  	v15 =	vld [tilespmem:s7+$0x20];
	v19 =	vshra.s32 v12, $0x1;
	v21 =	vadd.f32 $1.000000000e+00, v10;
	v0 =	vmul.f32 v0, v14  }
0x6b: {  	v16 =	vadd.f32 v16, v17;
	v10 =	vmul.f32 $5.000000000e-01, v12;
	v29 =	vmul.f32 v29, v46  }
0x6c: {  	v20 =	vld [tilespmem:s7+$0xFFFFFF40];
	v35 =	vsub.s32 $0x5F3759DF, v19;
	v54 =	vmul.f32 v32, v54;
	v0 =	vsub.f32 $1.500000000e+00, v0  }
0x6d: {  	v17 =	vld [tilespmem:s13+$0x30];
	v12 =	vshra.s32 v21, $0x1;
	v16 =	vadd.f32 $1.000000000e+00, v16;
	v57 =	vmul.f32 v34, v9  }
0x6e: {  	v59 =	vmul.f32 v35, v10;
	v11 =	vadd.f32 v13, v11;
	v13 =	vld [tilespmem:s7+$0x30];
	v0 =	vmul.f32 v0, v14  }
0x6f: {  	v19 =	vld [tilespmem:s13+$0x40];
	v37 =	vsub.s32 $0x5F3759DF, v12;
	v12 =	vadd.f32 v15, v18;
	v54 =	vsub.f32 $1.500000000e+00, v54  }
0x70: {  	v15 =	vld [tilespmem:s7+$0x40];
	v57 =	vmul.f32 v34, v57;
	v59 =	vmul.f32 v35, v59;
	v22 =	vadd.f32 $1.000000000e+00, v11;
	[tilespmem:$0x1FFB0] =	vst v0  }
0x71: {  	v11 =	vmul.f32 $5.000000000e-01, v21;
	v21 =	vadd.f32 $1.000000000e+00, v12;
	v12 =	vmul.f32 $5.000000000e-01, v16;
	v18 =	vld [tilespmem:s13+$0x50]  }
0x72: {  	v32 =	vmul.f32 v32, v54;
	v14 =	vshra.s32 v16, $0x1;
	v57 =	vsub.f32 $1.500000000e+00, v57;
	v23 =	vld [tilespmem:s7+$0x50]  }
0x73: {  	v38 =	vsub.s32 $0x5F3759DF, v14;
	v14 =	vshra.s32 v22, $0x1;
	v16 =	vadd.f32 v13, v17;
	v17 =	vld [tilespmem:s13+$0x60]  }
0x74: {  	v59 =	vsub.f32 $1.500000000e+00, v59;
	v33 =	vsub.s32 $0x5F3759DF, v14;
	v13 =	vmul.f32 $5.000000000e-01, v22;
	v24 =	vld [tilespmem:s7+$0x60]  }
0x75: {  	v22 =	vshra.s32 v21, $0x1;
	v14 =	vmul.f32 $5.000000000e-01, v21;
	v15 =	vadd.f32 v15, v19;
	v19 =	vld [tilespmem:s13+$0x70]  }
0x76: {  	v34 =	vmul.f32 v34, v57;
	v36 =	vsub.s32 $0x5F3759DF, v22;
	v21 =	vld [tilespmem:s7+$0x70];
	v16 =	vadd.f32 $1.000000000e+00, v16  }
0x77: {  	v43 =	vadd.f32 $1.000000000e+00, v15;
	v41 =	vmul.f32 v33, v13;
	v42 =	vmul.f32 v36, v14  }
0x78: {  	v35 =	vmul.f32 v35, v59;
	v22 =	vshra.s32 v16, $0x1;
	v15 =	vmul.f32 $5.000000000e-01, v16  }
0x79: {  	v45 =	vld [tilespmem:s7+$0x80];
	v16 =	vshra.s32 v43, $0x1;
	v41 =	vmul.f32 v33, v41;
	v42 =	vmul.f32 v36, v42  }
0x7a: {  	v60 =	vld [tilespmem:s7+$0x90];
	v39 =	vsub.s32 $0x5F3759DF, v22;
	v47 =	vsub.s32 $0x5F3759DF, v16;
	v18 =	vadd.f32 v23, v18  }
0x7b: {  	v22 =	vld [tilespmem:s13+$0xFFFFFF40];
	v16 =	vmul.f32 $5.000000000e-01, v43;
	v17 =	vadd.f32 v24, v17;
	v19 =	vadd.f32 v21, v19  }
0x7c: {  	v51 =	vld [tilespmem:s7+$0xA0];
	v44 =	vmul.f32 v39, v15;
	v41 =	vsub.f32 $1.500000000e+00, v41;
	v42 =	vsub.f32 $1.500000000e+00, v42  }
0x7d: {  	v23 =	vld [tilespmem:s13+$0x80];
	v46 =	vmul.f32 v47, v16;
	v18 =	vadd.f32 $1.000000000e+00, v18;
	v49 =	vadd.f32 $1.000000000e+00, v17  }
0x7e: {  	v24 =	vld [tilespmem:s13+$0x90];
	v19 =	vadd.f32 $1.000000000e+00, v19;
	v44 =	vmul.f32 v39, v44;
	v33 =	vmul.f32 v33, v41  }
0x7f: {  	v21 =	vld [tilespmem:s13+$0xA0];
	v36 =	vmul.f32 v36, v42;
	v46 =	vmul.f32 v47, v46;
	v48 =	vshra.s32 v18, $0x1  }
0x80: {  	v17 =	vmul.f32 $5.000000000e-01, v18;
	v18 =	vshra.s32 v49, $0x1;
	v20 =	vadd.f32 v20, v22  }
0x81: {  	v61 =	vshra.s32 v19, $0x1;
	v19 =	vmul.f32 $5.000000000e-01, v19;
	v44 =	vsub.f32 $1.500000000e+00, v44  }
0x82: {  	v48 =	vsub.s32 $0x5F3759DF, v48;
	v22 =	vadd.f32 v45, v23;
	v45 =	vmul.f32 v31, v7  }
0x83: {  	v52 =	vsub.s32 $0x5F3759DF, v18;
	v18 =	vmul.f32 $5.000000000e-01, v49;
	v43 =	vadd.f32 v60, v24  }
0x84: {  	v49 =	vsub.s32 $0x5F3759DF, v61;
	v21 =	vadd.f32 v51, v21;
	v61 =	vmul.f32 v37, v11  }
0x85: {  	v46 =	vsub.f32 $1.500000000e+00, v46;
	v20 =	vadd.f32 $1.000000000e+00, v20;
	v50 =	vmul.f32 v48, v17  }
0x86: {  	v53 =	vld [tilespmem:s7+$0xB0];
	v54 =	vmul.f32 v49, v19;
	v39 =	vmul.f32 v39, v44;
	v22 =	vadd.f32 $1.000000000e+00, v22  }
0x87: {  	v23 =	vld [tilespmem:s13+$0xB0];
	v43 =	vadd.f32 $1.000000000e+00, v43;
	v58 =	vadd.f32 $1.000000000e+00, v21;
	v45 =	vmul.f32 v31, v45  }
0x88: {  	v44 =	vmul.f32 v47, v46;
	v55 =	vshra.s32 v20, $0x1;
	v24 =	vmul.f32 $5.000000000e-01, v20  }
0x89: {  	v50 =	vmul.f32 v48, v50;
	v54 =	vmul.f32 v49, v54;
	v51 =	vsub.s32 $0x5F3759DF, v55  }
0x8a: {  	v62 =	vshra.s32 v22, $0x1;
	v20 =	vmul.f32 $5.000000000e-01, v22;
	v21 =	vmul.f32 $5.000000000e-01, v43  }
0x8b: {  	v22 =	vmul.f32 $5.000000000e-01, v58;
	v43 =	vshra.s32 v43, $0x1;
	v58 =	vshra.s32 v58, $0x1  }
0x8c: {  	v45 =	vsub.f32 $1.500000000e+00, v45;
	v56 =	vmul.f32 v51, v24;
	v23 =	vadd.f32 v53, v23  }
0x8d: {  	v55 =	vsub.s32 $0x5F3759DF, v62;
	v62 =	vmul.f32 v38, v12;
	v43 =	vsub.s32 $0x5F3759DF, v43  }
0x8e: {  	v58 =	vsub.s32 $0x5F3759DF, v58;
	v53 =	vmul.f32 v37, v61;
	v31 =	vmul.f32 v31, v45  }
0x8f: {  	v50 =	vsub.f32 $1.500000000e+00, v50;
	v61 =	vmul.f32 v43, v21;
	v63 =	vmul.f32 v51, v56  }
0x90: {  	v54 =	vsub.f32 $1.500000000e+00, v54;
	v56 =	vmul.f32 v52, v18;
	v40 =	vmul.f32 v38, v62  }
0x91: {  	v60 =	vadd.f32 $1.000000000e+00, v23;
	v62 =	vmul.f32 v58, v22;
	v46 =	vmul.f32 v48, v50  }
0x92: {  	v53 =	vsub.f32 $1.500000000e+00, v53;
	v48 =	vmul.f32 v49, v54;
	v50 =	vmul.f32 v26, v2  }
0x93: {  	v54 =	vmul.f32 v29, v5;
	v59 =	vmul.f32 v43, v61;
	v23 =	vsub.f32 $1.500000000e+00, v63  }
0x94: {  	v63 =	vshra.s32 v60, $0x1;
	v37 =	vmul.f32 v37, v53;
	v56 =	vmul.f32 v52, v56  }
0x95: {  	v40 =	vsub.f32 $1.500000000e+00, v40;
	v53 =	vmul.f32 v58, v62;
	v62 =	vmul.f32 v25, v1  }
0x96: {  	v50 =	vmul.f32 v50, v26;
	v54 =	vmul.f32 v54, v29;
	v45 =	vsub.s32 $0x5F3759DF, v63  }
0x97: {  	v59 =	vsub.f32 $1.500000000e+00, v59;
	v51 =	vmul.f32 v51, v23;
	v23 =	vmul.f32 $5.000000000e-01, v60  }
0x98: {  	v60 =	vmul.f32 v55, v20;
	v38 =	vmul.f32 v38, v40;
	v56 =	vsub.f32 $1.500000000e+00, v56  }
0x99: {  	v50 =	vsub.f32 $1.500000000e+00, v50;
	v41 =	vmul.f32 v43, v59;
	v63 =	vmul.f32 v45, v23  }
0x9a: {  	v54 =	vsub.f32 $1.500000000e+00, v54;
	v57 =	vmul.f32 v55, v60;
	v47 =	vmul.f32 v52, v56  }
0x9b: {  	v60 =	vsub.f32 $1.500000000e+00, v53;
	v61 =	vmul.f32 v51, v24;
	v53 =	vmul.f32 v28, v4  }
0x9c: {  	v56 =	vmul.f32 v31, v7;
	v26 =	vmul.f32 v50, v26  }
0x9d: {  	v50 =	vmul.f32 v33, v13;
	v29 =	vmul.f32 v54, v29  }
0x9e: {  	v54 =	vmul.f32 v44, v16;
	v40 =	vmul.f32 v45, v63  }
0x9f: {  	v42 =	vmul.f32 v58, v60;
	v63 =	vmul.f32 v27, v3  }
0xa0: {  	v43 =	vmul.f32 v61, v51;
	v60 =	vmul.f32 v32, v8  }
0xa1: {  	v61 =	vmul.f32 v34, v9;
	v53 =	vmul.f32 v53, v28  }
0xa2: {  	v57 =	vsub.f32 $1.500000000e+00, v57;
	v56 =	vmul.f32 v56, v31;
	v50 =	vmul.f32 v50, v33  }
0xa3: {  	v54 =	vmul.f32 v54, v44;
	v2 =	vmul.f32 v26, v2  }
0xa4: {  	v5 =	vmul.f32 v29, v5;
	v49 =	vmul.f32 v55, v57  }
0xa5: {  	v55 =	vmul.f32 v30, v6;
	v52 =	vmul.f32 v63, v27  }
0xa6: {  	v63 =	vmul.f32 v37, v11;
	v57 =	vmul.f32 v60, v32  }
0xa7: {  	v40 =	vsub.f32 $1.500000000e+00, v40;
	v58 =	vmul.f32 v61, v34;
	v60 =	vmul.f32 v48, v19  }
0xa8: {  	v43 =	vsub.f32 $1.500000000e+00, v43;
	v2 =	vmul.f32 v2, v26;
	v5 =	vmul.f32 v5, v29  }
0xa9: {  	v53 =	vsub.f32 $1.500000000e+00, v53;
	v40 =	vmul.f32 v45, v40;
	v45 =	vmul.f32 v62, v25  }
0xaa: {  	v56 =	vsub.f32 $1.500000000e+00, v56;
	v62 =	vmul.f32 v35, v10;
	v43 =	vmul.f32 v43, v51  }
0xab: {  	v55 =	vmul.f32 v55, v30;
	v28 =	vmul.f32 v53, v28  }
0xac: {  	v50 =	vsub.f32 $1.500000000e+00, v50;
	v53 =	vmul.f32 v39, v15;
	v31 =	vmul.f32 v56, v31  }
0xad: {  	v54 =	vsub.f32 $1.500000000e+00, v54;
	v56 =	vmul.f32 v47, v18;
	v51 =	vmul.f32 v63, v37  }
0xae: {  	v52 =	vsub.f32 $1.500000000e+00, v52;
	v61 =	vmul.f32 v49, v20;
	v63 =	vmul.f32 v42, v22  }
0xaf: {  	v57 =	vsub.f32 $1.500000000e+00, v57;
	v33 =	vmul.f32 v50, v33;
	v44 =	vmul.f32 v54, v44  }
0xb0: {  	v58 =	vsub.f32 $1.500000000e+00, v58;
	v27 =	vmul.f32 v52, v27;
	v52 =	vmul.f32 v36, v14  }
0xb1: {  	v59 =	vmul.f32 v62, v35;
	v32 =	vmul.f32 v57, v32  }
0xb2: {  	v34 =	vmul.f32 v58, v34;
	v62 =	vmul.f32 v41, v21  }
0xb3: {  	v53 =	vmul.f32 v53, v39;
	v56 =	vmul.f32 v56, v47  }
0xb4: {  	v57 =	vmul.f32 v60, v48;
	v58 =	vmul.f32 v61, v49  }
0xb5: {  	v2 =	vsub.f32 $1.500000000e+00, v2;
	v61 =	vmul.f32 v43, v24;
	v4 =	vmul.f32 v28, v4  }
0xb6: {  	v45 =	vsub.f32 $1.500000000e+00, v45;
	v7 =	vmul.f32 v31, v7;
	v13 =	vmul.f32 v33, v13  }
0xb7: {  	v55 =	vsub.f32 $1.500000000e+00, v55;
	v16 =	vmul.f32 v44, v16;
	v2 =	vmul.f32 v2, v26  }
0xb8: {  	v51 =	vsub.f32 $1.500000000e+00, v51;
	v45 =	vmul.f32 v45, v25;
	v25 =	vmul.f32 v38, v12  }
0xb9: {  	v30 =	vmul.f32 v55, v30;
	v55 =	vmul.f32 v46, v17  }
0xba: {  	s8 =	simm.s32 $0x14FB0;
	v37 =	vmul.f32 v51, v37;
	v52 =	vmul.f32 v52, v36  }
0xbb: {  	v0 =	vld [tilespmem:s8+$0xFFFFFE70];
	v51 =	vmul.f32 v63, v42;
	v3 =	vmul.f32 v27, v3  }
0xbc: {  	v59 =	vsub.f32 $1.500000000e+00, v59;
	v8 =	vmul.f32 v32, v8;
	v9 =	vmul.f32 v34, v9  }
0xbd: {  	v53 =	vsub.f32 $1.500000000e+00, v53;
	v4 =	vmul.f32 v4, v28;
	v7 =	vmul.f32 v7, v31  }
0xbe: {  	v56 =	vsub.f32 $1.500000000e+00, v56;
	v13 =	vmul.f32 v13, v33;
	v16 =	vmul.f32 v16, v44  }
0xbf: {  	v57 =	vsub.f32 $1.500000000e+00, v57;
	v25 =	vmul.f32 v25, v38;
	v35 =	vmul.f32 v59, v35  }
0xc0: {  	v50 =	vld [tilespmem:s8+$0x180];
	[tilespmem:$0x1FFE0] =	vst v0;
	v58 =	vsub.f32 $1.500000000e+00, v58;
	v55 =	vmul.f32 v55, v46;
	v59 =	vmul.f32 v62, v41  }
0xc1: {  	v54 =	vld [tilespmem:s8+$0xFFFFFEB0];
	v39 =	vmul.f32 v53, v39;
	v47 =	vmul.f32 v56, v47  }
0xc2: {  	v0 =	vld [tilespmem:s8+$0x20];
	v48 =	vmul.f32 v57, v48;
	v49 =	vmul.f32 v58, v49  }
0xc3: {  	v26 =	vld [tilespmem:s8+$0xFFFFFF30];
	v1 =	vmul.f32 v45, v1;
	v6 =	vmul.f32 v30, v6  }
0xc4: {  	v63 =	vld [tilespmem:s8+$0x10];
	v52 =	vsub.f32 $1.500000000e+00, v52;
	v11 =	vmul.f32 v37, v11;
	v3 =	vmul.f32 v3, v27  }
0xc5: {  	v53 =	vld [tilespmem:s8+$0xFFFFFEA0];
	v4 =	vsub.f32 $1.500000000e+00, v4;
	v8 =	vmul.f32 v8, v32;
	v9 =	vmul.f32 v9, v34  }
0xc6: {  	v62 =	vld [tilespmem:s8+$0xFFFFFED0];
	v7 =	vsub.f32 $1.500000000e+00, v7;
	v36 =	vmul.f32 v52, v36;
	v10 =	vmul.f32 v35, v10  }
0xc7: {  	v57 =	vld [tilespmem:s8+$0xFFFFFEE0];
	v13 =	vsub.f32 $1.500000000e+00, v13;
	v15 =	vmul.f32 v39, v15;
	v18 =	vmul.f32 v47, v18  }
0xc8: {  	v58 =	vld [tilespmem:s8+$0xFFFFFEF0];
	v16 =	vsub.f32 $1.500000000e+00, v16;
	v20 =	vmul.f32 v49, v20;
	v1 =	vmul.f32 v1, v45  }
0xc9: {  	v25 =	vsub.f32 $1.500000000e+00, v25;
	v52 =	vld [tilespmem:s8+$0xFFFFFE90];
	v6 =	vmul.f32 v6, v30;
	v4 =	vmul.f32 v4, v28  }
0xca: {  	v55 =	vsub.f32 $1.500000000e+00, v55;
	v28 =	vld [tilespmem:s8+$0xFFFFFF50];
	v11 =	vmul.f32 v11, v37;
	v7 =	vmul.f32 v7, v31  }
0xcb: {  	v59 =	vsub.f32 $1.500000000e+00, v59;
	v31 =	vld [tilespmem:s8+$0xFFFFFF80];
	v13 =	vmul.f32 v13, v33;
	v44 =	vmul.f32 v16, v44  }
0xcc: {  	v3 =	vsub.f32 $1.500000000e+00, v3;
	v33 =	vld [tilespmem:s8+$0xFFFFFFE0];
	v38 =	vmul.f32 v25, v38;
	v25 =	vmul.f32 v40, v23  }
0xcd: {  	v8 =	vsub.f32 $1.500000000e+00, v8;
	v46 =	vmul.f32 v55, v46;
	v41 =	vmul.f32 v59, v41;
	v55 =	vld [tilespmem:s8+$0xFFFFFEC0]  }
0xce: {  	v9 =	vsub.f32 $1.500000000e+00, v9;
	v14 =	vmul.f32 v36, v14;
	v59 =	vld [tilespmem:s8+$0xFFFFFF00];
	v3 =	vmul.f32 v3, v27  }
0xcf: {  	v27 =	vld [tilespmem:s8+$0xFFFFFF40];
	v10 =	vmul.f32 v10, v35;
	v8 =	vmul.f32 v8, v32  }
0xd0: {  	v6 =	vsub.f32 $1.500000000e+00, v6;
	v32 =	vld [tilespmem:s8+$0xFFFFFF90];
	v9 =	vmul.f32 v9, v34;
	v15 =	vmul.f32 v15, v39  }
0xd1: {  	v11 =	vsub.f32 $1.500000000e+00, v11;
	v34 =	vld [tilespmem:s8+$0xFFFFFFA0];
	v25 =	vmul.f32 v25, v40;
	v12 =	vmul.f32 v38, v12  }
0xd2: {  	v51 =	vsub.f32 $1.500000000e+00, v51;
	v17 =	vmul.f32 v46, v17;
	v6 =	vmul.f32 v6, v30;
	v30 =	vld [tilespmem:s8+$0xFFFFFF70]  }
0xd3: {  	v21 =	vmul.f32 v41, v21;
	v10 =	vsub.f32 $1.500000000e+00, v10;
	v11 =	vmul.f32 v11, v37;
	v37 =	vld [tilespmem:s8+$0xFFFFFFC0]  }
0xd4: {  	v14 =	vmul.f32 v14, v36;
	v60 =	vsub.f32 $1.500000000e+00, v25;
	v25 =	vmul.f32 v51, v42;
	v51 =	vld [tilespmem:s8+$0xFFFFFE80]  }
0xd5: {  	v15 =	vsub.f32 $1.500000000e+00, v15;
	v42 =	vmul.f32 v61, v43;
	v10 =	vmul.f32 v10, v35;
	v35 =	vld [tilespmem:s8+$0xFFFFFFB0]  }
0xd6: {  	v1 =	vsub.f32 $1.500000000e+00, v1;
	v12 =	vmul.f32 v12, v38;
	v17 =	vmul.f32 v17, v46;
	v61 =	vld [tilespmem:s8+$0xFFFFFFF0]  }
0xd7: {  	v14 =	vsub.f32 $1.500000000e+00, v14;
	v56 =	vmul.f32 v15, v39;
	v39 =	vld [tilespmem:s8+$0x0];
	v15 =	vmul.f32 v21, v41  }
0xd8: {  	v21 =	vld [tilespmem:s8+$0x30];
	v24 =	vmul.f32 v60, v40;
	v22 =	vmul.f32 v25, v22;
	v42 =	vsub.f32 $1.500000000e+00, v42  }
0xd9: {  	v40 =	vmul.f32 v1, v45;
	v12 =	vsub.f32 $1.500000000e+00, v12;
	v36 =	vmul.f32 v14, v36;
	v1 =	vld [tilespmem:$0x1FFB0]  }
0xda: {  	v45 =	vld [tilespmem:s8+$0xFFFFFF20];
	v14 =	vmul.f32 v20, v49;
	v17 =	vsub.f32 $1.500000000e+00, v17;
	v23 =	vmul.f32 v24, v23  }
0xdb: {  	v60 =	vld [tilespmem:s8+$0xFFFFFF60];
	v15 =	vsub.f32 $1.500000000e+00, v15;
	v42 =	vmul.f32 v42, v43;
	v16 =	vmul.f32 v22, v25  }
0xdc: {  	v43 =	vld [tilespmem:s8+$0xFFFFFF10];
	v46 =	vmul.f32 v17, v46;
	v14 =	vsub.f32 $1.500000000e+00, v14;
	v17 =	vmul.f32 v23, v24  }
0xdd: {  	v38 =	vmul.f32 v12, v38;
	v12 =	vld [tilespmem:s8+$0xFFFFFFD0];
	v41 =	vmul.f32 v15, v41;
	v16 =	vsub.f32 $1.500000000e+00, v16  }
0xde: {  	v49 =	vmul.f32 v14, v49;
	v23 =	vld [tilespmem:s8+$0x40];
	v15 =	vpack.i.f32.bf16 v1, v1;
	v14 =	vsub.f32 $1.500000000e+00, v17  }
0xdf: {  	v19 =	vmul.f32 v48, v19;
	v1 =	vmul.f32 v16, v25;
	v25 =	vld [tilespmem:s8+$0x50];
	[tilespmem:$0x1FFC0] =	vst v15  }
0xe0: {  	v15 =	vmul.bf16 v50, v15;
	v50 =	vmul.f32 v14, v24;
	v14 =	vld [tilespmem:s8+$0x60]  }
0xe1: {  	v5 =	vsub.f32 $1.500000000e+00, v5;
	v18 =	vmul.f32 v18, v47;
	v19 =	vmul.f32 v19, v48  }
0xe2: {  	v16 =	vld [tilespmem:$0x1FFE0]  }
0xe3: {  	v5 =	vmul.f32 v5, v29;
	v18 =	vsub.f32 $1.500000000e+00, v18;
	v19 =	vsub.f32 $1.500000000e+00, v19  }
0xe4: {  	v2 =	vpack.i.f32.bf16 v2, v2  }
0xe5: {  	v5 =	vpack.i.f32.bf16 v5, v5;
	v47 =	vmul.f32 v18, v47;
	v48 =	vmul.f32 v19, v48;
	[tilespmem:$0x1FFD0] =	vst v14  }
0xe6: {  	v45 =	vmul.bf16 v45, v5;
	v14 =	vpack.i.f32.bf16 v42, v42;
	v42 =	vmul.bf16 v43, v5;
	v5 =	vld [tilespmem:s8+$0xC0]  }
0xe7: {  	v17 =	vpack.i.f32.bf16 v40, v40;
	v16 =	vmul.bf16 v16, v14;
	v14 =	vmul.bf16 v51, v14;
	v51 =	vld [tilespmem:s8+$0x70]  }
0xe8: {  	v19 =	vmul.bf16 v54, v2;
	v18 =	vmul.bf16 v52, v17;
	v52 =	vld [tilespmem:s8+$0x80]  }
0xe9: {  	v3 =	vpack.i.f32.bf16 v3, v3;
	v2 =	vmul.bf16 v55, v2;
	v17 =	vmul.bf16 v53, v17;
	v53 =	vld [tilespmem:s8+$0x90];
	[tilespmem:s8+$0x180] =	vst v15  }
0xea: {  	v4 =	vpack.i.f32.bf16 v4, v4;
	v20 =	vmul.bf16 v62, v3;
	v3 =	vmul.bf16 v57, v3;
	v54 =	vld [tilespmem:s8+$0xA0];
	[tilespmem:s8+$0xFFFFFE70] =	vst v16  }
0xeb: {  	v62 =	vmul.bf16 v58, v4;
	v4 =	vmul.bf16 v59, v4;
	v55 =	vld [tilespmem:s8+$0xB0];
	[tilespmem:$0x1FFF0] =	vst v5;
	v5 =	vpack.i.f32.bf16 v6, v6  }
0xec: {  	v1 =	vpack.i.f32.bf16 v1, v1;
	v29 =	vmul.bf16 v26, v5;
	v26 =	vmul.bf16 v27, v5;
	v57 =	vld [tilespmem:s8+$0xD0];
	[tilespmem:s8+$0xFFFFFEC0] =	vst v2  }
0xed: {  	v5 =	vpack.i.f32.bf16 v7, v7;
	v58 =	vld [tilespmem:s8+$0x110];
	v2 =	vpack.i.f32.bf16 v11, v11;
	[tilespmem:s8+$0xFFFFFF00] =	vst v4;
	v4 =	vpack.i.f32.bf16 v48, v48  }
0xee: {  	v59 =	vld [tilespmem:s8+$0x120];
	[tilespmem:s8+$0xFFFFFEE0] =	vst v3;
	v7 =	vpack.i.f32.bf16 v49, v49;
	v3 =	vpack.i.f32.bf16 v41, v41;
	v27 =	vmul.bf16 v28, v5  }
0xef: {  	[tilespmem:s8+$0xFFFFFEF0] =	vst v62;
	v62 =	vld [tilespmem:s8+$0x150];
	v22 =	vmul.bf16 v60, v5;
	v5 =	vpack.i.f32.bf16 v8, v8;
	v15 =	vmul.bf16 v12, v2  }
0xf0: {  	[tilespmem:s8+$0xFFFFFE80] =	vst v14;
	v43 =	vld [tilespmem:s8+$0x170];
	v12 =	vmul.bf16 v33, v2;
	v2 =	vpack.i.f32.bf16 v38, v38;
	v8 =	vpack.i.f32.bf16 v46, v46  }
0xf1: {  	[tilespmem:s8+$0xFFFFFE90] =	vst v18;
	v28 =	vld [tilespmem:s8+$0xE0];
	v24 =	vmul.bf16 v30, v5;
	v14 =	vmul.bf16 v31, v5;
	v5 =	vpack.i.f32.bf16 v9, v9  }
0xf2: {  	[tilespmem:s8+$0xFFFFFED0] =	vst v20;
	v38 =	vld [tilespmem:s8+$0x130];
	v20 =	vmul.bf16 v61, v2;
	v11 =	vmul.bf16 v39, v2;
	v2 =	vpack.i.f32.bf16 v13, v13  }
0xf3: {  	[tilespmem:s8+$0xFFFFFEA0] =	vst v17;
	v31 =	vld [tilespmem:s8+$0xF0];
	v13 =	vpack.i.f32.bf16 v36, v36;
	v16 =	vmul.bf16 v32, v5;
	v17 =	vmul.bf16 v34, v5  }
0xf4: {  	[tilespmem:s8+$0xFFFFFEB0] =	vst v19;
	v39 =	vld [tilespmem:s8+$0x140];
	v5 =	vpack.i.f32.bf16 v10, v10;
	v9 =	vmul.bf16 v63, v2;
	v6 =	vmul.bf16 v0, v2  }
0xf5: {  	[tilespmem:s8+$0xFFFFFF10] =	vst v42;
	v34 =	vld [tilespmem:s8+$0x100];
	v2 =	vpack.i.f32.bf16 v56, v56;
	v10 =	vpack.i.f32.bf16 v44, v44;
	v0 =	vpack.i.f32.bf16 v50, v50  }
0xf6: {  	s9 =	simm.s32 $0x14FB0;
	s10 =	simm.s32 $0x0;
	s11 =	simm.s32 $0x19E90;
	[tilespmem:s8+$0xFFFFFF20] =	vst v45;
	v56 =	vld [tilespmem:s8+$0x160];
	v19 =	vmul.bf16 v35, v5;
	v18 =	vmul.bf16 v37, v5;
	v5 =	vpack.i.f32.bf16 v47, v47  }
.LBB2_2:
0xf7: {  	v30 =	vld [tilespmem:s11+$0xC0];
	[tilespmem:s8+$0xFFFFFF30] =	vst v29  }
0xf8: {  	s7 =	sadd.s32 $0x190, s7;
	[tilespmem:s8+$0xFFFFFF40] =	vst v26;
	v37 =	vld [tilespmem:s11+$0xFFFFFF50]  }
0xf9: {  	[tilespmem:s8+$0xFFFFFF50] =	vst v27;
	v33 =	vld [tilespmem:s7+$0xC0];
	v29 =	vmul.bf16 v21, v13  }
0xfa: {  	[tilespmem:s8+$0xFFFFFF60] =	vst v22;
	v27 =	vmul.bf16 v51, v10;
	v36 =	vmul.bf16 v52, v10;
	v10 =	vld [tilespmem:$0x1FFF0]  }
0xfb: {  	[tilespmem:s8+$0xFFFFFF70] =	vst v24;
	v32 =	vmul.bf16 v23, v13;
	v26 =	vmul.bf16 v25, v2;
	v13 =	vld [tilespmem:$0x1FFD0]  }
0xfc: {  	[tilespmem:s8+$0xFFFFFF80] =	vst v14;
	v22 =	vmul.bf16 v53, v8;
	v40 =	vmul.bf16 v54, v8;
	v8 =	vld [tilespmem:s7+$0xFFFFFF50]  }
0xfd: {  	[tilespmem:s8+$0xFFFFFF90] =	vst v16;
	v16 =	vmul.bf16 v31, v7;
	v14 =	vmul.bf16 v34, v7;
	v7 =	vld [tilespmem:s11+$0xFFFFFF70]  }
0xfe: {  	[tilespmem:s8+$0xFFFFFFA0] =	vst v17;
	v24 =	vmul.bf16 v55, v5;
	v42 =	vmul.bf16 v57, v4;
	v25 =	vld [tilespmem:s7+$0xFFFFFF80]  }
0xff: {  	[tilespmem:s8+$0xFFFFFFB0] =	vst v19;
	v17 =	vmul.bf16 v59, v3;
	v41 =	vmul.bf16 v10, v5;
	v5 =	vld [tilespmem:s11+$0xFFFFFF60]  }
0x100: {  	[tilespmem:s8+$0xFFFFFFC0] =	vst v18;
	v21 =	vadd.f32 v33, v30;
	v35 =	vmul.bf16 v13, v2;
	v13 =	vmul.bf16 v28, v4;
	v4 =	vld [tilespmem:s7+$0xFFFFFF60]  }
0x101: {  	[tilespmem:s8+$0xFFFFFFD0] =	vst v15;
	v19 =	vmul.bf16 v39, v1;
	v10 =	vmul.bf16 v58, v3;
	v3 =	vld [tilespmem:s7+$0xFFFFFF70]  }
0x102: {  	[tilespmem:s8+$0xFFFFFFE0] =	vst v12;
	v23 =	vadd.f32 $1.000000000e+00, v21;
	v21 =	vmul.bf16 v38, v1;
	v1 =	vadd.f32 v8, v37;
	v8 =	vld [tilespmem:s11+$0xFFFFFF80]  }
0x103: {  	[tilespmem:s8+$0xFFFFFFF0] =	vst v20  }
0x104: {  	[tilespmem:s8+$0x0] =	vst v11;
	v12 =	vld [tilespmem:s7+$0xFFFFFF90];
	v28 =	vshra.s32 v23, $0x1;
	v23 =	vmul.f32 $5.000000000e-01, v23  }
0x105: {  	[tilespmem:s8+$0x10] =	vst v9;
	v30 =	vld [tilespmem:s11+$0xFFFFFF90];
	v28 =	vsub.s32 $0x5F3759DF, v28  }
0x106: {  	[tilespmem:s8+$0x20] =	vst v6;
	v1 =	vadd.f32 $1.000000000e+00, v1;
	v4 =	vadd.f32 v4, v5;
	v5 =	vmul.f32 v28, v23  }
0x107: {  	[tilespmem:s8+$0x30] =	vst v29;
	v3 =	vadd.f32 v3, v7;
	v8 =	vadd.f32 v25, v8  }
0x108: {  	[tilespmem:s8+$0x40] =	vst v32;
	v7 =	vmul.f32 v28, v5  }
0x109: {  	v29 =	vld [tilespmem:s7+$0xFFFFFFC0];
	[tilespmem:s8+$0x50] =	vst v26;
	v20 =	vshra.s32 v1, $0x1;
	v3 =	vadd.f32 $1.000000000e+00, v3;
	v25 =	vadd.f32 $1.000000000e+00, v8  }
0x10a: {  	[tilespmem:s8+$0x70] =	vst v27;
	v37 =	vsub.s32 $0x5F3759DF, v20;
	v8 =	vadd.f32 v12, v30;
	v12 =	vld [tilespmem:s11+$0xFFFFFFC0];
	v20 =	vsub.f32 $1.500000000e+00, v7  }
0x10b: {  	[tilespmem:s8+$0x80] =	vst v36;
	v6 =	vshra.s32 v3, $0x1  }
0x10c: {  	[tilespmem:s8+$0x90] =	vst v22;
	v38 =	vsub.s32 $0x5F3759DF, v6;
	v28 =	vmul.f32 v28, v20  }
0x10d: {  	v26 =	vld [tilespmem:s11+$0xFFFFFFD0];
	[tilespmem:s8+$0xA0] =	vst v40;
	v6 =	vmul.f32 $5.000000000e-01, v3;
	v3 =	vshra.s32 v25, $0x1;
	v20 =	vadd.f32 $1.000000000e+00, v8  }
0x10e: {  	[tilespmem:s8+$0x60] =	vst v35;
	v35 =	vsub.s32 $0x5F3759DF, v3;
	v3 =	vmul.f32 $5.000000000e-01, v25;
	v25 =	vld [tilespmem:s7+$0xFFFFFFD0];
	v30 =	vmul.f32 v28, v23  }
0x10f: {  	[tilespmem:s8+$0xB0] =	vst v24;
	v12 =	vadd.f32 v29, v12;
	v29 =	vld [tilespmem:s11+$0xFFFFFFF0];
	v27 =	vshra.s32 v20, $0x1  }
0x110: {  	[tilespmem:s8+$0xD0] =	vst v42;
	v8 =	vsub.s32 $0x5F3759DF, v27;
	v27 =	vmul.f32 v30, v28;
	v30 =	vld [tilespmem:s7+$0xFFFFFFF0]  }
0x111: {  	v15 =	vld [tilespmem:$0x1FFC0];
	v18 =	vmul.bf16 v62, v0;
	v0 =	vmul.bf16 v56, v0;
	[tilespmem:s8+$0xF0] =	vst v16  }
0x112: {  	[tilespmem:s8+$0x100] =	vst v14  }
0x113: {  	[tilespmem:s9+$0x160] =	vst v0;
	v25 =	vadd.f32 v25, v26  }
0x114: {  	[tilespmem:s8+$0xC0] =	vst v41  }
0x115: {  	[tilespmem:s8+$0xE0] =	vst v13;
	v25 =	vadd.f32 $1.000000000e+00, v25;
	v29 =	vadd.f32 v30, v29  }
0x116: {  	v15 =	vmul.bf16 v43, v15;
	v0 =	vld [tilespmem:s11+$0x50];
	[tilespmem:s8+$0x110] =	vst v10;
	s8 =	sadd.s32 $0x320, s8  }
0x117: {  	v16 =	vshra.s32 v25, $0x1;
	v42 =	vmul.f32 $5.000000000e-01, v25;
	v25 =	vadd.f32 $1.000000000e+00, v29;
	v29 =	vld [tilespmem:s8+$0x180]  }
0x118: {  	[tilespmem:s9+$0x170] =	vst v15;
	v15 =	vld [tilespmem:s7+$0x50];
	_ =	sdelay $0x4  }
0x119: {  	v15 =	vadd.f32 v15, v0;
	v0 =	vld [tilespmem:s8+$0xFFFFFE70];
	_ =	sdelay $0x4  }
0x11a: {  	[tilespmem:$0x1FD90] =	vst v0;
	v0 =	vld [tilespmem:s8+$0xFFFFFE80];
	_ =	sdelay $0x4  }
0x11b: {  	[tilespmem:$0x1FDA0] =	vst v0;
	v0 =	vld [tilespmem:s8+$0xFFFFFE90];
	_ =	sdelay $0x4  }
0x11c: {  	[tilespmem:$0x1FDB0] =	vst v0;
	v0 =	vld [tilespmem:s8+$0xFFFFFEA0];
	_ =	sdelay $0x4  }
0x11d: {  	[tilespmem:$0x1FDC0] =	vst v0;
	v0 =	vld [tilespmem:s8+$0xFFFFFEB0];
	_ =	sdelay $0x4  }
0x11e: {  	[tilespmem:$0x1FDD0] =	vst v0;
	v0 =	vld [tilespmem:s8+$0xFFFFFEC0]  }
0x11f: {  	v46 =	vld [tilespmem:s11+$0xFFFFFFA0]  }
0x120: {  	v9 =	vld [tilespmem:s11+$0xFFFFFFB0]  }
0x121: {  	v11 =	vld [tilespmem:s7+$0xFFFFFFB0]  }
0x122: {  	v31 =	vadd.f32 $1.000000000e+00, v4;
	v4 =	vmul.f32 $5.000000000e-01, v1;
	v1 =	vld [tilespmem:s7+$0xFFFFFFA0]  }
0x123: {  	[tilespmem:$0x1FDE0] =	vst v0;
	v0 =	vld [tilespmem:s8+$0xFFFFFED0];
	_ =	sdelay $0x2  }
0x124: {  	v11 =	vadd.f32 v11, v9  }
0x125: {  	v47 =	vld [tilespmem:s11+$0xFFFFFFE0];
	v1 =	vadd.f32 v1, v46  }
0x126: {  	v22 =	vadd.f32 $1.000000000e+00, v11;
	v5 =	vshra.s32 v31, $0x1;
	[tilespmem:$0x1FDF0] =	vst v0;
	v0 =	vld [tilespmem:s8+$0xFFFFFEE0]  }
0x127: {  	v48 =	vld [tilespmem:s7+$0xFFFFFFE0];
	v39 =	vsub.s32 $0x5F3759DF, v5;
	v5 =	vmul.f32 $5.000000000e-01, v31;
	v31 =	vadd.f32 $1.000000000e+00, v1  }
0x128: {  	v50 =	vld [tilespmem:s11+$0x10];
	v24 =	vshra.s32 v22, $0x1  }
0x129: {  	v7 =	vmul.f32 $5.000000000e-01, v20;
	v20 =	vshra.s32 v31, $0x1;
	v11 =	vmul.f32 $5.000000000e-01, v31;
	v26 =	vld [tilespmem:s11+$0x0]  }
0x12a: {  	v36 =	vsub.s32 $0x5F3759DF, v20;
	v31 =	vsub.f32 $1.500000000e+00, v27;
	v20 =	vmul.f32 $5.000000000e-01, v22;
	v22 =	vld [tilespmem:s7+$0x0]  }
0x12b: {  	v49 =	vadd.f32 $1.000000000e+00, v12;
	[tilespmem:$0x1FE00] =	vst v0;
	v0 =	vld [tilespmem:s8+$0xFFFFFEF0]  }
0x12c: {  	v59 =	vld [tilespmem:s11+$0xFFFFFF40];
	v12 =	vsub.s32 $0x5F3759DF, v24;
	v24 =	vmul.f32 v31, v28  }
0x12d: {  	v14 =	vld [tilespmem:s7+$0x20];
	v28 =	vshra.s32 v49, $0x1;
	v31 =	vadd.f32 v48, v47  }
0x12e: {  	v58 =	vsub.s32 $0x5F3759DF, v28;
	v28 =	vld [tilespmem:s7+$0x10];
	v23 =	vmul.f32 v24, v23  }
0x12f: {  	v30 =	vld [tilespmem:s11+$0x20];
	v31 =	vadd.f32 $1.000000000e+00, v31  }
0x130: {  	v22 =	vadd.f32 v22, v26;
	v23 =	vmul.f32 v23, v24;
	[tilespmem:$0x1FE20] =	vst v0;
	v0 =	vld [tilespmem:s8+$0xFFFFFF00]  }
0x131: {  	[tilespmem:s9+$0x140] =	vst v19;
	v19 =	vld [tilespmem:s11+$0x40];
	v10 =	vshra.s32 v31, $0x1  }
0x132: {  	v26 =	vld [tilespmem:s11+$0x30];
	v52 =	vsub.s32 $0x5F3759DF, v10;
	v22 =	vadd.f32 $1.000000000e+00, v22;
	v10 =	vsub.f32 $1.500000000e+00, v23  }
0x133: {  	v62 =	vmul.f32 v37, v4;
	v23 =	vadd.f32 v28, v50;
	v28 =	vld [tilespmem:s7+$0x30]  }
0x134: {  	[tilespmem:s9+$0x150] =	vst v18;
	v2 =	vld [tilespmem:s7+$0xFFFFFF40];
	v14 =	vadd.f32 v14, v30;
	v18 =	vshra.s32 v22, $0x1;
	v10 =	vmul.f32 v10, v24  }
0x135: {  	v54 =	vsub.s32 $0x5F3759DF, v16;
	v24 =	vadd.f32 $1.000000000e+00, v23;
	v16 =	vsub.s32 $0x5F3759DF, v18;
	[tilespmem:$0x1FE30] =	vst v0;
	v0 =	vld [tilespmem:s8+$0xFFFFFF10]  }
0x136: {  	v30 =	vld [tilespmem:s7+$0x40];
	v23 =	vmul.f32 $5.000000000e-01, v22;
	v14 =	vadd.f32 $1.000000000e+00, v14;
	v1 =	vpack.i.f32.bf16 v10, v10  }
0x137: {  	v9 =	vshra.s32 v24, $0x1;
	[tilespmem:$0x1FFC0] =	vst v1;
	v18 =	vmul.bf16 v29, v1;
	v1 =	vmul.f32 $5.000000000e-01, v24;
	v24 =	vld [tilespmem:s11+$0x60]  }
0x138: {  	[tilespmem:$0x1FCC0] =	vst v4;
	v4 =	vmul.f32 $5.000000000e-01, v14;
	v22 =	vadd.f32 v28, v26;
	v26 =	vshra.s32 v14, $0x1;
	v14 =	vld [tilespmem:s7+$0x60]  }
0x139: {  	[tilespmem:s9+$0x130] =	vst v21;
	v43 =	vmul.f32 v35, v3  }
0x13a: {  	v46 =	vmul.f32 v8, v7;
	v44 =	vmul.f32 $5.000000000e-01, v49;
	[tilespmem:$0x1FE40] =	vst v0;
	v0 =	vld [tilespmem:s8+$0xFFFFFF20]  }
0x13b: {  	[tilespmem:s9+$0x120] =	vst v17;
	v2 =	vadd.f32 v2, v59;
	v49 =	vmul.f32 v38, v6;
	v47 =	vmul.f32 v36, v11  }
0x13c: {  	v13 =	vmovc v8;
	v8 =	vmovc v36;
	v48 =	vmul.f32 v12, v20;
	v19 =	vadd.f32 v30, v19;
	v28 =	vsub.s32 $0x5F3759DF, v26;
	v26 =	vld [tilespmem:s7+$0x70]  }
0x13d: {  	v47 =	vmul.f32 v8, v47;
	[tilespmem:s8+$0x180] =	vst v18;
	v18 =	vadd.f32 $1.000000000e+00, v22;
	v22 =	vld [tilespmem:s11+$0x70];
	v14 =	vadd.f32 v14, v24  }
0x13e: {  	v56 =	vld [tilespmem:s7+$0xA0];
	v2 =	vadd.f32 $1.000000000e+00, v2;
	[tilespmem:$0x1FB60] =	vst v5;
	v48 =	vmul.f32 v12, v48;
	v27 =	vmul.f32 $5.000000000e-01, v31  }
0x13f: {  	v21 =	vshra.s32 v25, $0x1;
	v19 =	vadd.f32 $1.000000000e+00, v19;
	v14 =	vadd.f32 $1.000000000e+00, v14;
	[tilespmem:$0x1FE50] =	vst v0;
	v0 =	vld [tilespmem:s8+$0xFFFFFF30]  }
0x140: {  	v53 =	vld [tilespmem:s7+$0x90];
	[tilespmem:$0x1FB70] =	vst v3;
	v10 =	vmovc v37;
	v37 =	vmul.f32 v39, v5;
	v29 =	vshra.s32 v18, $0x1;
	v3 =	vmul.f32 $5.000000000e-01, v18  }
0x141: {  	[tilespmem:$0x1FB80] =	vst v7;
	v30 =	vld [tilespmem:s11+$0x80];
	v18 =	vshra.s32 v19, $0x1;
	v5 =	vmul.f32 $5.000000000e-01, v19;
	v7 =	vmul.f32 $5.000000000e-01, v14  }
0x142: {  	v31 =	vsub.s32 $0x5F3759DF, v29;
	v29 =	vld [tilespmem:s7+$0x80];
	v19 =	vadd.f32 v26, v22;
	v22 =	vshra.s32 v14, $0x1  }
0x143: {  	v17 =	vmovc v39;
	v55 =	vmul.f32 $5.000000000e-01, v25;
	v51 =	vadd.f32 $1.000000000e+00, v15;
	v24 =	vld [tilespmem:s11+$0x90];
	v39 =	vsub.s32 $0x5F3759DF, v22;
	[tilespmem:$0x1FC10] =	vst v7  }
0x144: {  	v50 =	vmul.f32 v58, v44;
	v25 =	vsub.s32 $0x5F3759DF, v9;
	v9 =	vmovc v35;
	[tilespmem:$0x1FE60] =	vst v0;
	v0 =	vmul.f32 v39, v7;
	v7 =	vld [tilespmem:s8+$0xFFFFFF70]  }
0x145: {  	[tilespmem:$0x1FCD0] =	vst v6;
	v63 =	vsub.s32 $0x5F3759DF, v21;
	v6 =	vmul.f32 $5.000000000e-01, v51;
	v43 =	vmul.f32 v9, v43;
	v26 =	vld [tilespmem:s11+$0xA0]  }
0x146: {  	v34 =	vsub.s32 $0x5F3759DF, v18;
	v18 =	vshra.s32 v51, $0x1;
	v57 =	vadd.f32 $1.000000000e+00, v19  }
0x147: {  	v41 =	vmovc v38;
	[tilespmem:$0x1FB90] =	vst v11;
	v51 =	vmul.f32 v54, v42;
	v38 =	vsub.s32 $0x5F3759DF, v18;
	v14 =	vld [tilespmem:s7+$0xB0];
	v29 =	vadd.f32 v29, v30  }
0x148: {  	[tilespmem:$0x1FBB0] =	vst v44;
	v30 =	vld [tilespmem:s11+$0xB0];
	v24 =	vadd.f32 v53, v24;
	v53 =	vmul.f32 v63, v55;
	v22 =	vshra.s32 v57, $0x1  }
0x149: {  	v11 =	vmul.f32 $5.000000000e-01, v57;
	v29 =	vadd.f32 $1.000000000e+00, v29;
	v44 =	vsub.s32 $0x5F3759DF, v22;
	[tilespmem:$0x1FEA0] =	vst v7;
	v7 =	vld [tilespmem:s8+$0xFFFFFF80]  }
0x14a: {  	[tilespmem:$0x1FBA0] =	vst v20;
	v61 =	vadd.f32 $1.000000000e+00, v24;
	v26 =	vadd.f32 v56, v26;
	v22 =	vmul.f32 $5.000000000e-01, v2  }
0x14b: {  	[tilespmem:$0x1FBC0] =	vst v42;
	v53 =	vmul.f32 v63, v53;
	v60 =	vshra.s32 v29, $0x1;
	v15 =	vmul.f32 $5.000000000e-01, v29  }
0x14c: {  	[tilespmem:$0x1FBD0] =	vst v23;
	v29 =	vshra.s32 v61, $0x1;
	v32 =	vadd.f32 $1.000000000e+00, v26;
	v18 =	vmul.f32 $5.000000000e-01, v61  }
0x14d: {  	[tilespmem:$0x1FBF0] =	vst v4;
	v61 =	vmul.f32 v38, v6;
	v53 =	vsub.f32 $1.500000000e+00, v53;
	v14 =	vadd.f32 v14, v30  }
0x14e: {  	v45 =	vsub.s32 $0x5F3759DF, v60;
	v35 =	vsub.s32 $0x5F3759DF, v29;
	v30 =	vmovc v55;
	v55 =	vmul.f32 v25, v1;
	[tilespmem:$0x1FEB0] =	vst v7;
	v7 =	vld [tilespmem:s8+$0xFFFFFF90]  }
0x14f: {  	[tilespmem:$0x1FBE0] =	vst v1;
	v60 =	vmul.f32 v34, v5;
	v20 =	vshra.s32 v32, $0x1;
	v14 =	vadd.f32 $1.000000000e+00, v14  }
0x150: {  	[tilespmem:$0x1FCF0] =	vst v6;
	v1 =	vld [tilespmem:s8+$0xFFFFFF40];
	v19 =	vmul.f32 $5.000000000e-01, v32;
	v32 =	vmul.f32 v28, v4;
	v36 =	vsub.s32 $0x5F3759DF, v20  }
0x151: {  	[tilespmem:$0x1FC00] =	vst v3;
	v29 =	vld [tilespmem:$0x1FBB0];
	v33 =	vshra.s32 v14, $0x1;
	v20 =	vmul.f32 $5.000000000e-01, v14;
	v14 =	vshra.s32 v2, $0x1  }
0x152: {  	[tilespmem:$0x1FC20] =	vst v15;
	v4 =	vld [tilespmem:s8+$0xFFFFFF50];
	v40 =	vsub.s32 $0x5F3759DF, v33;
	v33 =	vmul.f32 v31, v3;
	v3 =	vmul.f32 v45, v15  }
0x153: {  	v2 =	vsub.s32 $0x5F3759DF, v14;
	v14 =	vmul.f32 v16, v23;
	v15 =	vmovc v10;
	v10 =	vmul.f32 v10, v62;
	[tilespmem:$0x1FEC0] =	vst v7;
	v7 =	vld [tilespmem:s8+$0xFFFFFFA0]  }
0x154: {  	v43 =	vsub.f32 $1.500000000e+00, v43;
	[tilespmem:$0x1FCE0] =	vst v5;
	v23 =	vmovc v6;
	v6 =	vld [tilespmem:s8+$0xFFFFFF60];
	v42 =	vmul.f32 v2, v22;
	v3 =	vmul.f32 v45, v3  }
0x155: {  	v21 =	vmovc v5;
	[tilespmem:$0x1FD00] =	vst v11;
	v53 =	vmul.f32 v63, v53;
	v63 =	vld [tilespmem:$0x1FB80];
	v5 =	vmul.f32 v36, v19;
	v10 =	vsub.f32 $1.500000000e+00, v10  }
0x156: {  	[tilespmem:$0x1FD10] =	vst v18;
	v59 =	vmul.f32 v31, v33;
	v56 =	vmul.f32 v2, v42;
	v33 =	vsub.f32 $1.500000000e+00, v3;
	v3 =	vld [tilespmem:s8+$0x80]  }
0x157: {  	v47 =	vsub.f32 $1.500000000e+00, v47;
	[tilespmem:$0x1FE70] =	vst v1;
	v5 =	vmul.f32 v36, v5;
	v10 =	vmul.f32 v15, v10;
	v15 =	vld [tilespmem:s8+$0x50]  }
0x158: {  	v43 =	vmul.f32 v9, v43;
	v14 =	vmul.f32 v16, v14;
	v56 =	vsub.f32 $1.500000000e+00, v56;
	[tilespmem:$0x1FED0] =	vst v7;
	v7 =	vld [tilespmem:s8+$0xFFFFFFB0]  }
0x159: {  	v1 =	vmul.f32 v44, v11;
	v9 =	vsub.f32 $1.500000000e+00, v5;
	v5 =	vld [tilespmem:s8+$0xE0];
	[tilespmem:$0x1FE90] =	vst v6;
	v6 =	vmul.f32 v40, v20  }
0x15a: {  	[tilespmem:$0x1FE80] =	vst v4;
	v4 =	vmul.f32 v35, v18;
	v18 =	vmovc v8;
	v11 =	vmul.f32 v2, v56;
	v2 =	vsub.f32 $1.500000000e+00, v14;
	v14 =	vld [tilespmem:s8+$0x30]  }
0x15b: {  	v6 =	vmul.f32 v40, v6;
	[tilespmem:$0x1FD40] =	vst v3;
	v3 =	vmul.f32 v18, v47;
	v18 =	vld [tilespmem:s8+$0x150]  }
0x15c: {  	v48 =	vsub.f32 $1.500000000e+00, v48;
	[tilespmem:$0x1FF70] =	vst v15;
	v15 =	vld [tilespmem:s8+$0x60]  }
0x15d: {  	v50 =	vmul.f32 v58, v50;
	v42 =	vsub.f32 $1.500000000e+00, v6;
	[tilespmem:$0x1FEF0] =	vst v7;
	v7 =	vld [tilespmem:s8+$0xFFFFFFC0]  }
0x15e: {  	v51 =	vmul.f32 v54, v51;
	v47 =	vmul.f32 v12, v48;
	v12 =	vld [tilespmem:$0x1FCD0]  }
0x15f: {  	[tilespmem:$0x1FD20] =	vst v19;
	v9 =	vmul.f32 v36, v9;
	v36 =	vmul.f32 v40, v42;
	v42 =	vld [tilespmem:$0x1FB70]  }
0x160: {  	[tilespmem:$0x1FC70] =	vst v18;
	v18 =	vld [tilespmem:s8+$0x160]  }
0x161: {  	v46 =	vmul.f32 v13, v46;
	v50 =	vsub.f32 $1.500000000e+00, v50;
	v51 =	vsub.f32 $1.500000000e+00, v51;
	[tilespmem:$0x1FF40] =	vst v14;
	v14 =	vld [tilespmem:s8+$0x40]  }
0x162: {  	v19 =	vmovc v13;
	v13 =	vmov v58;
	v8 =	vmov v54;
	v1 =	vmul.f32 v44, v1;
	[tilespmem:$0x1FF00] =	vst v7;
	v7 =	vld [tilespmem:s8+$0xFFFFFFD0]  }
0x163: {  	[tilespmem:$0x1FFD0] =	vst v15;
	v15 =	vmul.f32 v13, v50;
	v50 =	vmul.f32 v8, v51;
	v13 =	vld [tilespmem:s8+$0x130]  }
0x164: {  	v8 =	vmul.f32 v45, v33;
	v33 =	vld [tilespmem:$0x1FBC0];
	v0 =	vmul.f32 v39, v0  }
0x165: {  	v37 =	vmul.f32 v17, v37;
	[tilespmem:$0x1FC40] =	vst v18;
	v18 =	vld [tilespmem:s8+$0x170]  }
0x166: {  	v57 =	vmul.f32 v28, v32;
	[tilespmem:$0x1FD30] =	vst v20;
	v32 =	vsub.f32 $1.500000000e+00, v0;
	v0 =	vsub.f32 $1.500000000e+00, v1;
	v1 =	vld [tilespmem:s8+$0x70]  }
0x167: {  	v37 =	vsub.f32 $1.500000000e+00, v37;
	v26 =	vmov v52;
	v52 =	vmul.f32 v52, v27;
	[tilespmem:$0x1FF20] =	vst v7;
	v7 =	vld [tilespmem:s8+$0xFFFFFFE0]  }
0x168: {  	v4 =	vmul.f32 v35, v4;
	[tilespmem:$0x1FEE0] =	vst v14;
	v14 =	vsub.f32 $1.500000000e+00, v59;
	v59 =	vmul.f32 v16, v2;
	v16 =	vld [tilespmem:s8+$0x140]  }
0x169: {  	v20 =	vmov v41;
	v41 =	vmul.f32 v41, v49;
	[tilespmem:$0x1FE10] =	vst v5;
	v5 =	vmul.f32 v44, v0;
	v0 =	vld [tilespmem:s8+$0xF0]  }
0x16a: {  	v46 =	vsub.f32 $1.500000000e+00, v46;
	v37 =	vmul.f32 v17, v37;
	v52 =	vmul.f32 v26, v52;
	[tilespmem:$0x1FD80] =	vst v18;
	v18 =	vld [tilespmem:$0x1FBD0]  }
0x16b: {  	v61 =	vmul.f32 v38, v61;
	v41 =	vsub.f32 $1.500000000e+00, v41;
	[tilespmem:$0x1FD70] =	vst v1;
	v1 =	vsub.f32 $1.500000000e+00, v4;
	v4 =	vld [tilespmem:s8+$0x90]  }
0x16c: {  	v55 =	vmul.f32 v25, v55;
	v60 =	vmul.f32 v34, v60;
	v52 =	vsub.f32 $1.500000000e+00, v52;
	[tilespmem:$0x1FF30] =	vst v7;
	v7 =	vld [tilespmem:s8+$0xFFFFFFF0]  }
0x16d: {  	v41 =	vmul.f32 v20, v41;
	v6 =	vmul.f32 v39, v32;
	v32 =	vld [tilespmem:$0x1FB90]  }
0x16e: {  	v46 =	vmul.f32 v19, v46;
	v51 =	vmul.f32 v26, v52;
	[tilespmem:$0x1FF10] =	vst v0;
	v0 =	vld [tilespmem:s8+$0x100]  }
0x16f: {  	v12 =	vmul.f32 v41, v12;
	v40 =	vmul.f32 v15, v29;
	v44 =	vld [tilespmem:$0x1FBA0]  }
0x170: {  	v52 =	vmul.f32 v53, v30;
	v49 =	vmul.f32 v51, v27;
	[tilespmem:$0x1FD60] =	vst v4;
	v4 =	vld [tilespmem:s8+$0xA0]  }
0x171: {  	v12 =	vmul.f32 v12, v41;
	v40 =	vmul.f32 v40, v15;
	[tilespmem:$0x1FF50] =	vst v7;
	v7 =	vld [tilespmem:s8+$0x0]  }
0x172: {  	v58 =	vsub.f32 $1.500000000e+00, v60;
	v60 =	vmul.f32 v31, v14;
	[tilespmem:$0x1FC50] =	vst v13;
	v35 =	vmul.f32 v35, v1;
	v1 =	vld [tilespmem:$0x1FCC0]  }
0x173: {  	v13 =	vmul.f32 v43, v42;
	v14 =	vmul.f32 v46, v63;
	[tilespmem:$0x1FFA0] =	vst v0;
	v0 =	vld [tilespmem:s8+$0x110]  }
0x174: {  	v48 =	vmul.f32 v50, v33;
	v39 =	vld [tilespmem:$0x1FD20];
	v17 =	vmul.f32 v47, v44  }
0x175: {  	v13 =	vmul.f32 v13, v43;
	v14 =	vmul.f32 v14, v46;
	[tilespmem:$0x1FC90] =	vst v4;
	v4 =	vld [tilespmem:s8+$0xB0]  }
0x176: {  	v48 =	vmul.f32 v48, v50;
	v17 =	vmul.f32 v17, v47;
	[tilespmem:$0x1FF60] =	vst v7;
	v7 =	vld [tilespmem:s8+$0x10]  }
0x177: {  	[tilespmem:$0x1FCA0] =	vst v16;
	v16 =	vmul.f32 v3, v32;
	v1 =	vmul.f32 v10, v1  }
0x178: {  	v20 =	vmovc v27;
	v27 =	vld [tilespmem:$0x1FC00];
	v54 =	vmul.f32 v59, v18;
	v17 =	vsub.f32 $1.500000000e+00, v17;
	[tilespmem:$0x1FC30] =	vst v0;
	v0 =	vmul.f32 v11, v22  }
0x179: {  	v2 =	vld [tilespmem:s8+$0xC0];
	v16 =	vmul.f32 v16, v3;
	v1 =	vmul.f32 v1, v10  }
0x17a: {  	v62 =	vsub.f32 $1.500000000e+00, v57;
	v17 =	vmul.f32 v17, v47;
	v0 =	vmul.f32 v0, v11;
	[tilespmem:$0x1FD50] =	vst v4  }
0x17b: {  	v1 =	vsub.f32 $1.500000000e+00, v1;
	v4 =	vmul.f32 v34, v58;
	v34 =	vmul.f32 v9, v39;
	[tilespmem:$0x1FF80] =	vst v7;
	v7 =	vld [tilespmem:s8+$0x20]  }
0x17c: {  	v24 =	vld [tilespmem:$0x1FC20];
	v39 =	vsub.f32 $1.500000000e+00, v12;
	v12 =	vmul.f32 v49, v51;
	v49 =	vmul.f32 v52, v53  }
0x17d: {  	v19 =	vld [tilespmem:$0x1FBF0];
	v10 =	vmul.f32 v1, v10;
	v52 =	vsub.f32 $1.500000000e+00, v13;
	v13 =	vmul.f32 v54, v59  }
0x17e: {  	[tilespmem:$0x1FFF0] =	vst v2;
	v2 =	vld [tilespmem:s8+$0xD0];
	v58 =	vmul.f32 v60, v27;
	v0 =	vsub.f32 $1.500000000e+00, v0;
	v49 =	vsub.f32 $1.500000000e+00, v49  }
0x17f: {  	[tilespmem:$0x1FCB0] =	vst v22;
	v26 =	vld [tilespmem:$0x1FBE0];
	v34 =	vmul.f32 v34, v9;
	v1 =	vsub.f32 $1.500000000e+00, v13;
	v13 =	vmul.f32 v39, v41  }
0x180: {  	v22 =	vld [tilespmem:$0x1FC10];
	v11 =	vmul.f32 v0, v11;
	v53 =	vmul.f32 v49, v53;
	[tilespmem:$0x1FF90] =	vst v7;
	v7 =	vsub.f32 $1.500000000e+00, v55  }
0x181: {  	v55 =	vsub.f32 $1.500000000e+00, v61;
	v61 =	vmul.f32 v28, v62;
	v62 =	vmul.f32 v4, v21  }
0x182: {  	v45 =	vld [tilespmem:$0x1FB60];
	v28 =	vmul.f32 v8, v24;
	v57 =	vmul.f32 v25, v7  }
0x183: {  	[tilespmem:$0x1FC80] =	vst v2;
	v2 =	vmul.f32 v38, v55;
	v7 =	vld [tilespmem:s8+$0x120];
	v56 =	vmul.f32 v61, v19  }
0x184: {  	v25 =	vld [tilespmem:$0x1FD00];
	v28 =	vmul.f32 v28, v8;
	v55 =	vmul.f32 v57, v26  }
0x185: {  	v38 =	vld [tilespmem:$0x1FD30];
	v21 =	vmul.f32 v2, v23;
	v23 =	vmul.f32 v6, v22  }
0x186: {  	v54 =	vmul.f32 v55, v57;
	v55 =	vmul.f32 v56, v61  }
0x187: {  	v56 =	vmul.f32 v58, v60;
	v58 =	vsub.f32 $1.500000000e+00, v16;
	v16 =	vmul.f32 v62, v4  }
0x188: {  	v21 =	vmul.f32 v21, v2;
	v23 =	vmul.f32 v23, v6  }
0x189: {  	v62 =	vsub.f32 $1.500000000e+00, v48;
	[tilespmem:$0x1FC60] =	vst v7;
	v7 =	vmul.f32 v37, v45;
	v25 =	vmul.f32 v5, v25  }
0x18a: {  	v38 =	vmul.f32 v36, v38;
	v39 =	vsub.f32 $1.500000000e+00, v16;
	v21 =	vsub.f32 $1.500000000e+00, v21  }
0x18b: {  	v16 =	vmul.f32 v52, v43;
	v23 =	vsub.f32 $1.500000000e+00, v23;
	v48 =	vmul.f32 v58, v3  }
0x18c: {  	v3 =	vsub.f32 $1.500000000e+00, v34;
	v7 =	vmul.f32 v7, v37;
	v25 =	vmul.f32 v25, v5  }
0x18d: {  	v38 =	vmul.f32 v38, v36;
	v43 =	vmul.f32 v21, v2  }
0x18e: {  	v0 =	vsub.f32 $1.500000000e+00, v12;
	v6 =	vmul.f32 v23, v6;
	v2 =	vmul.f32 v3, v9  }
0x18f: {  	v9 =	vmul.f32 v16, v42;
	v21 =	vmul.f32 v48, v32;
	v7 =	vsub.f32 $1.500000000e+00, v7  }
0x190: {  	v28 =	vsub.f32 $1.500000000e+00, v28;
	v23 =	vmul.f32 v17, v44;
	v44 =	vmul.f32 v53, v30  }
0x191: {  	v9 =	vmul.f32 v9, v16;
	v12 =	vmul.f32 v7, v37;
	v7 =	vsub.f32 $1.500000000e+00, v55  }
0x192: {  	v37 =	vsub.f32 $1.500000000e+00, v56;
	v55 =	vmul.f32 v62, v50;
	v50 =	vmul.f32 v0, v51;
	v0 =	vld [tilespmem:$0x1FCB0]  }
0x193: {  	v25 =	vsub.f32 $1.500000000e+00, v25;
	v21 =	vmul.f32 v21, v48;
	v41 =	vmul.f32 v7, v61;
	v7 =	vld [tilespmem:$0x1FCD0]  }
0x194: {  	v47 =	vmul.f32 v37, v60;
	v37 =	vmul.f32 v39, v4  }
0x195: {  	v30 =	vld [tilespmem:$0x1FD30];
	v34 =	vsub.f32 $1.500000000e+00, v38;
	v61 =	vmul.f32 v25, v5;
	v4 =	vmul.f32 v28, v8  }
0x196: {  	v9 =	vsub.f32 $1.500000000e+00, v9;
	v60 =	vmul.f32 v41, v19;
	v19 =	vmul.f32 v6, v22;
	v22 =	vld [tilespmem:$0x1FD00]  }
0x197: {  	v8 =	vmul.f32 v34, v36;
	v0 =	vmul.f32 v11, v0  }
0x198: {  	v9 =	vmul.f32 v9, v16;
	v7 =	vmul.f32 v13, v7  }
0x199: {  	v24 =	vmul.f32 v4, v24;
	v0 =	vmul.f32 v0, v11  }
0x19a: {  	v14 =	vsub.f32 $1.500000000e+00, v14;
	v30 =	vmul.f32 v8, v30;
	v7 =	vmul.f32 v7, v13  }
0x19b: {  	v19 =	vmul.f32 v19, v6;
	v22 =	vmul.f32 v61, v22;
	v0 =	vsub.f32 $1.500000000e+00, v0  }
0x19c: {  	v24 =	vmul.f32 v24, v4;
	v30 =	vmul.f32 v30, v8;
	v7 =	vsub.f32 $1.500000000e+00, v7  }
0x19d: {  	v21 =	vsub.f32 $1.500000000e+00, v21;
	v22 =	vmul.f32 v22, v61;
	v0 =	vmul.f32 v0, v11  }
0x19e: {  	v16 =	vsub.f32 $1.500000000e+00, v24;
	v7 =	vmul.f32 v7, v13;
	v13 =	vsub.f32 $1.500000000e+00, v19  }
0x19f: {  	v19 =	vsub.f32 $1.500000000e+00, v22;
	v24 =	vpack.i.f32.bf16 v0, v0;
	v0 =	vmul.f32 v21, v48  }
0x1a0: {  	v14 =	vmul.f32 v14, v46;
	v46 =	vmul.f32 v1, v59;
	v1 =	vld [tilespmem:$0x1FCC0];
	v22 =	vsub.f32 $1.500000000e+00, v30  }
0x1a1: {  	v31 =	vld [tilespmem:$0x1FD10];
	v30 =	vpack.i.f32.bf16 v0, v0;
	v0 =	vmul.f32 v13, v6;
	v6 =	vmul.f32 v19, v61;
	_ =	sdelay $0x1  }
0x1a2: {  	v40 =	vsub.f32 $1.500000000e+00, v40;
	v16 =	vmul.f32 v16, v4;
	v4 =	vpack.i.f32.bf16 v6, v6;
	v6 =	vld [tilespmem:$0x1FD90];
	_ =	sdelay $0x1  }
0x1a3: {  	v1 =	vmul.f32 v10, v1;
	v52 =	vmul.f32 v40, v15  }
0x1a4: {  	v31 =	vmul.f32 v35, v31;
	v3 =	vmul.f32 v12, v45  }
0x1a5: {  	v1 =	vmul.f32 v1, v10;
	v25 =	vmul.f32 v52, v29  }
0x1a6: {  	v3 =	vmul.f32 v3, v12;
	v6 =	vmul.bf16 v6, v24  }
0x1a7: {  	v1 =	vsub.f32 $1.500000000e+00, v1;
	v15 =	vmul.f32 v14, v63  }
0x1a8: {  	v31 =	vmul.f32 v31, v35;
	v25 =	vmul.f32 v25, v52;
	v3 =	vsub.f32 $1.500000000e+00, v3;
	[tilespmem:s8+$0xFFFFFE70] =	vst v6;
	v6 =	vld [tilespmem:$0x1FDD0]  }
0x1a9: {  	v1 =	vmul.f32 v1, v10;
	v54 =	vsub.f32 $1.500000000e+00, v54;
	v15 =	vmul.f32 v15, v14  }
0x1aa: {  	v23 =	vmul.f32 v23, v17;
	v25 =	vsub.f32 $1.500000000e+00, v25;
	v3 =	vmul.f32 v3, v12  }
0x1ab: {  	v15 =	vsub.f32 $1.500000000e+00, v15;
	v51 =	vmul.f32 v54, v57;
	v45 =	vmul.f32 v46, v18;
	v29 =	vld [tilespmem:$0x1FD20]  }
0x1ac: {  	v18 =	vld [tilespmem:$0x1FCE0];
	v21 =	vpack.i.f32.bf16 v1, v1;
	v1 =	vmul.f32 v25, v52;
	v25 =	vpack.i.f32.bf16 v3, v3  }
0x1ad: {  	v31 =	vsub.f32 $1.500000000e+00, v31;
	v49 =	vmul.f32 v51, v26;
	v26 =	vld [tilespmem:$0x1FD10];
	v6 =	vmul.bf16 v6, v25  }
0x1ae: {  	v32 =	vmul.f32 v44, v53;
	v14 =	vmul.f32 v15, v14  }
0x1af: {  	v23 =	vsub.f32 $1.500000000e+00, v23;
	v5 =	vmul.f32 v31, v35;
	v28 =	vmul.f32 v55, v33;
	[tilespmem:s8+$0xFFFFFEB0] =	vst v6;
	v6 =	vld [tilespmem:$0x1FE60]  }
0x1b0: {  	v31 =	vmul.f32 v50, v20;
	v29 =	vmul.f32 v2, v29  }
0x1b1: {  	v17 =	vmul.f32 v23, v17;
	v20 =	vmul.f32 v37, v18  }
0x1b2: {  	v26 =	vmul.f32 v5, v26;
	v29 =	vmul.f32 v29, v2  }
0x1b3: {  	v27 =	vmul.f32 v47, v27;
	v20 =	vmul.f32 v20, v37  }
0x1b4: {  	v26 =	vmul.f32 v26, v5;
	v15 =	vsub.f32 $1.500000000e+00, v29;
	v29 =	vmul.bf16 v6, v30;
	v6 =	vld [tilespmem:$0x1FE70]  }
0x1b5: {  	v32 =	vsub.f32 $1.500000000e+00, v32;
	v28 =	vmul.f32 v28, v55;
	v34 =	vmul.f32 v45, v46  }
0x1b6: {  	v35 =	vmul.f32 v60, v41;
	v12 =	vsub.f32 $1.500000000e+00, v20;
	v20 =	vsub.f32 $1.500000000e+00, v26  }
0x1b7: {  	v27 =	vmul.f32 v27, v47;
	v26 =	vmul.f32 v32, v53  }
0x1b8: {  	v19 =	vmul.f32 v20, v5;
	v20 =	vpack.i.f32.bf16 v1, v1;
	v1 =	vmul.f32 v15, v2  }
0x1b9: {  	v32 =	vpack.i.f32.bf16 v26, v26;
	v15 =	vmul.f32 v22, v8;
	v26 =	vmul.bf16 v6, v30;
	v6 =	vld [tilespmem:$0x1FE80]  }
0x1ba: {  	v33 =	vmul.f32 v49, v51;
	v28 =	vsub.f32 $1.500000000e+00, v28;
	v27 =	vsub.f32 $1.500000000e+00, v27  }
0x1bb: {  	v10 =	vsub.f32 $1.500000000e+00, v35;
	v5 =	vpack.i.f32.bf16 v0, v0;
	v0 =	vpack.i.f32.bf16 v15, v15;
	v15 =	vld [tilespmem:$0x1FDC0]  }
0x1bc: {  	v17 =	vpack.i.f32.bf16 v17, v17;
	v33 =	vsub.f32 $1.500000000e+00, v33;
	v27 =	vmul.f32 v27, v47  }
0x1bd: {  	v23 =	vmul.f32 v28, v55;
	v10 =	vmul.f32 v10, v41;
	v11 =	vsub.f32 $1.500000000e+00, v34  }
0x1be: {  	v12 =	vmul.f32 v12, v37;
	v2 =	vpack.i.f32.bf16 v27, v27;
	v27 =	vmul.bf16 v6, v17;
	v6 =	vld [tilespmem:$0x1FE90]  }
0x1bf: {  	v28 =	vpack.i.f32.bf16 v7, v7;
	v7 =	vmul.f32 v11, v46;
	v11 =	vmul.f32 v33, v51  }
0x1c0: {  	v13 =	vpack.i.f32.bf16 v10, v10;
	v10 =	vpack.i.f32.bf16 v12, v12;
	v12 =	vld [tilespmem:$0x1FDB0];
	v15 =	vmul.bf16 v15, v21  }
0x1c1: {  	v63 =	vpack.i.f32.bf16 v11, v11;
	v11 =	vld [tilespmem:$0x1FDA0]  }
0x1c2: {  	[tilespmem:s8+$0xFFFFFEA0] =	vst v15;
	v15 =	vld [tilespmem:$0x1FE40]  }
0x1c3: {  	v22 =	vmul.bf16 v6, v17;
	v6 =	vld [tilespmem:$0x1FEA0];
	_ =	sdelay $0x2  }
0x1c4: {  	v14 =	vpack.i.f32.bf16 v14, v14;
	v61 =	vpack.i.f32.bf16 v7, v7;
	v7 =	vpack.i.f32.bf16 v16, v16;
	v16 =	vld [tilespmem:$0x1FDE0]  }
0x1c5: {  	v12 =	vmul.bf16 v12, v21;
	v21 =	vmul.bf16 v15, v14;
	v15 =	vld [tilespmem:$0x1FE50]  }
0x1c6: {  	v11 =	vmul.bf16 v11, v24;
	v24 =	vmul.bf16 v6, v20;
	v6 =	vld [tilespmem:$0x1FEB0];
	_ =	sdelay $0x3  }
0x1c7: {  	v18 =	vld [tilespmem:$0x1FCF0];
	v16 =	vmul.bf16 v16, v25  }
0x1c8: {  	v25 =	vmul.bf16 v15, v14;
	v14 =	vmul.bf16 v6, v20;
	v6 =	vld [tilespmem:$0x1FEC0];
	_ =	sdelay $0x1  }
0x1c9: {  	v31 =	vmul.f32 v31, v50;
	_ =	sdelay $0x1  }
0x1ca: {  	v31 =	vsub.f32 $1.500000000e+00, v31;
	v23 =	vpack.i.f32.bf16 v23, v23  }
0x1cb: {  	v18 =	vmul.f32 v43, v18;
	[tilespmem:s8+$0xFFFFFEC0] =	vst v16;
	v16 =	vmul.bf16 v6, v23;
	v6 =	vld [tilespmem:$0x1FED0]  }
0x1cc: {  	v3 =	vmul.f32 v31, v50  }
0x1cd: {  	v18 =	vmul.f32 v18, v43  }
0x1ce: {  	v31 =	vpack.i.f32.bf16 v3, v3;
	v3 =	vpack.i.f32.bf16 v19, v19;
	v19 =	vld [tilespmem:$0x1FE30]  }
0x1cf: {  	v18 =	vsub.f32 $1.500000000e+00, v18;
	[tilespmem:s8+$0xFFFFFE90] =	vst v12;
	v12 =	vld [tilespmem:$0x1FE20]  }
0x1d0: {  	v17 =	vmul.bf16 v6, v23;
	v6 =	vld [tilespmem:$0x1FEF0]  }
0x1d1: {  	v18 =	vmul.f32 v18, v43;
	_ =	sdelay $0x1  }
0x1d2: {  	v9 =	vpack.i.f32.bf16 v9, v9;
	v8 =	vpack.i.f32.bf16 v18, v18;
	v18 =	vld [tilespmem:$0x1FE00]  }
0x1d3: {  	v12 =	vmul.bf16 v12, v9  }
0x1d4: {  	v9 =	vmul.bf16 v19, v9;
	v19 =	vmul.bf16 v6, v31;
	v6 =	vld [tilespmem:$0x1FF00];
	_ =	sdelay $0x2  }
0x1d5: {  	v18 =	vmul.bf16 v18, v28;
	_ =	sdelay $0x1  }
0x1d6: {  	[tilespmem:s8+$0xFFFFFEE0] =	vst v18;
	v18 =	vmul.bf16 v6, v31;
	v6 =	vld [tilespmem:$0x1FF20];
	_ =	sdelay $0x4  }
0x1d7: {  	v15 =	vmul.bf16 v6, v32;
	v6 =	vld [tilespmem:$0x1FF30];
	_ =	sdelay $0x1  }
0x1d8: {  	v58 =	vld [tilespmem:$0x1FC30]  }
0x1d9: {  	v59 =	vld [tilespmem:$0x1FC60]  }
0x1da: {  	v38 =	vld [tilespmem:$0x1FC50]  }
0x1db: {  	[tilespmem:s8+$0xFFFFFEF0] =	vst v12;
	v12 =	vmul.bf16 v6, v32;
	v6 =	vld [tilespmem:$0x1FF50]  }
0x1dc: {  	v56 =	vld [tilespmem:$0x1FC40]  }
0x1dd: {  	v62 =	vld [tilespmem:$0x1FC70]  }
0x1de: {  	[tilespmem:s8+$0xFFFFFE80] =	vst v11;
	v11 =	vld [tilespmem:$0x1FDF0]  }
0x1df: {  	v57 =	vld [tilespmem:$0x1FC80]  }
0x1e0: {  	v20 =	vmul.bf16 v6, v61;
	v6 =	vld [tilespmem:$0x1FF60]  }
0x1e1: {  	v54 =	vld [tilespmem:$0x1FC90]  }
0x1e2: {  	v39 =	vld [tilespmem:$0x1FCA0]  }
0x1e3: {  	v55 =	vld [tilespmem:$0x1FD50];
	v11 =	vmul.bf16 v11, v28  }
0x1e4: {  	v53 =	vld [tilespmem:$0x1FD60]  }
0x1e5: {  	[tilespmem:s8+$0xFFFFFED0] =	vst v11;
	v11 =	vmul.bf16 v6, v61;
	v6 =	vld [tilespmem:$0x1FF80]  }
0x1e6: {  	v34 =	vld [tilespmem:$0x1FFA0]  }
0x1e7: {  	v52 =	vld [tilespmem:$0x1FD40]  }
0x1e8: {  	v51 =	vld [tilespmem:$0x1FD70]  }
0x1e9: {  	s10 =	sadd.s32 $0x19, s10;
	v43 =	vld [tilespmem:$0x1FD80]  }
0x1ea: {  	p0 =	slt.u32 s10, $0x258;
	[tilespmem:s8+$0xFFFFFF00] =	vst v9;
	v9 =	vmul.bf16 v6, v63;
	v6 =	vld [tilespmem:$0x1FF90]  }
.Ltmp2:
0x1eb: {  	v28 =	vld [tilespmem:$0x1FE10];
	(pc) =	sbr.rel @p0 .LBB2_2-.Ltmp2, $4  }
0x1ec: {  	[tilespmem:s8+$0xFFFFFF10] =	vst v21;
	v21 =	vld [tilespmem:$0x1FF40]  }
0x1ed: {  	[tilespmem:s8+$0xFFFFFF20] =	vst v25;
	v25 =	vld [tilespmem:$0x1FF70]  }
0x1ee: {  	v23 =	vld [tilespmem:$0x1FEE0]  }
0x1ef: {  	s9 =	smov.u32 s8;
	s11 =	sadd.s32 $0x190, s11;
	v1 =	vpack.i.f32.bf16 v1, v1;
	v31 =	vld [tilespmem:$0x1FF10];
	v6 =	vmul.bf16 v6, v63  }
0x1f0: {  	[tilespmem:s8+$0xFFFFFF30] =	vst v29  }
0x1f1: {  	[tilespmem:s8+$0xFFFFFF40] =	vst v26  }
0x1f2: {  	[tilespmem:s8+$0xFFFFFF50] =	vst v27  }
0x1f3: {  	[tilespmem:s8+$0xFFFFFF60] =	vst v22  }
0x1f4: {  	[tilespmem:s8+$0xFFFFFF70] =	vst v24  }
0x1f5: {  	[tilespmem:s8+$0xFFFFFF80] =	vst v14  }
0x1f6: {  	[tilespmem:s8+$0xFFFFFF90] =	vst v16  }
0x1f7: {  	[tilespmem:s8+$0xFFFFFFA0] =	vst v17  }
0x1f8: {  	[tilespmem:s8+$0xFFFFFFB0] =	vst v19  }
0x1f9: {  	[tilespmem:s8+$0xFFFFFFC0] =	vst v18  }
0x1fa: {  	[tilespmem:s8+$0xFFFFFFD0] =	vst v15  }
0x1fb: {  	[tilespmem:s8+$0xFFFFFFE0] =	vst v12  }
0x1fc: {  	[tilespmem:s8+$0xFFFFFFF0] =	vst v20  }
0x1fd: {  	[tilespmem:s8+$0x0] =	vst v11  }
0x1fe: {  	[tilespmem:s8+$0x10] =	vst v9;
	v44 =	vmul.bf16 v21, v13  }
0x1ff: {  	[tilespmem:s8+$0x20] =	vst v6  }
0x200: {  	[tilespmem:s8+$0x30] =	vst v44  }
0x201: {  	v46 =	vmul.bf16 v25, v2;
	v11 =	vld [tilespmem:$0x1FFD0]  }
0x202: {  	v48 =	vmul.bf16 v51, v10  }
0x203: {  	v49 =	vmul.bf16 v52, v10;
	[tilespmem:s8+$0x50] =	vst v46  }
0x204: {  	v50 =	vmul.bf16 v53, v8;
	[tilespmem:s8+$0x70] =	vst v48  }
0x205: {  	v45 =	vmul.bf16 v23, v13;
	[tilespmem:s8+$0x80] =	vst v49  }
0x206: {  	[tilespmem:s8+$0x90] =	vst v50;
	v47 =	vmul.bf16 v11, v2  }
0x207: {  	v51 =	vmul.bf16 v54, v8;
	[tilespmem:s8+$0x40] =	vst v45  }
0x208: {  	v52 =	vmul.bf16 v55, v5;
	[tilespmem:s8+$0x60] =	vst v47  }
0x209: {  	v53 =	vmul.bf16 v57, v4;
	v2 =	vld [tilespmem:$0x1FFF0];
	[tilespmem:s8+$0xA0] =	vst v51  }
0x20a: {  	v54 =	vmul.bf16 v28, v4;
	[tilespmem:s8+$0xB0] =	vst v52  }
0x20b: {  	v55 =	vmul.bf16 v31, v7;
	[tilespmem:s8+$0xD0] =	vst v53  }
0x20c: {  	v57 =	vmul.bf16 v34, v7;
	[tilespmem:s8+$0xE0] =	vst v54  }
0x20d: {  	v58 =	vmul.bf16 v58, v3;
	[tilespmem:s8+$0xF0] =	vst v55  }
0x20e: {  	v60 =	vmul.bf16 v38, v1;
	[tilespmem:s8+$0x100] =	vst v57  }
0x20f: {  	v61 =	vmul.bf16 v39, v1;
	[tilespmem:s8+$0x110] =	vst v58  }
0x210: {  	v59 =	vmul.bf16 v59, v3;
	[tilespmem:s9+$0x130] =	vst v60  }
0x211: {  	[tilespmem:s9+$0x140] =	vst v61;
	v2 =	vmul.bf16 v2, v5  }
0x212: {  	[tilespmem:s9+$0x120] =	vst v59  }
0x213: {  	[tilespmem:s8+$0xC0] =	vst v2  }
0x214: {  	v1 =	vld [tilespmem:$0x1FFC0];
	_ =	sdelay $0x2  }
0x215: {  	v62 =	vmul.bf16 v62, v0  }
0x216: {  	v63 =	vmul.bf16 v56, v0  }
0x217: {  	[tilespmem:s9+$0x150] =	vst v62;
	v1 =	vmul.bf16 v43, v1  }
0x218: {  	[tilespmem:s9+$0x160] =	vst v63  }
0x219: {  	[tilespmem:s9+$0x170] =	vst v1  }
0x21a: {  	s11 =	simm.s32 $0x14E20;
	s7 =	rddreg [dreg:$0xa]  }
0x21b: {  	[spmem:s7] =	stream.linear.scatter [tilespmem:s11], [sflag:$0xD], $0x4E20, $0x38;
	[tilespmem:$0x1EA60] =	vst v63  }
0x21c: {  	_ =	swait.ge [sflag:s15], $0x4E20  }
0x21d: {  	[sflag:s15] =	ssyncset.done $0x0  }
0x21e: {  	[sflag:s15] =	ssyncadd.s32 $0xFFFFB1E0  }
0x21f: {  	s7 =	simm.s32 $0x0;
	[bflag:$0x0] =	sbarrier.arrive $0xFFFF  }
0x220: {  	[tilespmem:s22], [sflag:$0x1] =	stream.indirect.gather [spmem:s3], $0x20, s7, s21, $0xb8;
	[tilespmem:$0x1EA60] =	vst v63  }
0x221: {  	_ = 	snop  }
0x222: {  	[tilespmem:s23], [sflag:$0x2] =	stream.indirect.gather [spmem:s3], $0x20, s21, s21, $0xb8;
	[tilespmem:$0x1EA60] =	vst v63  }
.Ltmp3:
0x223: {  	_ = 	snop;
	(pc) =	sbr.rel .LBB2_4-.Ltmp3, $4  }
0x224: {  	s12 =	simm.s32 $0x100  }
0x225: {  	[tilespmem:s25], [sflag:$0x3] =	stream.indirect.gather [spmem:s3], $0x20, s12, s21, $0xb8;
	[tilespmem:$0x1EA60] =	vst v63  }
0x226: {  	s13 =	simm.s32 $0x180;
	s8 =	simm.s32 $0x0;
	s9 =	simm.s32 $0x0  }
0x227: {  	[tilespmem:s28], [sflag:$0x4] =	stream.indirect.gather [spmem:s3], $0x20, s13, s21, $0xb8;
	[tilespmem:$0x1EA60] =	vst v63  }
.LBB2_15:
0x228: {  	_ =	swait.ge [sflag:s1], $0x1000  }
0x229: {  	[sflag:s1] =	ssyncset.done $0x0  }
0x22a: {  	[sflag:s1] =	ssyncadd.s32 $0xFFFFF000  }
0x22b: {  	[spmem:s2] =	stream.indirect.scatter.add.bf16 [tilespmem:s0], [sflag:$0xC], $0x20, s11, s21, $0xb8;
	[tilespmem:$0x1EA60] =	vst v63  }
0x22c: {  	p0 =	sgt.u32 s9, $0x25;
	_ =	swait.ge [sflag:s16], $0x1000  }
0x22d: {  	s10 =	sshra.s32 @!p0 s8, $0x2;
	s12 =	simm.s32 @!p0 $0x8000;
	[sflag:s16] =	ssyncset.done $0x0  }
0x22e: {  	s10 =	sadd.s32 @!p0 $0x280, s10;
	s11 =	simm.s32 @!p0 $0x80;
	[sflag:s16] =	ssyncadd.s32 $0xFFFFF000  }
0x22f: {  	[tilespmem:s12], [sflag:$0x4] =	stream.indirect.gather @!p0 [spmem:s3], $0x20, s10, s11, $0xb8;
	[tilespmem:$0x1EA60] =	vst v63  }
.LBB2_16:
0x230: {  	s8 =	sadd.s32 $0x400, s8  }
0x231: {  	p0 =	sne.s32 s8, $0xA000  }
.Ltmp4:
0x232: {  	_ = 	snop;
	(pc) =	sbr.rel @!p0 .LBB2_17-.Ltmp4, $2  }
0x233: {  	_ =	sdelay $0x2  }
0x234: {  	s9 =	sadd.s32 $0x1, s9;
	s7 =	sadd.s32 $0x2, s7  }
.LBB2_4:
0x235: {  	s10 =	smul.u32 $0xAB, s7;
	_ =	sdelay $0x1  }
0x236: {  	s10 =	sshrl.u32 s10, $0xA  }
0x237: {  	s10 =	sand.u32 $0x3F, s10  }
0x238: {  	s10 =	smul.u32 $0x6, s10;
	_ =	sdelay $0x1  }
0x239: {  	s10 =	ssub.s32 s7, s10  }
0x23a: {  	s12 =	sand.u32 $0xFF, s10  }
0x23b: {  	p0 =	seq.s32 s12, $0x4  }
.Ltmp5:
0x23c: {  	_ = 	snop;
	(pc) =	sbr.rel @p0 .LBB2_9-.Ltmp5, $3  }
0x23d: {  	_ =	sdelay $0x1  }
0x23e: {  	s10 =	sshra.s32 s8, $0x2  }
0x23f: {  	s11 =	sadd.s32 $0x2800, s10  }
0x240: {  	p0 =	seq.s32 s12, $0x2  }
.Ltmp6:
0x241: {  	_ = 	snop;
	(pc) =	sbr.rel @!p0 .LBB2_6-.Ltmp6, $1  }
0x242: {  	_ =	sdelay $0x3  }
0x243: {  	_ =	swait.ge [sflag:s14], $0x1000  }
0x244: {  	[sflag:s14] =	ssyncset.done $0x0  }
0x245: {  	[sflag:s14] =	ssyncadd.s32 $0xFFFFF000  }
0x246: {  	[spmem:s2] =	stream.indirect.scatter.add.bf16 [tilespmem:s25], [sflag:$0x9], $0x20, s11, s21, $0xb8;
	[tilespmem:$0x1EA60] =	vst v63  }
.Ltmp7:
0x247: {  	_ = 	snop;
	(pc) =	sbr.rel .LBB2_10-.Ltmp7, $4  }
0x248: {  	p0 =	sgt.u32 s9, $0x25;
	_ =	swait.ge [sflag:s17], $0x1000  }
0x249: {  	s12 =	simm.s32 @!p0 $0x80;
	s11 =	sshra.s32 @!p0 s8, $0x2;
	[sflag:s17] =	ssyncset.done $0x0  }
0x24a: {  	s13 =	simm.s32 @!p0 $0x5000;
	s11 =	sadd.s32 @!p0 $0x200, s11;
	[sflag:s17] =	ssyncadd.s32 $0xFFFFF000  }
0x24b: {  	[tilespmem:s13], [sflag:$0x1] =	stream.indirect.gather @!p0 [spmem:s3], $0x20, s11, s12, $0xb8;
	[tilespmem:$0x1EA60] =	vst v63  }
.LBB2_9:
0x24c: {  	_ =	swait.ge [sflag:s29], $0x1000  }
0x24d: {  	[sflag:s29] =	ssyncset.done $0x0  }
0x24e: {  	[sflag:s29] =	ssyncadd.s32 $0xFFFFF000  }
0x24f: {  	[spmem:s2] =	stream.indirect.scatter.add.bf16 [tilespmem:s30], [sflag:$0xB], $0x20, s11, s21, $0xb8;
	[tilespmem:$0x1EA60] =	vst v63  }
.Ltmp8:
0x250: {  	_ = 	snop;
	(pc) =	sbr.rel .LBB2_10-.Ltmp8, $4  }
0x251: {  	p0 =	sgt.u32 s9, $0x25;
	_ =	swait.ge [sflag:s31], $0x1000  }
0x252: {  	s12 =	simm.s32 @!p0 $0x80;
	s11 =	sshra.s32 @!p0 s8, $0x2;
	[sflag:s31] =	ssyncset.done $0x0  }
0x253: {  	s13 =	simm.s32 @!p0 $0x7000;
	s11 =	sadd.s32 @!p0 $0x200, s11;
	[sflag:s31] =	ssyncadd.s32 $0xFFFFF000  }
0x254: {  	[tilespmem:s13], [sflag:$0x3] =	stream.indirect.gather @!p0 [spmem:s3], $0x20, s11, s12, $0xb8;
	[tilespmem:$0x1EA60] =	vst v63  }
.LBB2_6:
0x255: {  	_ =	swait.ge [sflag:s5], $0x1000;
	p0 =	seq.s32 s8, $0x0  }
0x256: {  	[sflag:s5] =	ssyncset.done $0x0;
	p1 =	sgt.u32 @!p0 s9, $0x25  }
0x257: {  	[sflag:s5] =	ssyncadd.s32 $0xFFFFF000;
	p1 =	por p0, !p1  }
0x258: {  	[spmem:s2] =	stream.indirect.scatter.add.bf16 [tilespmem:s22], [sflag:$0x7], $0x20, s11, s21, $0xb8;
	[tilespmem:$0x1EA60] =	vst v63  }
.Ltmp9:
0x259: {  	_ = 	snop;
	(pc) =	sbr.rel @!p1 .LBB2_10-.Ltmp9, $4  }
0x25a: {  	s11 =	simm.s32 @!p0 $0xB  }
0x25b: {  	_ =	swait.ge @!p0 [sflag:s11], $0x1000  }
0x25c: {  	[sflag:s11] =	ssyncset.done @!p0 $0x0  }
0x25d: {  	[sflag:s11] =	ssyncadd.s32 @!p0 $0xFFFFF000  }
0x25e: {  	s11 =	sadd.s32 $0x200, s10  }
0x25f: {  	[tilespmem:s30], [sflag:$0x5] =	stream.indirect.gather [spmem:s3], $0x20, s11, s21, $0xb8;
	[tilespmem:$0x1EA60] =	vst v63  }
.LBB2_10:
0x260: {  	s11 =	sadd.s32 $0x1, s7  }
0x261: {  	s12 =	smul.u32 $0xAB, s11;
	_ =	sdelay $0x1  }
0x262: {  	s12 =	sshrl.u32 s12, $0xA  }
0x263: {  	s12 =	sand.u32 $0x3F, s12  }
0x264: {  	s12 =	smul.u32 $0x6, s12;
	_ =	sdelay $0x1  }
0x265: {  	s11 =	ssub.s32 s11, s12  }
0x266: {  	s12 =	sand.u32 $0xFF, s11  }
0x267: {  	p0 =	seq.s32 s12, $0x5  }
.Ltmp10:
0x268: {  	_ = 	snop;
	(pc) =	sbr.rel @p0 .LBB2_15-.Ltmp10, $2  }
0x269: {  	_ =	sdelay $0x2  }
0x26a: {  	s11 =	sadd.s32 $0x2880, s10  }
0x26b: {  	p0 =	seq.s32 s12, $0x3  }
.Ltmp11:
0x26c: {  	_ = 	snop;
	(pc) =	sbr.rel @!p0 .LBB2_12-.Ltmp11, $1  }
0x26d: {  	_ =	sdelay $0x3  }
0x26e: {  	_ =	swait.ge [sflag:s24], $0x1000  }
0x26f: {  	[sflag:s24] =	ssyncset.done $0x0  }
0x270: {  	[sflag:s24] =	ssyncadd.s32 $0xFFFFF000  }
0x271: {  	[spmem:s2] =	stream.indirect.scatter.add.bf16 [tilespmem:s28], [sflag:$0xA], $0x20, s11, s21, $0xb8;
	[tilespmem:$0x1EA60] =	vst v63  }
.Ltmp12:
0x272: {  	_ = 	snop;
	(pc) =	sbr.rel .LBB2_16-.Ltmp12, $4  }
0x273: {  	p0 =	sgt.u32 s9, $0x25;
	_ =	swait.ge [sflag:s20], $0x1000  }
0x274: {  	s10 =	sshra.s32 @!p0 s8, $0x2;
	s12 =	simm.s32 @!p0 $0x6000;
	[sflag:s20] =	ssyncset.done $0x0  }
0x275: {  	s10 =	sadd.s32 @!p0 $0x280, s10;
	s11 =	simm.s32 @!p0 $0x80;
	[sflag:s20] =	ssyncadd.s32 $0xFFFFF000  }
0x276: {  	[tilespmem:s12], [sflag:$0x2] =	stream.indirect.gather @!p0 [spmem:s3], $0x20, s10, s11, $0xb8;
	[tilespmem:$0x1EA60] =	vst v63  }
.LBB2_12:
0x277: {  	_ =	swait.ge [sflag:s26], $0x1000;
	p0 =	seq.s32 s8, $0x0  }
0x278: {  	[sflag:s26] =	ssyncset.done $0x0;
	p1 =	sgt.u32 @!p0 s9, $0x25  }
0x279: {  	[sflag:s26] =	ssyncadd.s32 $0xFFFFF000;
	p1 =	por p0, !p1  }
0x27a: {  	[spmem:s2] =	stream.indirect.scatter.add.bf16 [tilespmem:s23], [sflag:$0x8], $0x20, s11, s21, $0xb8;
	[tilespmem:$0x1EA60] =	vst v63  }
.Ltmp13:
0x27b: {  	_ = 	snop;
	(pc) =	sbr.rel @!p1 .LBB2_16-.Ltmp13, $4  }
0x27c: {  	s11 =	simm.s32 @!p0 $0xC  }
0x27d: {  	_ =	swait.ge @!p0 [sflag:s11], $0x1000  }
0x27e: {  	[sflag:s11] =	ssyncset.done @!p0 $0x0  }
0x27f: {  	[sflag:s11] =	ssyncadd.s32 @!p0 $0xFFFFF000  }
.Ltmp14:
0x280: {  	(pc) =	sbr.rel .LBB2_16-.Ltmp14, $3  }
0x281: {  	_ =	sdelay $0x1  }
0x282: {  	s10 =	sadd.s32 $0x280, s10  }
0x283: {  	[tilespmem:s0], [sflag:$0x6] =	stream.indirect.gather [spmem:s3], $0x20, s10, s21, $0xb8;
	[tilespmem:$0x1EA60] =	vst v63  }
.LBB2_18:
0x284: {  	_ =	sfence.sel $0x180000  }
0x285: {  	[bflag:$0x0] =	sbarrier.arrive $0xFFFF  }
0x286: {  	_ =	strace $0x9000004A  }
0x287: {  	s0 =	stileid.u32;
	[bflag:$0x2] =	sbarrier.arrive $0xFFFF  }
0x288: {  	p0 =	sne.s32 s0, $0x0;
	s0 =	rddreg [dreg:$0x3]  }
0x289: {  	s0 =	sadd.s32 @!p0 $0x100000, s0  }
0x28a: {  	[sflag:s0] =	ssyncadd.tile.s32 @!p0 $0x1;
	_ =	shalt  }
.Lfunc_end2:
_tile_overlayer_lowered:
.L_overlay_start_2:
0x28b: {  	(tag) =	ssettag $0x2  }
0x28c: {  	s0 =	rddreg [dreg:$0x0];
	s2 =	stileid.u32  }
0x28d: {  	s1 =	rddreg [dreg:$0x1];
	p0 =	sne.s32 s2, $0x0  }
0x28e: {  	s3 =	rddreg [dreg:$0x2];
	[bflag:$0x3] =	sbarrier.arrive $0xFFFF;
	s2 =	simm.s32 @!p0 $0x1C0D  }
0x28f: {  	[timem:s3], [sflag:s2] =	dma.local @!p0 [hbm:s0], s1  }
0x290: {  	s0 =	simm.s32 @!p0 $0xD  }
0x291: {  	_ =	swait.ge @!p0 [sflag:s0], s1  }
0x292: {  	s1 =	ssub.s32 @!p0 $0x0, s1;
	[sflag:s0] =	ssyncset.done @!p0 $0x0  }
0x293: {  	[sflag:s0] =	ssyncadd.s32 @!p0 s1  }
0x294: {  	[bflag:$0x3] =	sbarrier.arrive $0xFFFF  }
0x295: {  	_ =	shalt  }

// kernel: kernel.14.cloned.1.call-start
scs
__scs_entry_jumppad:
0x0: {  	(pc) =	sbr.rel $0x88, $3  }
0x1: {  	(tag) =	ssettag $0x0;
	lr =	simm.s32 $0x1  }
0x2: {  	[smem:$0x3F98] =	sst lr;
	_ =	strace $0xD0000000  }
0x3: {  	_ = 	snop  }
0x4: {  	_ = 	snop  }
0x5: {  	_ = 	snop  }
0x6: {  	_ = 	snop  }
0x7: {  	_ = 	snop  }
__scs_overlays_trampoline_lowered:
0x8: {  	[smem:$0x3FA7] =	sst s0  }
0x9: {  	[smem:$0x3FA8] =	sst s1  }
0xa: {  	[smem:$0x3FA9] =	sst s2  }
0xb: {  	[smem:$0x3FAA] =	sst s3  }
0xc: {  	[smem:$0x3FAB] =	sst s4  }
0xd: {  	[smem:$0x3FAC] =	sst s5  }
0xe: {  	[smem:$0x3FAD] =	sst s6  }
0xf: {  	[smem:$0x3FAE] =	sst s7  }
0x10: {  	[smem:$0x3FAF] =	sst s8  }
0x11: {  	[smem:$0x3FB0] =	sst s9;
	s0 =	simm.s32 @!p0 $0x0  }
0x12: {  	s1 =	sld [smem:$0x3F96];
	s0 =	simm.s32 @p0 $0x1  }
0x13: {  	[smem:$0x3FB1] =	sst s0;
	s0 =	simm.s32 @!p1 $0x0  }
0x14: {  	s2 =	sld [smem:$0x3F95];
	s0 =	simm.s32 @p1 $0x1  }
0x15: {  	[smem:$0x3FB2] =	sst s0;
	s0 =	simm.s32 @!p2 $0x0  }
0x16: {  	s3 =	sld [smem:$0x3FDB];
	s0 =	simm.s32 @p2 $0x1  }
0x17: {  	s4 =	simm.s32 $0x1BF5;
	[smem:$0x3FB4] =	sst s0  }
0x18: {  	s0 =	sld [smem:$0x3F97];
	_ =	swait.ge [sflag:s4], $0x0  }
0x19: {  	s7 =	sld [smem:$0x3F98]  }
0x1a: {  	s8 =	sadd.s32 $0xFFFFE003, lr  }
0x1b: {  	s9 =	sadd.s32 $0xFFFFFEF7, lr;
	s5 =	simm.s32 $0xFFFFFFFF;
	p2 =	slt.u32 s8, $0xFFFFF086  }
0x1c: {  	p1 =	slt.u32 s9, $0xF7A;
	s5 =	simm.s32 @!p2 $0x0  }
0x1d: {  	s5 =	simm.s32 @p1 $0x1;
	p0 =	seq.s32 s7, s2  }
0x1e: {  	s7 =	smul.u32 @!p0 $0xF7A, s2;
	p2 =	seq.s32 @!p0 s5, $0x0  }
0x1f: {  	s9 =	smul.u32 $0xF7A, s1;
	s8 =	simm.s32 @!p0 $0x1BF5;
	p2 =	por !p2, p0  }
0x20: {  	[sflag:s8] =	ssyncset.s32 @!p0 $0xFFFFF086;
	s6 =	sadd.s32 @!p0 s3, s7;
	s7 =	simm.s32 @!p0 $0x108  }
0x21: {  	s3 =	sadd.s32 s3, s9;
	s6 =	sadd.s32 @!p0 $0x88, s6;
	s7 =	simm.s32 @p2 $0x1082  }
0x22: {  	[simem:s7], [sflag:s8] =	dma.local @!p0 [hbm:s6], $0xF7A  }
0x23: {  	s9 =	sor.u32 $0xD0000000, s2;
	s6 =	simm.s32 $0x108;
	_ =	swait.ge @!p0 [sflag:s8], $0x0  }
0x24: {  	s3 =	sadd.s32 $0x88, s3;
	s6 =	simm.s32 @!p1 $0x1082;
	[sflag:s4] =	ssyncset.s32 $0xFFFFF086  }
0x25: {  	[simem:s6], [sflag:s4] =	dma.local [hbm:s3], $0xF7A  }
0x26: {  	[smem:$0x3F98] =	sst s1;
	(tag) =	ssettag s2;
	_ =	strace s9  }
0x27: {  	s1 =	sld [smem:$0x3FA8]  }
0x28: {  	s2 =	sld [smem:$0x3FA9]  }
0x29: {  	s4 =	sld [smem:$0x3FAB]  }
0x2a: {  	p0 =	seq.s32 s5, $0x0;
	s5 =	sld [smem:$0x3FAC]  }
0x2b: {  	s6 =	sld [smem:$0x3FAD]  }
0x2c: {  	s7 =	sld [smem:$0x3FAE]  }
0x2d: {  	s3 =	simm.s32 $0x108;
	s8 =	sld [smem:$0x3FAF]  }
0x2e: {  	s3 =	simm.s32 @!p0 $0x1082;
	s9 =	sld [smem:$0x3FB0]  }
0x2f: {  	lr =	sadd.s32 s0, s3;
	s0 =	sld [smem:$0x3FA7]  }
0x30: {  	s3 =	sld [smem:$0x3FAA]  }
0x31: {  	[smem:$0x3FB3] =	sst s10  }
0x32: {  	s10 =	sld [smem:$0x3FB1];
	_ =	sdelay $0x3  }
0x33: {  	p0 =	seq.s32 s10, $0x1;
	s10 =	sld [smem:$0x3FB3];
	_ =	sdelay $0x3  }
0x34: {  	[smem:$0x3FB3] =	sst s10  }
0x35: {  	s10 =	sld [smem:$0x3FB2];
	_ =	sdelay $0x3  }
0x36: {  	p1 =	seq.s32 s10, $0x1;
	s10 =	sld [smem:$0x3FB3];
	_ =	sdelay $0x3  }
0x37: {  	[smem:$0x3FB3] =	sst s10  }
0x38: {  	s10 =	sld [smem:$0x3FB4]  }
0x39: {  	_ = 	snop;
	(pc) =	sbr.ind lr, $3  }
0x3a: {  	_ = 	snop  }
0x3b: {  	_ = 	snop  }
0x3c: {  	p2 =	seq.s32 s10, $0x1;
	s10 =	sld [smem:$0x3FB3]  }
0x3d: {  	_ =	shalt  }
0x3e: {  	_ =	shalt  }
0x3f: {  	_ =	shalt  }
0x40: {  	_ =	shalt  }
0x41: {  	_ =	shalt  }
0x42: {  	_ =	shalt  }
0x43: {  	_ =	shalt  }
0x44: {  	_ =	shalt  }
0x45: {  	_ =	shalt  }
0x46: {  	_ =	shalt  }
0x47: {  	_ =	shalt  }
0x48: {  	_ =	shalt  }
0x49: {  	_ =	shalt  }
0x4a: {  	_ =	shalt  }
0x4b: {  	_ =	shalt  }
0x4c: {  	_ =	shalt  }
0x4d: {  	_ =	shalt  }
0x4e: {  	_ =	shalt  }
0x4f: {  	_ =	shalt  }
0x50: {  	_ =	shalt  }
0x51: {  	_ =	shalt  }
0x52: {  	_ =	shalt  }
0x53: {  	_ =	shalt  }
0x54: {  	_ =	shalt  }
0x55: {  	_ =	shalt  }
0x56: {  	_ =	shalt  }
0x57: {  	_ =	shalt  }
0x58: {  	_ =	shalt  }
0x59: {  	_ =	shalt  }
0x5a: {  	_ =	shalt  }
0x5b: {  	_ =	shalt  }
0x5c: {  	_ =	shalt  }
0x5d: {  	_ =	shalt  }
0x5e: {  	_ =	shalt  }
0x5f: {  	_ =	shalt  }
0x60: {  	_ =	shalt  }
0x61: {  	_ =	shalt  }
0x62: {  	_ =	shalt  }
0x63: {  	_ =	shalt  }
0x64: {  	_ =	shalt  }
0x65: {  	_ =	shalt  }
0x66: {  	_ =	shalt  }
0x67: {  	_ =	shalt  }
0x68: {  	_ =	shalt  }
0x69: {  	_ =	shalt  }
0x6a: {  	_ =	shalt  }
0x6b: {  	_ =	shalt  }
0x6c: {  	_ =	shalt  }
0x6d: {  	_ =	shalt  }
0x6e: {  	_ =	shalt  }
0x6f: {  	_ =	shalt  }
0x70: {  	_ =	shalt  }
0x71: {  	_ =	shalt  }
0x72: {  	_ =	shalt  }
0x73: {  	_ =	shalt  }
0x74: {  	_ =	shalt  }
0x75: {  	_ =	shalt  }
0x76: {  	_ =	shalt  }
0x77: {  	_ =	shalt  }
0x78: {  	_ =	shalt  }
0x79: {  	_ =	shalt  }
0x7a: {  	_ =	shalt  }
0x7b: {  	_ =	shalt  }
0x7c: {  	_ =	shalt  }
0x7d: {  	_ =	shalt  }
0x7e: {  	_ =	shalt  }
0x7f: {  	_ =	shalt  }
0x80: {  	_ =	shalt  }
0x81: {  	_ =	shalt  }
0x82: {  	_ =	shalt  }
0x83: {  	_ =	shalt  }
0x84: {  	_ =	shalt  }
0x85: {  	_ =	shalt  }
0x86: {  	_ =	shalt  }
0x87: {  	_ =	shalt  }
.Lfunc_end0:
.L_simem_size_0:
called_computation.2_lowered:
.L_overlay_start_0:
0x88: {  	s2 =	sld [smem:$0x3FD9]  }
0x89: {  	s3 =	sld [smem:$0x3FFE];
	_ =	sdelay $0x1  }
0x8a: {  	s1 =	srdreg.scid  }
0x8b: {  	s0 =	sand.u32 $0x1, s1  }
0x8c: {  	s16 =	sshll.u32 s0, $0xA;
	s2 =	sadd.s32 s3, s2  }
0x8d: {  	s2 =	sadd.s32 s2, s16  }
0x8e: {  	[smem:$0x3FBF] =	sst s2  }
0x8f: {  	_ = 	snop  }
0x90: {  	(tm) =	ssettm $0x1  }
0x91: {  	s17 =	sld [smem:$0x3FFB];
	_ =	sdelay $0x3  }
0x92: {  	_ =	strace s17  }
0x93: {  	s2 =	sld [smem:$0x3FFC];
	_ =	sdelay $0x3  }
0x94: {  	_ =	strace s2  }
0x95: {  	s2 =	sld [smem:$0x3FFD];
	_ =	sdelay $0x3  }
0x96: {  	_ =	strace s2  }
0x97: {  	_ =	strace $0x8FFFFFFF  }
0x98: {  	s18 =	sld [smem:$0x3FDB];
	_ =	sdelay $0x1  }
0x99: {  	s19 =	simm.s32 $_scs_section_size  }
0x9a: {  	s4 =	simm.s32 $_size__tile_overlayer_lowered;
	s5 =	simm.s32 $_tile_overlayer_lowered  }
0x9b: {  	s22 =	simm.s32 $0x1BFF;
	s21 =	sshll.u32 s5, $0x1;
	s2 =	sadd.s32 s19, s18  }
0x9c: {  	s6 =	simm.s32 $0x0;
	s20 =	sshll.u32 s4, $0x1;
	s4 =	sadd.s32 s21, s2  }
0x9d: {  	[timem:s6], [sflag:s22] =	dma.local [hbm:s4], s20  }
0x9e: {  	_ =	swait.ge [sflag:s22], s20  }
0x9f: {  	s3 =	ssub.s32 $0x0, s20;
	[sflag:s22] =	ssyncset.done $0x0  }
0xa0: {  	[sflag:s22] =	ssyncadd.s32 s3;
	_ =	sdelay $0x1  }
0xa1: {  	s23 =	simm.s32 $0x1B8B  }
0xa2: {  	_ =	swait.ge [sflag:s23], $0x1  }
0xa3: {  	[sflag:s23] =	ssyncset.done $0x0  }
0xa4: {  	s25 =	simm.s32 $0x1B8E;
	s24 =	sld [smem:$0x3FFE];
	[sflag:s23] =	ssyncadd.s32 $0xFFFFFFFF  }
0xa5: {  	s26 =	simm.s32 $execute0_lowered;
	[smem:$0x3FD2] =	sst s25  }
0xa6: {  	s4 =	sshll.u32 s26, $0x1;
	_ =	strace $0x8000004C;
	[dreg:$0x1] =	wrdreg $0xFFFFFFFF  }
0xa7: {  	s28 =	simm.s32 $_size_execute0_lowered;
	s2 =	sadd.s32 s2, s4;
	[dreg:$0x0] =	wrdreg $0x0  }
0xa8: {  	s4 =	sshll.u32 s28, $0x1;
	[dreg:$0x2] =	wrdreg s2  }
0xa9: {  	[dreg:$0x3] =	wrdreg s4  }
0xaa: {  	[dreg:$0x4] =	wrdreg $0xC0  }
0xab: {  	_ =	task [dreg:s6], $0x5FFFF  }
0xac: {  	[dreg:$0x1] =	wrdreg $0xFFFFFFFF  }
0xad: {  	[dreg:$0x0] =	wrdreg $0x60  }
0xae: {  	[dreg:$0x2] =	wrdreg s24  }
0xaf: {  	[dreg:$0x3] =	wrdreg $0x100000  }
0xb0: {  	[dreg:$0x4] =	wrdreg $0xB0000  }
0xb1: {  	[dreg:$0x5] =	wrdreg $0x9  }
0xb2: {  	_ =	task.clear_ibuf [dreg:s6], $0x6FFFF;
	_ =	strace $0x9000004C  }
0xb3: {  	s29 =	simm.s32 $0x9;
	_ =	strace $0x8000004E  }
0xb4: {  	_ =	swait.ge [sflag:s29], $0x1  }
0xb5: {  	[sflag:s29] =	ssyncadd.s32 $0xFFFFFFFF  }
0xb6: {  	_ =	strace $0x9000004E  }
0xb7: {  	_ =	sfence  }
0xb8: {  	s30 =	sld [smem:$0x0];
	_ =	sdelay $0x2  }
0xb9: {  	s31 =	sshll.u32 s1, $0xD;
	s1 =	sshrl.u32 s1, $0x2  }
0xba: {  	s3 =	sand.u32 $0x4000, s31;
	s1 =	sadd.s32 s1, s30  }
0xbb: {  	s0 =	sor.u32 s3, s0;
	s1 =	sshll.u32 s1, $0x11  }
0xbc: {  	s0 =	sor.u32 s1, s0  }
0xbd: {  	s0 =	sadd.s32 $0x8F2B, s0  }
0xbe: {  	[sflag:s0] =	ssyncadd.remote.s32 $0x1  }
0xbf: {  	_ =	sfence.sel $0xFFFF  }
0xc0: {  	[dreg:$0x0] =	wrdreg $0xFFFFFFFF;
	(pc) =	sbr.abs _section_cstart, $3  }
0xc1: {  	[dreg:$0x1] =	wrdreg $0xFFFFFFFF  }
0xc2: {  	_ =	task.clear_ibuf [dreg:s6], $0x2FFFF;
	_ =	strace $0x9FFFFFFF  }
0xc3: {  	(tm) =	ssettm $0x7FFFFFFF  }
tec
execute0_lowered:
.L_overlay_start_1:
0x0: {  	(tag) =	ssettag $0x1  }
0x1: {  	s0 =	srdreg.scid;
	s5 =	rddreg [dreg:$0x0]  }
0x2: {  	s11 =	stileid.u32;
	s2 =	rddreg [dreg:$0x1]  }
0x3: {  	s3 =	rddreg [dreg:$0x2];
	s4 =	simm.s32 $0x0;
	s13 =	simm.s32 $0xD  }
0x4: {  	s16 =	simm.s32 $0x80;
	s17 =	simm.s32 $0x5000;
	s18 =	simm.s32 $0x6000  }
0x5: {  	s28 =	simm.s32 $0xA000;
	s29 =	simm.s32 $0xA;
	s30 =	simm.s32 $0x7  }
0x6: {  	s31 =	simm.s32 $0x8;
	s15 =	simm.s32 $0x3;
	s19 =	simm.s32 $0x1  }
0x7: {  	s0 =	sand.u32 $0x1, s0;
	s1 =	sshll.u32 s11, $0x1;
	s6 =	smul.u32 $0x9C40, s11  }
0x8: {  	s7 =	smul.u32 $0xA000, s11;
	[smem:$0x7FF] =	sst s4;
	s22 =	sshll.u32 s11, $0x6  }
0x9: {  	s1 =	sor.u32 s0, s1;
	s8 =	smul.u32 $0xA0000, s0;
	_ =	strace $0x8000004D  }
0xa: {  	s0 =	ssub.s32 $0x2, s0;
	s1 =	smul.u32 $0x500, s1;
	s9 =	sshrl.u32 s6, $0x4  }
0xb: {  	s10 =	sshrl.u32 s7, $0x4;
	s20 =	sshrl.u32 s0, $0x1;
	s6 =	sshrl.u32 s6, $0x1  }
0xc: {  	s9 =	sadd.s32 s9, s5;
	s8 =	sadd.s32 s7, s8;
	s10 =	sadd.s32 s10, s5  }
0xd: {  	s0 =	ssub.s32 s0, s20;
	s21 =	sadd.s32 s6, s2;
	s6 =	sor.u32 $0x1C0D, s22  }
0xe: {  	s7 =	sshrl.u32 s7, $0x1;
	s20 =	simm.s32 $0x7000;
	s22 =	simm.s32 $0x8000  }
0xf: {  	s1 =	sadd.s32 s1, s5;
	s8 =	sshrl.u32 s8, $0x4;
	s9 =	sadd.s32 $0xBC00, s9  }
0x10: {  	s7 =	sadd.s32 s7, s3;
	s23 =	sadd.s32 $0x24A00, s10;
	s0 =	smax.u32 s0, $0x1  }
0x11: {  	s26 =	sshrl.u32 s21, $0x3;
	s21 =	simm.s32 $0x0;
	[dreg:$0x4] =	wrdreg s9  }
0x12: {  	s5 =	sadd.s32 s8, s5;
	[dreg:$0x5] =	wrdreg s23;
	s24 =	sadd.s32 $0x2EA00, s1  }
.Ltmp0:
0x13: {  	s1 =	sadd.s32 $0x1C00, s1;
	[dreg:$0x9] =	wrdreg s0;
	(pc) =	sbr.rel .LBB2_1-.Ltmp0, $4  }
0x14: {  	[dreg:$0xa] =	wrdreg s26;
	s14 =	sshrl.u32 s7, $0x3;
	s23 =	simm.s32 $0x5  }
0x15: {  	s26 =	simm.s32 $0x6;
	s0 =	simm.s32 $0x2;
	[dreg:$0x6] =	wrdreg s24  }
0x16: {  	[dreg:$0x7] =	wrdreg s1;
	s25 =	sadd.s32 $0x38A00, s5;
	s24 =	simm.s32 $0x9000  }
0x17: {  	s1 =	simm.s32 $0x4;
	[dreg:$0x8] =	wrdreg s25;
	s25 =	simm.s32 $0x9  }
.LBB2_15:
0x18: {  	_ =	swait.ge [sflag:s30], $0x1000  }
0x19: {  	[sflag:s30] =	ssyncset.done $0x0  }
0x1a: {  	[sflag:s30] =	ssyncadd.s32 $0xFFFFF000  }
0x1b: {  	_ =	swait.ge [sflag:s31], $0x1000  }
0x1c: {  	[sflag:s31] =	ssyncset.done $0x0  }
0x1d: {  	[sflag:s31] =	ssyncadd.s32 $0xFFFFF000  }
0x1e: {  	[bflag:$0x0] =	sbarrier.arrive $0xFFFF  }
0x1f: {  	s5 =	rddreg [dreg:$0x8]  }
0x20: {  	[hbm:s5], [sflag:s6] =	dma.local [spmem:s14], $0xA00  }
0x21: {  	_ =	swait.ge [sflag:s13], $0xA00  }
0x22: {  	s21 =	sadd.s32 $0x1, s21;
	s12 =	rddreg [dreg:$0x9]  }
0x23: {  	p0 =	sne.s32 s21, s12  }
.Ltmp1:
0x24: {  	_ = 	snop;
	(pc) =	sbr.rel @!p0 .LBB2_16-.Ltmp1, $3  }
0x25: {  	_ =	sdelay $0x1  }
0x26: {  	[sflag:s13] =	ssyncset.done $0x0  }
0x27: {  	[sflag:s13] =	ssyncadd.s32 $0xFFFFF600  }
.LBB2_1:
0x28: {  	s5 =	rddreg [dreg:$0x4]  }
0x29: {  	s7 =	rddreg [dreg:$0xa]  }
0x2a: {  	[spmem:s7], [sflag:s6] =	dma.local [hbm:s5], $0x9C4  }
0x2b: {  	_ =	swait.ge [sflag:s13], $0x9C4  }
0x2c: {  	[sflag:s13] =	ssyncset.done $0x0  }
0x2d: {  	s7 =	rddreg [dreg:$0x5];
	[sflag:s13] =	ssyncadd.s32 $0xFFFFF63C  }
0x2e: {  	[spmem:s14], [sflag:s6] =	dma.local [hbm:s7], $0xA00  }
0x2f: {  	_ =	swait.ge [sflag:s13], $0xA00  }
0x30: {  	[sflag:s13] =	ssyncset.done $0x0  }
0x31: {  	s8 =	rddreg [dreg:$0x6];
	[sflag:s13] =	ssyncadd.s32 $0xFFFFF600  }
0x32: {  	[tilespmem:s4], [sflag:$0xD] =	stream.linear.gather [hbm4b:s8+s4], $0x2800, $0x38;
	[tilespmem:$0x14E20] =	vst v63  }
0x33: {  	_ =	swait.ge [sflag:s13], $0x2800  }
0x34: {  	[sflag:s13] =	ssyncset.done $0x0  }
0x35: {  	s10 =	simm.s32 $0x2800;
	s9 =	rddreg [dreg:$0x7];
	[sflag:s13] =	ssyncadd.s32 $0xFFFFD800  }
0x36: {  	[tilespmem:s10], [sflag:$0xD] =	stream.linear.gather [hbm4b:s9+s4], $0x2800, $0x38;
	[tilespmem:$0x14E20] =	vst v63  }
0x37: {  	_ =	swait.ge [sflag:s13], $0x2800  }
0x38: {  	[sflag:s13] =	ssyncset.done $0x0  }
0x39: {  	[sflag:s13] =	ssyncadd.s32 $0xFFFFD800  }
0x3a: {  	[bflag:$0x0] =	sbarrier.arrive $0xFFFF  }
0x3b: {  	[tilespmem:s17], [sflag:$0x1] =	stream.indirect.gather [spmem:s2], $0x20, s4, s16, $0xb8;
	[tilespmem:$0x14E20] =	vst v63  }
0x3c: {  	_ = 	snop  }
0x3d: {  	[tilespmem:s18], [sflag:$0x2] =	stream.indirect.gather [spmem:s2], $0x20, s16, s16, $0xb8;
	[tilespmem:$0x14E20] =	vst v63  }
.Ltmp2:
0x3e: {  	_ = 	snop;
	(pc) =	sbr.rel .LBB2_2-.Ltmp2, $4  }
0x3f: {  	s11 =	simm.s32 $0x100;
	s12 =	simm.s32 $0x180  }
0x40: {  	[tilespmem:s20], [sflag:$0x3] =	stream.indirect.gather [spmem:s2], $0x20, s11, s16, $0xb8;
	[tilespmem:$0x14E20] =	vst v63  }
0x41: {  	s5 =	simm.s32 $0x0;
	s7 =	simm.s32 $0x0;
	s8 =	simm.s32 $0x0  }
0x42: {  	[tilespmem:s22], [sflag:$0x4] =	stream.indirect.gather [spmem:s2], $0x20, s12, s16, $0xb8;
	[tilespmem:$0x14E20] =	vst v63  }
.LBB2_13:
0x43: {  	_ =	swait.ge [sflag:s26], $0x1000  }
0x44: {  	[sflag:s26] =	ssyncset.done $0x0  }
0x45: {  	[sflag:s26] =	ssyncadd.s32 $0xFFFFF000  }
0x46: {  	[spmem:s3] =	stream.indirect.scatter.add.bf16 [tilespmem:s28], [sflag:$0xC], $0x20, s10, s16, $0xb8;
	[tilespmem:$0x14E20] =	vst v63  }
0x47: {  	p0 =	sgt.u32 s8, $0x25;
	_ =	swait.ge [sflag:s29], $0x1000  }
0x48: {  	s9 =	sshra.s32 @!p0 s7, $0x2;
	s11 =	simm.s32 @!p0 $0x8000;
	[sflag:s29] =	ssyncset.done $0x0  }
0x49: {  	s9 =	sadd.s32 @!p0 $0x280, s9;
	s10 =	simm.s32 @!p0 $0x80;
	[sflag:s29] =	ssyncadd.s32 $0xFFFFF000  }
0x4a: {  	[tilespmem:s11], [sflag:$0x4] =	stream.indirect.gather @!p0 [spmem:s2], $0x20, s9, s10, $0xb8;
	[tilespmem:$0x14E20] =	vst v63  }
.LBB2_14:
0x4b: {  	s7 =	sadd.s32 $0x400, s7  }
0x4c: {  	p0 =	sne.s32 s7, $0xA000  }
.Ltmp3:
0x4d: {  	_ = 	snop;
	(pc) =	sbr.rel @!p0 .LBB2_15-.Ltmp3, $2  }
0x4e: {  	_ =	sdelay $0x2  }
0x4f: {  	s8 =	sadd.s32 $0x1, s8;
	s5 =	sadd.s32 $0x2, s5  }
.LBB2_2:
0x50: {  	s9 =	smul.u32 $0xAB, s5;
	_ =	sdelay $0x1  }
0x51: {  	s9 =	sshrl.u32 s9, $0xA  }
0x52: {  	s9 =	sand.u32 $0x3F, s9  }
0x53: {  	s9 =	smul.u32 $0x6, s9;
	_ =	sdelay $0x1  }
0x54: {  	s9 =	ssub.s32 s5, s9  }
0x55: {  	s11 =	sand.u32 $0xFF, s9  }
0x56: {  	p0 =	seq.s32 s11, $0x4  }
.Ltmp4:
0x57: {  	_ = 	snop;
	(pc) =	sbr.rel @p0 .LBB2_7-.Ltmp4, $3  }
0x58: {  	_ =	sdelay $0x1  }
0x59: {  	s9 =	sshra.s32 s7, $0x2  }
0x5a: {  	s10 =	sadd.s32 $0x2800, s9  }
0x5b: {  	p0 =	seq.s32 s11, $0x2  }
.Ltmp5:
0x5c: {  	_ = 	snop;
	(pc) =	sbr.rel @!p0 .LBB2_4-.Ltmp5, $1  }
0x5d: {  	_ =	sdelay $0x3  }
0x5e: {  	_ =	swait.ge [sflag:s15], $0x1000  }
0x5f: {  	[sflag:s15] =	ssyncset.done $0x0  }
0x60: {  	[sflag:s15] =	ssyncadd.s32 $0xFFFFF000  }
0x61: {  	[spmem:s3] =	stream.indirect.scatter.add.bf16 [tilespmem:s20], [sflag:$0x9], $0x20, s10, s16, $0xb8;
	[tilespmem:$0x14E20] =	vst v63  }
.Ltmp6:
0x62: {  	_ = 	snop;
	(pc) =	sbr.rel .LBB2_8-.Ltmp6, $4  }
0x63: {  	p0 =	sgt.u32 s8, $0x25;
	_ =	swait.ge [sflag:s30], $0x1000  }
0x64: {  	s11 =	simm.s32 @!p0 $0x80;
	s10 =	sshra.s32 @!p0 s7, $0x2;
	[sflag:s30] =	ssyncset.done $0x0  }
0x65: {  	s12 =	simm.s32 @!p0 $0x5000;
	s10 =	sadd.s32 @!p0 $0x200, s10;
	[sflag:s30] =	ssyncadd.s32 $0xFFFFF000  }
0x66: {  	[tilespmem:s12], [sflag:$0x1] =	stream.indirect.gather @!p0 [spmem:s2], $0x20, s10, s11, $0xb8;
	[tilespmem:$0x14E20] =	vst v63  }
.LBB2_7:
0x67: {  	_ =	swait.ge [sflag:s23], $0x1000  }
0x68: {  	[sflag:s23] =	ssyncset.done $0x0  }
0x69: {  	[sflag:s23] =	ssyncadd.s32 $0xFFFFF000  }
0x6a: {  	[spmem:s3] =	stream.indirect.scatter.add.bf16 [tilespmem:s24], [sflag:$0xB], $0x20, s10, s16, $0xb8;
	[tilespmem:$0x14E20] =	vst v63  }
.Ltmp7:
0x6b: {  	_ = 	snop;
	(pc) =	sbr.rel .LBB2_8-.Ltmp7, $4  }
0x6c: {  	p0 =	sgt.u32 s8, $0x25;
	_ =	swait.ge [sflag:s25], $0x1000  }
0x6d: {  	s11 =	simm.s32 @!p0 $0x80;
	s10 =	sshra.s32 @!p0 s7, $0x2;
	[sflag:s25] =	ssyncset.done $0x0  }
0x6e: {  	s12 =	simm.s32 @!p0 $0x7000;
	s10 =	sadd.s32 @!p0 $0x200, s10;
	[sflag:s25] =	ssyncadd.s32 $0xFFFFF000  }
0x6f: {  	[tilespmem:s12], [sflag:$0x3] =	stream.indirect.gather @!p0 [spmem:s2], $0x20, s10, s11, $0xb8;
	[tilespmem:$0x14E20] =	vst v63  }
.LBB2_4:
0x70: {  	_ =	swait.ge [sflag:s19], $0x1000;
	p0 =	seq.s32 s7, $0x0  }
0x71: {  	[sflag:s19] =	ssyncset.done $0x0;
	p1 =	sgt.u32 @!p0 s8, $0x25  }
0x72: {  	[sflag:s19] =	ssyncadd.s32 $0xFFFFF000;
	p1 =	por p0, !p1  }
0x73: {  	[spmem:s3] =	stream.indirect.scatter.add.bf16 [tilespmem:s17], [sflag:$0x7], $0x20, s10, s16, $0xb8;
	[tilespmem:$0x14E20] =	vst v63  }
.Ltmp8:
0x74: {  	_ = 	snop;
	(pc) =	sbr.rel @!p1 .LBB2_8-.Ltmp8, $4  }
0x75: {  	s10 =	simm.s32 @!p0 $0xB  }
0x76: {  	_ =	swait.ge @!p0 [sflag:s10], $0x1000  }
0x77: {  	[sflag:s10] =	ssyncset.done @!p0 $0x0  }
0x78: {  	[sflag:s10] =	ssyncadd.s32 @!p0 $0xFFFFF000  }
0x79: {  	s10 =	sadd.s32 $0x200, s9  }
0x7a: {  	[tilespmem:s24], [sflag:$0x5] =	stream.indirect.gather [spmem:s2], $0x20, s10, s16, $0xb8;
	[tilespmem:$0x14E20] =	vst v63  }
.LBB2_8:
0x7b: {  	s10 =	sadd.s32 $0x1, s5  }
0x7c: {  	s11 =	smul.u32 $0xAB, s10;
	_ =	sdelay $0x1  }
0x7d: {  	s11 =	sshrl.u32 s11, $0xA  }
0x7e: {  	s11 =	sand.u32 $0x3F, s11  }
0x7f: {  	s11 =	smul.u32 $0x6, s11;
	_ =	sdelay $0x1  }
0x80: {  	s10 =	ssub.s32 s10, s11  }
0x81: {  	s11 =	sand.u32 $0xFF, s10  }
0x82: {  	p0 =	seq.s32 s11, $0x5  }
.Ltmp9:
0x83: {  	_ = 	snop;
	(pc) =	sbr.rel @p0 .LBB2_13-.Ltmp9, $2  }
0x84: {  	_ =	sdelay $0x2  }
0x85: {  	s10 =	sadd.s32 $0x2880, s9  }
0x86: {  	p0 =	seq.s32 s11, $0x3  }
.Ltmp10:
0x87: {  	_ = 	snop;
	(pc) =	sbr.rel @!p0 .LBB2_10-.Ltmp10, $1  }
0x88: {  	_ =	sdelay $0x3  }
0x89: {  	_ =	swait.ge [sflag:s1], $0x1000  }
0x8a: {  	[sflag:s1] =	ssyncset.done $0x0  }
0x8b: {  	[sflag:s1] =	ssyncadd.s32 $0xFFFFF000  }
0x8c: {  	[spmem:s3] =	stream.indirect.scatter.add.bf16 [tilespmem:s22], [sflag:$0xA], $0x20, s10, s16, $0xb8;
	[tilespmem:$0x14E20] =	vst v63  }
.Ltmp11:
0x8d: {  	_ = 	snop;
	(pc) =	sbr.rel .LBB2_14-.Ltmp11, $4  }
0x8e: {  	p0 =	sgt.u32 s8, $0x25;
	_ =	swait.ge [sflag:s31], $0x1000  }
0x8f: {  	s9 =	sshra.s32 @!p0 s7, $0x2;
	s11 =	simm.s32 @!p0 $0x6000;
	[sflag:s31] =	ssyncset.done $0x0  }
0x90: {  	s9 =	sadd.s32 @!p0 $0x280, s9;
	s10 =	simm.s32 @!p0 $0x80;
	[sflag:s31] =	ssyncadd.s32 $0xFFFFF000  }
0x91: {  	[tilespmem:s11], [sflag:$0x2] =	stream.indirect.gather @!p0 [spmem:s2], $0x20, s9, s10, $0xb8;
	[tilespmem:$0x14E20] =	vst v63  }
.LBB2_10:
0x92: {  	_ =	swait.ge [sflag:s0], $0x1000;
	p0 =	seq.s32 s7, $0x0  }
0x93: {  	[sflag:s0] =	ssyncset.done $0x0;
	p1 =	sgt.u32 @!p0 s8, $0x25  }
0x94: {  	[sflag:s0] =	ssyncadd.s32 $0xFFFFF000;
	p1 =	por p0, !p1  }
0x95: {  	[spmem:s3] =	stream.indirect.scatter.add.bf16 [tilespmem:s18], [sflag:$0x8], $0x20, s10, s16, $0xb8;
	[tilespmem:$0x14E20] =	vst v63  }
.Ltmp12:
0x96: {  	_ = 	snop;
	(pc) =	sbr.rel @!p1 .LBB2_14-.Ltmp12, $4  }
0x97: {  	s10 =	simm.s32 @!p0 $0xC  }
0x98: {  	_ =	swait.ge @!p0 [sflag:s10], $0x1000  }
0x99: {  	[sflag:s10] =	ssyncset.done @!p0 $0x0  }
0x9a: {  	[sflag:s10] =	ssyncadd.s32 @!p0 $0xFFFFF000  }
.Ltmp13:
0x9b: {  	(pc) =	sbr.rel .LBB2_14-.Ltmp13, $3  }
0x9c: {  	_ =	sdelay $0x1  }
0x9d: {  	s9 =	sadd.s32 $0x280, s9  }
0x9e: {  	[tilespmem:s28], [sflag:$0x6] =	stream.indirect.gather [spmem:s2], $0x20, s9, s16, $0xb8;
	[tilespmem:$0x14E20] =	vst v63  }
.LBB2_16:
0x9f: {  	_ =	sfence.sel $0x180000  }
0xa0: {  	[bflag:$0x0] =	sbarrier.arrive $0xFFFF  }
0xa1: {  	_ =	strace $0x9000004D  }
0xa2: {  	s0 =	stileid.u32;
	[bflag:$0x2] =	sbarrier.arrive $0xFFFF  }
0xa3: {  	p0 =	sne.s32 s0, $0x0;
	s0 =	rddreg [dreg:$0x3]  }
0xa4: {  	s0 =	sadd.s32 @!p0 $0x100000, s0  }
0xa5: {  	[sflag:s0] =	ssyncadd.tile.s32 @!p0 $0x1;
	_ =	shalt  }
.Lfunc_end2:
_tile_overlayer_lowered:
.L_overlay_start_2:
0xa6: {  	(tag) =	ssettag $0x2  }
0xa7: {  	s0 =	rddreg [dreg:$0x0];
	s2 =	stileid.u32  }
0xa8: {  	s1 =	rddreg [dreg:$0x1];
	p0 =	sne.s32 s2, $0x0  }
0xa9: {  	s3 =	rddreg [dreg:$0x2];
	[bflag:$0x3] =	sbarrier.arrive $0xFFFF;
	s2 =	simm.s32 @!p0 $0x1C0D  }
0xaa: {  	[timem:s3], [sflag:s2] =	dma.local @!p0 [hbm:s0], s1  }
0xab: {  	s0 =	simm.s32 @!p0 $0xD  }
0xac: {  	_ =	swait.ge @!p0 [sflag:s0], s1  }
0xad: {  	s1 =	ssub.s32 @!p0 $0x0, s1;
	[sflag:s0] =	ssyncset.done @!p0 $0x0  }
0xae: {  	[sflag:s0] =	ssyncadd.s32 @!p0 s1  }
0xaf: {  	[bflag:$0x3] =	sbarrier.arrive $0xFFFF  }
0xb0: {  	_ =	shalt  }

// kernel: kernel.8.cloned.1.call-start
scs
__scs_entry_jumppad:
0x0: {  	(pc) =	sbr.rel $0x88, $3  }
0x1: {  	(tag) =	ssettag $0x0;
	lr =	simm.s32 $0x1  }
0x2: {  	[smem:$0x3F98] =	sst lr;
	_ =	strace $0xD0000000  }
0x3: {  	_ = 	snop  }
0x4: {  	_ = 	snop  }
0x5: {  	_ = 	snop  }
0x6: {  	_ = 	snop  }
0x7: {  	_ = 	snop  }
__scs_overlays_trampoline_lowered:
0x8: {  	[smem:$0x3FA7] =	sst s0  }
0x9: {  	[smem:$0x3FA8] =	sst s1  }
0xa: {  	[smem:$0x3FA9] =	sst s2  }
0xb: {  	[smem:$0x3FAA] =	sst s3  }
0xc: {  	[smem:$0x3FAB] =	sst s4  }
0xd: {  	[smem:$0x3FAC] =	sst s5  }
0xe: {  	[smem:$0x3FAD] =	sst s6  }
0xf: {  	[smem:$0x3FAE] =	sst s7  }
0x10: {  	[smem:$0x3FAF] =	sst s8  }
0x11: {  	[smem:$0x3FB0] =	sst s9;
	s0 =	simm.s32 @!p0 $0x0  }
0x12: {  	s1 =	sld [smem:$0x3F96];
	s0 =	simm.s32 @p0 $0x1  }
0x13: {  	[smem:$0x3FB1] =	sst s0;
	s0 =	simm.s32 @!p1 $0x0  }
0x14: {  	s2 =	sld [smem:$0x3F95];
	s0 =	simm.s32 @p1 $0x1  }
0x15: {  	[smem:$0x3FB2] =	sst s0;
	s0 =	simm.s32 @!p2 $0x0  }
0x16: {  	s3 =	sld [smem:$0x3FDB];
	s0 =	simm.s32 @p2 $0x1  }
0x17: {  	s4 =	simm.s32 $0x1BF5;
	[smem:$0x3FB4] =	sst s0  }
0x18: {  	s0 =	sld [smem:$0x3F97];
	_ =	swait.ge [sflag:s4], $0x0  }
0x19: {  	s7 =	sld [smem:$0x3F98]  }
0x1a: {  	s8 =	sadd.s32 $0xFFFFE003, lr  }
0x1b: {  	s9 =	sadd.s32 $0xFFFFFEF7, lr;
	s5 =	simm.s32 $0xFFFFFFFF;
	p2 =	slt.u32 s8, $0xFFFFF086  }
0x1c: {  	p1 =	slt.u32 s9, $0xF7A;
	s5 =	simm.s32 @!p2 $0x0  }
0x1d: {  	s5 =	simm.s32 @p1 $0x1;
	p0 =	seq.s32 s7, s2  }
0x1e: {  	s7 =	smul.u32 @!p0 $0xF7A, s2;
	p2 =	seq.s32 @!p0 s5, $0x0  }
0x1f: {  	s9 =	smul.u32 $0xF7A, s1;
	s8 =	simm.s32 @!p0 $0x1BF5;
	p2 =	por !p2, p0  }
0x20: {  	[sflag:s8] =	ssyncset.s32 @!p0 $0xFFFFF086;
	s6 =	sadd.s32 @!p0 s3, s7;
	s7 =	simm.s32 @!p0 $0x108  }
0x21: {  	s3 =	sadd.s32 s3, s9;
	s6 =	sadd.s32 @!p0 $0x88, s6;
	s7 =	simm.s32 @p2 $0x1082  }
0x22: {  	[simem:s7], [sflag:s8] =	dma.local @!p0 [hbm:s6], $0xF7A  }
0x23: {  	s9 =	sor.u32 $0xD0000000, s2;
	s6 =	simm.s32 $0x108;
	_ =	swait.ge @!p0 [sflag:s8], $0x0  }
0x24: {  	s3 =	sadd.s32 $0x88, s3;
	s6 =	simm.s32 @!p1 $0x1082;
	[sflag:s4] =	ssyncset.s32 $0xFFFFF086  }
0x25: {  	[simem:s6], [sflag:s4] =	dma.local [hbm:s3], $0xF7A  }
0x26: {  	[smem:$0x3F98] =	sst s1;
	(tag) =	ssettag s2;
	_ =	strace s9  }
0x27: {  	s1 =	sld [smem:$0x3FA8]  }
0x28: {  	s2 =	sld [smem:$0x3FA9]  }
0x29: {  	s4 =	sld [smem:$0x3FAB]  }
0x2a: {  	p0 =	seq.s32 s5, $0x0;
	s5 =	sld [smem:$0x3FAC]  }
0x2b: {  	s6 =	sld [smem:$0x3FAD]  }
0x2c: {  	s7 =	sld [smem:$0x3FAE]  }
0x2d: {  	s3 =	simm.s32 $0x108;
	s8 =	sld [smem:$0x3FAF]  }
0x2e: {  	s3 =	simm.s32 @!p0 $0x1082;
	s9 =	sld [smem:$0x3FB0]  }
0x2f: {  	lr =	sadd.s32 s0, s3;
	s0 =	sld [smem:$0x3FA7]  }
0x30: {  	s3 =	sld [smem:$0x3FAA]  }
0x31: {  	[smem:$0x3FB3] =	sst s10  }
0x32: {  	s10 =	sld [smem:$0x3FB1];
	_ =	sdelay $0x3  }
0x33: {  	p0 =	seq.s32 s10, $0x1;
	s10 =	sld [smem:$0x3FB3];
	_ =	sdelay $0x3  }
0x34: {  	[smem:$0x3FB3] =	sst s10  }
0x35: {  	s10 =	sld [smem:$0x3FB2];
	_ =	sdelay $0x3  }
0x36: {  	p1 =	seq.s32 s10, $0x1;
	s10 =	sld [smem:$0x3FB3];
	_ =	sdelay $0x3  }
0x37: {  	[smem:$0x3FB3] =	sst s10  }
0x38: {  	s10 =	sld [smem:$0x3FB4]  }
0x39: {  	_ = 	snop;
	(pc) =	sbr.ind lr, $3  }
0x3a: {  	_ = 	snop  }
0x3b: {  	_ = 	snop  }
0x3c: {  	p2 =	seq.s32 s10, $0x1;
	s10 =	sld [smem:$0x3FB3]  }
0x3d: {  	_ =	shalt  }
0x3e: {  	_ =	shalt  }
0x3f: {  	_ =	shalt  }
0x40: {  	_ =	shalt  }
0x41: {  	_ =	shalt  }
0x42: {  	_ =	shalt  }
0x43: {  	_ =	shalt  }
0x44: {  	_ =	shalt  }
0x45: {  	_ =	shalt  }
0x46: {  	_ =	shalt  }
0x47: {  	_ =	shalt  }
0x48: {  	_ =	shalt  }
0x49: {  	_ =	shalt  }
0x4a: {  	_ =	shalt  }
0x4b: {  	_ =	shalt  }
0x4c: {  	_ =	shalt  }
0x4d: {  	_ =	shalt  }
0x4e: {  	_ =	shalt  }
0x4f: {  	_ =	shalt  }
0x50: {  	_ =	shalt  }
0x51: {  	_ =	shalt  }
0x52: {  	_ =	shalt  }
0x53: {  	_ =	shalt  }
0x54: {  	_ =	shalt  }
0x55: {  	_ =	shalt  }
0x56: {  	_ =	shalt  }
0x57: {  	_ =	shalt  }
0x58: {  	_ =	shalt  }
0x59: {  	_ =	shalt  }
0x5a: {  	_ =	shalt  }
0x5b: {  	_ =	shalt  }
0x5c: {  	_ =	shalt  }
0x5d: {  	_ =	shalt  }
0x5e: {  	_ =	shalt  }
0x5f: {  	_ =	shalt  }
0x60: {  	_ =	shalt  }
0x61: {  	_ =	shalt  }
0x62: {  	_ =	shalt  }
0x63: {  	_ =	shalt  }
0x64: {  	_ =	shalt  }
0x65: {  	_ =	shalt  }
0x66: {  	_ =	shalt  }
0x67: {  	_ =	shalt  }
0x68: {  	_ =	shalt  }
0x69: {  	_ =	shalt  }
0x6a: {  	_ =	shalt  }
0x6b: {  	_ =	shalt  }
0x6c: {  	_ =	shalt  }
0x6d: {  	_ =	shalt  }
0x6e: {  	_ =	shalt  }
0x6f: {  	_ =	shalt  }
0x70: {  	_ =	shalt  }
0x71: {  	_ =	shalt  }
0x72: {  	_ =	shalt  }
0x73: {  	_ =	shalt  }
0x74: {  	_ =	shalt  }
0x75: {  	_ =	shalt  }
0x76: {  	_ =	shalt  }
0x77: {  	_ =	shalt  }
0x78: {  	_ =	shalt  }
0x79: {  	_ =	shalt  }
0x7a: {  	_ =	shalt  }
0x7b: {  	_ =	shalt  }
0x7c: {  	_ =	shalt  }
0x7d: {  	_ =	shalt  }
0x7e: {  	_ =	shalt  }
0x7f: {  	_ =	shalt  }
0x80: {  	_ =	shalt  }
0x81: {  	_ =	shalt  }
0x82: {  	_ =	shalt  }
0x83: {  	_ =	shalt  }
0x84: {  	_ =	shalt  }
0x85: {  	_ =	shalt  }
0x86: {  	_ =	shalt  }
0x87: {  	_ =	shalt  }
.Lfunc_end0:
.L_simem_size_0:
called_computation_lowered:
.L_overlay_start_0:
0x88: {  	s2 =	sld [smem:$0x3FD9]  }
0x89: {  	s3 =	sld [smem:$0x3FFE];
	_ =	sdelay $0x1  }
0x8a: {  	s1 =	srdreg.scid  }
0x8b: {  	s0 =	sand.u32 $0x1, s1  }
0x8c: {  	s17 =	sshll.u32 s0, $0xA;
	s2 =	sadd.s32 s3, s2  }
0x8d: {  	s2 =	sadd.s32 s2, s17  }
0x8e: {  	[smem:$0x3FBF] =	sst s2  }
0x8f: {  	_ = 	snop  }
0x90: {  	s2 =	sld [smem:$0x3FD0];
	(tm) =	ssettm $0x1  }
0x91: {  	s18 =	sld [smem:$0x3FFB];
	_ =	sdelay $0x3  }
0x92: {  	_ =	strace s18  }
0x93: {  	s3 =	sld [smem:$0x3FFC];
	_ =	sdelay $0x3  }
0x94: {  	_ =	strace s3  }
0x95: {  	s3 =	sld [smem:$0x3FFD];
	_ =	sdelay $0x3  }
0x96: {  	_ =	strace s3  }
0x97: {  	_ =	strace $0x8FFFFFFF  }
0x98: {  	s19 =	sld [smem:$0x3FDB];
	_ =	sdelay $0x1  }
0x99: {  	s4 =	simm.s32 $_scs_section_size  }
0x9a: {  	s5 =	simm.s32 $_size__tile_overlayer_lowered;
	s6 =	simm.s32 $_tile_overlayer_lowered  }
0x9b: {  	s22 =	simm.s32 $0x1BFF;
	s21 =	sshll.u32 s6, $0x1;
	s3 =	sadd.s32 s4, s19  }
0x9c: {  	s7 =	simm.s32 $0x0;
	s20 =	sshll.u32 s5, $0x1;
	s5 =	sadd.s32 s21, s3  }
0x9d: {  	[timem:s7], [sflag:s22] =	dma.local [hbm:s5], s20  }
0x9e: {  	_ =	swait.ge [sflag:s22], s20  }
0x9f: {  	s4 =	ssub.s32 $0x0, s20;
	[sflag:s22] =	ssyncset.done $0x0  }
0xa0: {  	[sflag:s22] =	ssyncadd.s32 s4;
	_ =	sdelay $0x1  }
0xa1: {  	s23 =	simm.s32 $0x1B8B  }
0xa2: {  	_ =	swait.ge [sflag:s23], $0x1  }
0xa3: {  	[sflag:s23] =	ssyncset.done $0x0  }
0xa4: {  	s25 =	simm.s32 $0x1B8E;
	s24 =	sld [smem:$0x3FFE];
	[sflag:s23] =	ssyncadd.s32 $0xFFFFFFFF  }
0xa5: {  	s26 =	simm.s32 $execute0_lowered;
	[smem:$0x3FD2] =	sst s25  }
0xa6: {  	s5 =	sshll.u32 s26, $0x1;
	_ =	strace $0x80000046;
	[dreg:$0x1] =	wrdreg $0xFFFFFFFF  }
0xa7: {  	s28 =	simm.s32 $_size_execute0_lowered;
	s3 =	sadd.s32 s3, s5;
	[dreg:$0x0] =	wrdreg $0x0  }
0xa8: {  	s5 =	sshll.u32 s28, $0x1;
	[dreg:$0x2] =	wrdreg s3  }
0xa9: {  	[dreg:$0x3] =	wrdreg s5  }
0xaa: {  	[dreg:$0x4] =	wrdreg $0xC0  }
0xab: {  	_ =	task [dreg:s7], $0x5FFFF  }
0xac: {  	[dreg:$0x1] =	wrdreg $0xFFFFFFFF  }
0xad: {  	[dreg:$0x0] =	wrdreg $0x60  }
0xae: {  	[dreg:$0x2] =	wrdreg s24  }
0xaf: {  	[dreg:$0x3] =	wrdreg s2  }
0xb0: {  	[dreg:$0x4] =	wrdreg $0x30000  }
0xb1: {  	[dreg:$0x5] =	wrdreg $0x9  }
0xb2: {  	_ =	task.clear_ibuf [dreg:s7], $0x6FFFF;
	_ =	strace $0x90000046  }
0xb3: {  	s29 =	simm.s32 $0x9;
	_ =	strace $0x80000048  }
0xb4: {  	_ =	swait.ge [sflag:s29], $0x1  }
0xb5: {  	[sflag:s29] =	ssyncadd.s32 $0xFFFFFFFF  }
0xb6: {  	_ =	strace $0x90000048  }
0xb7: {  	_ =	sfence  }
0xb8: {  	s30 =	sld [smem:$0x0];
	_ =	sdelay $0x2  }
0xb9: {  	s31 =	sshll.u32 s1, $0xD;
	s1 =	sshrl.u32 s1, $0x2  }
0xba: {  	s3 =	sand.u32 $0x4000, s31;
	s1 =	sadd.s32 s1, s30  }
0xbb: {  	s0 =	sor.u32 s3, s0;
	s1 =	sshll.u32 s1, $0x11  }
0xbc: {  	s0 =	sor.u32 s1, s0  }
0xbd: {  	s0 =	sadd.s32 $0x8F2B, s0  }
0xbe: {  	[sflag:s0] =	ssyncadd.remote.s32 $0x1  }
0xbf: {  	_ =	sfence.sel $0xFFFF  }
0xc0: {  	[dreg:$0x0] =	wrdreg $0xFFFFFFFF;
	(pc) =	sbr.abs _section_cstart, $3  }
0xc1: {  	[dreg:$0x1] =	wrdreg $0xFFFFFFFF  }
0xc2: {  	_ =	task.clear_ibuf [dreg:s7], $0x2FFFF;
	_ =	strace $0x9FFFFFFF  }
0xc3: {  	(tm) =	ssettm $0x7FFFFFFF  }
tec
execute0_lowered:
.L_overlay_start_1:
0x0: {  	(tag) =	ssettag $0x1  }
0x1: {  	s5 =	rddreg [dreg:$0x0]  }
0x2: {  	s1 =	srdreg.scid;
	s2 =	rddreg [dreg:$0x1]  }
0x3: {  	s0 =	stileid.u32;
	s3 =	rddreg [dreg:$0x2];
	s4 =	simm.s32 $0x0  }
0x4: {  	s13 =	simm.s32 $0x80;
	s14 =	simm.s32 $0x0;
	s6 =	sand.u32 $0x1, s1  }
0x5: {  	s30 =	sshll.u32 s0, $0x1;
	s8 =	smul.u32 $0x2800, s0;
	[smem:$0x7FF] =	sst s4  }
0x6: {  	s31 =	sshll.u32 s0, $0x6;
	s1 =	sor.u32 s6, s30;
	s9 =	smul.u32 $0x28000, s6  }
0x7: {  	s6 =	ssub.s32 $0x2, s6;
	s7 =	smul.u32 $0x500, s1;
	s1 =	rddreg [dreg:$0x3]  }
0x8: {  	_ =	strace $0x80000047;
	s10 =	sshrl.u32 s8, $0x3;
	s11 =	sshrl.u32 s6, $0x1  }
0x9: {  	s12 =	sadd.s32 s8, s3;
	s9 =	sadd.s32 s8, s9;
	s10 =	sadd.s32 s10, s5  }
0xa: {  	s11 =	ssub.s32 s6, s11;
	s6 =	sor.u32 $0x1C01, s31;
	s9 =	sshrl.u32 s9, $0x3  }
0xb: {  	s7 =	sadd.s32 s7, s5;
	s9 =	sadd.s32 s9, s5;
	s5 =	sadd.s32 $0xBC00, s10  }
0xc: {  	s7 =	sadd.s32 $0x1C00, s7;
	s10 =	sshrl.u32 s12, $0x3;
	s12 =	simm.s32 $0x2800  }
0xd: {  	s8 =	sadd.s32 $0x10C00, s9;
	s9 =	smax.u32 s11, $0x1;
	s11 =	simm.s32 $0x1  }
.LBB2_1:
0xe: {  	[spmem:s10], [sflag:s6] =	dma.local [hbm:s5], $0x500  }
0xf: {  	_ =	swait.ge [sflag:s11], $0x500  }
0x10: {  	[sflag:s11] =	ssyncset.done $0x0  }
0x11: {  	[sflag:s11] =	ssyncadd.s32 $0xFFFFFB00  }
0x12: {  	[tilespmem:s12], [sflag:$0x1] =	stream.linear.gather [hbm4b:s2+s4], $0x800, $0x38;
	[tilespmem:$0x5800] =	vst v63  }
0x13: {  	_ =	swait.ge [sflag:s11], $0x800  }
0x14: {  	[sflag:s11] =	ssyncset.done $0x0  }
0x15: {  	[sflag:s11] =	ssyncadd.s32 $0xFFFFF800  }
0x16: {  	[tilespmem:s4], [sflag:$0x1] =	stream.linear.gather [hbm4b:s7+s4], $0x2800, $0x38;
	[tilespmem:$0x5800] =	vst v63  }
0x17: {  	_ =	swait.ge [sflag:s11], $0x2800  }
0x18: {  	[sflag:s11] =	ssyncset.done $0x0  }
0x19: {  	[sflag:s11] =	ssyncadd.s32 $0xFFFFD800  }
0x1a: {  	s15 =	simm.s32 $0x0;
	[bflag:$0x0] =	sbarrier.arrive $0xFFFF  }
0x1b: {  	[spmem:s3] =	stream.indirect.scatter.add.f32 [tilespmem:s12], [sflag:$0x1], $0x10, s15, s13, $0xb8;
	[tilespmem:$0x5800] =	vst v63  }
0x1c: {  	_ =	swait.ge [sflag:s11], $0x800  }
0x1d: {  	s15 =	simm.s32 $0x200;
	[sflag:s11] =	ssyncset.done $0x0  }
.LBB2_2:
0x1e: {  	s16 =	sshra.s32 s15, $0x2;
	[sflag:s11] =	ssyncadd.s32 $0xFFFFF800;
	p0 =	sne.s32 s15, $0x9E00  }
0x1f: {  	[spmem:s3] =	stream.indirect.scatter.add.f32 [tilespmem:s12], [sflag:$0x1], $0x10, s16, s13, $0xb8;
	[tilespmem:$0x5800] =	vst v63  }
.Ltmp0:
0x20: {  	_ = 	snop;
	(pc) =	sbr.rel @p0 .LBB2_2-.Ltmp0, $4  }
0x21: {  	_ = 	snop  }
0x22: {  	s15 =	sadd.s32 $0x200, s15  }
0x23: {  	_ =	swait.ge [sflag:s11], $0x800  }
0x24: {  	[sflag:s11] =	ssyncset.done $0x0  }
0x25: {  	s14 =	sadd.s32 $0x1, s14  }
0x26: {  	[sflag:s11] =	ssyncadd.s32 $0xFFFFF800;
	p0 =	sne.s32 s14, s9  }
.Ltmp1:
0x27: {  	[bflag:$0x0] =	sbarrier.arrive $0xFFFF;
	(pc) =	sbr.rel @p0 .LBB2_1-.Ltmp1, $4  }
0x28: {  	[hbm:s8], [sflag:s6] =	dma.local [spmem:s10], $0x500  }
0x29: {  	_ =	swait.ge [sflag:s11], $0x500  }
0x2a: {  	[sflag:s11] =	ssyncset.done $0x0  }
0x2b: {  	[sflag:s11] =	ssyncadd.s32 $0xFFFFFB00  }
0x2c: {  	_ =	sfence.sel $0x180000  }
0x2d: {  	[bflag:$0x0] =	sbarrier.arrive $0xFFFF  }
0x2e: {  	p0 =	sne.s32 s0, $0x0;
	_ =	strace $0x90000047  }
0x2f: {  	s0 =	sadd.s32 @!p0 $0x100000, s1;
	[bflag:$0x2] =	sbarrier.arrive $0xFFFF  }
0x30: {  	[sflag:s0] =	ssyncadd.tile.s32 @!p0 $0x1;
	_ =	shalt  }
.Lfunc_end2:
_tile_overlayer_lowered:
.L_overlay_start_2:
0x31: {  	(tag) =	ssettag $0x2  }
0x32: {  	s0 =	rddreg [dreg:$0x0];
	s2 =	stileid.u32  }
0x33: {  	s1 =	rddreg [dreg:$0x1];
	p0 =	sne.s32 s2, $0x0  }
0x34: {  	s3 =	rddreg [dreg:$0x2];
	[bflag:$0x3] =	sbarrier.arrive $0xFFFF;
	s2 =	simm.s32 @!p0 $0x1C01  }
0x35: {  	[timem:s3], [sflag:s2] =	dma.local @!p0 [hbm:s0], s1  }
0x36: {  	s0 =	simm.s32 @!p0 $0x1  }
0x37: {  	_ =	swait.ge @!p0 [sflag:s0], s1  }
0x38: {  	s1 =	ssub.s32 @!p0 $0x0, s1;
	[sflag:s0] =	ssyncset.done @!p0 $0x0  }
0x39: {  	[sflag:s0] =	ssyncadd.s32 @!p0 s1  }
0x3a: {  	[bflag:$0x3] =	sbarrier.arrive $0xFFFF  }
0x3b: {  	_ =	shalt  }

</sc_bundles>
